<compile_context>
chip_gen: v7x
topology: tpu7x:2x2x1
jax: 0.10.2.dev20260603
libtpu: 0.0.44.dev20260713+nightly
codegen_flags: <defaults>
</compile_context>

<pallas_src>
import functools

import jax
import jax.numpy as jnp
from jax import lax
from jax.experimental import pallas as pl
from jax.experimental.pallas import tpu as pltpu
from jax.experimental.pallas import tpu_sc as plsc

N = 10000
D = 128
E = 320000

NC, NS = 2, 16
NW = NC * NS
CHUNK = 128
K_DEG = (80, 80)
K_SEG = (80, 80)
CH_TOT = NS * (K_SEG[0] + K_SEG[1])
E_PAD = CH_TOT * CHUNK
N_PAD = 10240
RPS = N_PAD // NS
SUPER = 16

_mesh = plsc.VectorSubcoreMesh(
    core_axis_name="c", subcore_axis_name="s", num_cores=NC, num_subcores=NS
)


def _core_span(c, s, k_pair):
    k0, k1 = k_pair
    base = jnp.where(c == 0, s * k0, NS * k0 + s * k1)
    nsup = jnp.where(c == 0, k0 // SUPER, k1 // SUPER)
    return base, nsup


def _fill(buf, value):
    v = jnp.full((16,), value, jnp.float32)

    @pl.loop(0, CHUNK)
    def _rows(r):
        for b in range(D // 16):
            buf[r, pl.ds(b * 16, 16)] = v


@functools.partial(
    pl.kernel,
    out_type=jax.ShapeDtypeStruct((NC, N_PAD, D), jnp.float32),
    mesh=_mesh,
    scratch_types=[
        pltpu.VMEM((SUPER, 2, CHUNK), jnp.int32),
        pltpu.VMEM((CHUNK, D), jnp.float32),
        pltpu.VMEM_SHARED((N_PAD, D), jnp.float32),
    ],
)
def _sc_degree(edges, out, idx_v, ones_v, acc):
    c = lax.axis_index("c")
    s = lax.axis_index("s")
    base, nsup = _core_span(c, s, K_DEG)
    _fill(ones_v, 0.0)
    for k in range(RPS // CHUNK):
        pltpu.sync_copy(ones_v, acc.at[pl.ds(s * RPS + k * CHUNK, CHUNK)])
    _fill(ones_v, 1.0)
    plsc.subcore_barrier()

    @pl.loop(0, nsup)
    def _super(sb):
        pltpu.sync_copy(edges.at[pl.ds(base + sb * SUPER, SUPER)], idx_v)

        @pl.loop(0, SUPER)
        def _count(j):
            pltpu.sync_copy(ones_v, acc.at[idx_v.at[j, 1]], add=True)

    plsc.subcore_barrier()
    for k in range(RPS // CHUNK):
        pltpu.sync_copy(
            acc.at[pl.ds(s * RPS + k * CHUNK, CHUNK)],
            out.at[c].at[pl.ds(s * RPS + k * CHUNK, CHUNK)],
        )


@functools.partial(
    pl.kernel,
    out_type=jax.ShapeDtypeStruct((NC, N_PAD, D), jnp.float32),
    mesh=_mesh,
    scratch_types=[
        pltpu.VMEM((SUPER, 2, CHUNK), jnp.int32),
        pltpu.VMEM((CHUNK, D), jnp.float32),
        pltpu.VMEM((CHUNK, D), jnp.float32),
        pltpu.VMEM_SHARED((N_PAD, D), jnp.float32),
        pltpu.SemaphoreType.DMA,
        pltpu.SemaphoreType.DMA,
    ],
)
def _sc_segsum(hp, edges, zeros_hbm, out, idx_v, buf0, buf1, acc, sem0, sem1):
    c = lax.axis_index("c")
    s = lax.axis_index("s")
    base, nsup = _core_span(c, s, K_SEG)
    pltpu.sync_copy(zeros_hbm, buf0)
    for k in range(RPS // CHUNK):
        pltpu.sync_copy(buf0, acc.at[pl.ds(s * RPS + k * CHUNK, CHUNK)])
    plsc.subcore_barrier()

    bufs = (buf0, buf1)
    sems = (sem0, sem1)

    @pl.loop(0, nsup)
    def _super(sb):
        pltpu.sync_copy(edges.at[pl.ds(base + sb * SUPER, SUPER)], idx_v)
        pltpu.async_copy(hp.at[idx_v.at[0, 0]], buf0, sem0)
        pltpu.async_copy(hp.at[idx_v.at[1, 0]], buf1, sem1)

        @pl.loop(0, SUPER, step=2)
        def _chunks(g):
            for b in range(2):
                j = g + b
                pltpu.make_async_copy(hp.at[idx_v.at[j, 0]], bufs[b], sems[b]).wait()
                pltpu.sync_copy(bufs[b], acc.at[idx_v.at[j, 1]], add=True)

                @pl.when(j + 2 < SUPER)
                def _next():
                    pltpu.async_copy(hp.at[idx_v.at[j + 2, 0]], bufs[b], sems[b])

    plsc.subcore_barrier()
    for k in range(RPS // CHUNK):
        pltpu.sync_copy(
            acc.at[pl.ds(s * RPS + k * CHUNK, CHUNK)],
            out.at[c].at[pl.ds(s * RPS + k * CHUNK, CHUNK)],
        )


def _tc_mm_body(x_ref, w_ref, h_ref):
    h_ref[...] = lax.dot_general(
        x_ref[...], w_ref[...], (((1,), (1,)), ((), ())),
        preferred_element_type=jnp.float32,
    )


_tc_mm = pl.pallas_call(
    _tc_mm_body, out_shape=jax.ShapeDtypeStruct((N, D), jnp.float32)
)


def _tc_scale_body(h_ref, deg_ref, hp_ref):
    cnt = deg_ref[0, :N, 0:1] + deg_ref[1, :N, 0:1] + 1.0
    hp_ref[...] = h_ref[...] * lax.rsqrt(cnt)


_tc_scale = pl.pallas_call(
    _tc_scale_body, out_shape=jax.ShapeDtypeStruct((N, D), jnp.float32)
)


def _combine_bn_relu(acc_ref, hp_ref, deg_ref, b_ref, g_ref, be_ref):
    cnt = deg_ref[0, :N, 0:1] + deg_ref[1, :N, 0:1] + 1.0
    dinv = lax.rsqrt(cnt)
    ssum = acc_ref[0, :N, :] + acc_ref[1, :N, :] + hp_ref[...]
    z = ssum * dinv + b_ref[...]
    mu = jnp.mean(z, axis=0, keepdims=True)
    d = z - mu
    var = jnp.mean(d * d, axis=0, keepdims=True)
    h = d * lax.rsqrt(var + 1e-5) * g_ref[...] + be_ref[...]
    return jnp.maximum(h, 0.0), dinv


def _tc_mid_body(acc_ref, hp_ref, deg_ref, b_ref, g_ref, be_ref, w_ref, out_ref):
    h, dinv = _combine_bn_relu(acc_ref, hp_ref, deg_ref, b_ref, g_ref, be_ref)
    h2 = lax.dot_general(
        h, w_ref[...], (((1,), (1,)), ((), ())), preferred_element_type=jnp.float32
    )
    out_ref[...] = h2 * dinv


_tc_mid = pl.pallas_call(
    _tc_mid_body, out_shape=jax.ShapeDtypeStruct((N, D), jnp.float32)
)


def _tc_fin_body(acc_ref, hp_ref, deg_ref, b_ref, g_ref, be_ref, out_ref):
    h, _ = _combine_bn_relu(acc_ref, hp_ref, deg_ref, b_ref, g_ref, be_ref)
    out_ref[...] = h


_tc_fin = pl.pallas_call(
    _tc_fin_body, out_shape=jax.ShapeDtypeStruct((N, D), jnp.float32)
)


def kernel(x, edge_index, W1, b1, W2, b2, g1, be1, g2, be2):
    rows = edge_index[0]
    cols = edge_index[1]
    padlen = E_PAD - E
    pad_cols = N + jnp.arange(padlen, dtype=jnp.int32) % (N_PAD - N)
    rows_p = jnp.concatenate(
        [rows, jnp.zeros((padlen,), jnp.int32)]).reshape(CH_TOT, CHUNK)
    cols_p = jnp.concatenate([cols, pad_cols]).reshape(CH_TOT, CHUNK)
    edges_p = jnp.stack([rows_p, cols_p], axis=1)

    zeros_row = jnp.zeros((CHUNK, D), jnp.float32)

    h1 = _tc_mm(x, W1)
    deg = _sc_degree(edges_p)
    h1p = _tc_scale(h1, deg)
    acc1 = _sc_segsum(h1p, edges_p, zeros_row)
    b1r, g1r, be1r = b1.reshape(1, D), g1.reshape(1, D), be1.reshape(1, D)
    b2r, g2r, be2r = b2.reshape(1, D), g2.reshape(1, D), be2.reshape(1, D)
    h2p = _tc_mid(acc1, h1p, deg, b1r, g1r, be1r, W2)
    acc2 = _sc_segsum(h2p, edges_p, zeros_row)
    return _tc_fin(acc2, h2p, deg, b2r, g2r, be2r)

# --- scband reference (transcript-rebuilt; emitter-appended) ---
"""Pipeline reference for scband-encoder-31069793419699 (READ-ONLY COPY).

The authoritative reference and input builder live on the scoring server;
editing this copy changes nothing except your own understanding.
"""

import jax, jax.numpy as jnp
import numpy as np

N = 10000
E = 320000
D_IN = 128
D_HID = 128
D_OUT = 128


def setup_inputs(seed: int = 0) -> dict:
    key = jax.random.key(seed)
    ks = jax.random.split(key, 10)
    x = jax.random.normal(ks[0], (N, D_IN), dtype=jnp.float32)
    edge_index = jax.random.randint(ks[1], (2, E), 0, N, dtype=jnp.int32)
    # GCNConv layer 1 params (lin has no bias; bias added after aggregation)
    s1 = 1.0 / np.sqrt(D_IN)
    W1 = jax.random.uniform(ks[2], (D_HID, D_IN), dtype=jnp.float32, minval=-s1, maxval=s1)
    b1 = jnp.zeros((D_HID,), dtype=jnp.float32)
    # GCNConv layer 2 params
    s2 = 1.0 / np.sqrt(D_HID)
    W2 = jax.random.uniform(ks[3], (D_OUT, D_HID), dtype=jnp.float32, minval=-s2, maxval=s2)
    b2 = jnp.zeros((D_OUT,), dtype=jnp.float32)
    # BatchNorm params
    g1 = jnp.ones((D_HID,), dtype=jnp.float32)
    be1 = jnp.zeros((D_HID,), dtype=jnp.float32)
    g2 = jnp.ones((D_OUT,), dtype=jnp.float32)
    be2 = jnp.zeros((D_OUT,), dtype=jnp.float32)
    return {"x": x, "edge_index": edge_index, "W1": W1, "b1": b1, "W2": W2, "b2": b2, "g1": g1, "be1": be1, "g2": g2, "be2": be2}


def gcn_conv(x, edge_index, W, b):
    n = x.shape[0]
    row, col = edge_index[0], edge_index[1]
    loop = jnp.arange(n, dtype=row.dtype)
    row = jnp.concatenate([row, loop])
    col = jnp.concatenate([col, loop])
    w = jnp.ones(row.shape[0], dtype=x.dtype)
    deg = jax.ops.segment_sum(w, col, num_segments=n)
    dinv = jnp.where(deg > 0, 1.0 / jnp.sqrt(deg), 0.0)
    norm = dinv[row] * w * dinv[col]
    h = x @ W.T
    msg = h[row] * norm[:, None]
    out = jax.ops.segment_sum(msg, col, num_segments=n)
    return out + b


def batch_norm(x, gamma, beta, eps=1e-5):
    mu = jnp.mean(x, axis=0)
    var = jnp.var(x, axis=0)
    return (x - mu) / jnp.sqrt(var + eps) * gamma + beta


def reference(x, edge_index, W1, b1, W2, b2, g1, be1, g2, be2):
    # Layer 1: GCNConv (act=None inside GNN) -> BatchNorm -> relu
    h = gcn_conv(x, edge_index, W1, b1)
    h = batch_norm(h, g1, be1)
    h = jax.nn.relu(h)
    # dropout omitted (eval / deterministic)
    # Layer 2: GCNConv -> BatchNorm -> relu
    h = gcn_conv(h, edge_index, W2, b2)
    h = batch_norm(h, g2, be2)
    h = jax.nn.relu(h)
    return h

if __name__ == "__main__":
    import jax
    _d = setup_inputs()
    print(jax.jit(kernel)(*tuple(_d.values())))

</pallas_src>

<mosaic_0001>
#map = affine_map<(d0, d1) -> (0, 0)>
#map1 = affine_map<(d0, d1) -> (0, 0, 0)>
module attributes {stable_mosaic.version = 14 : i64} {
  func.func @_sc_segsum(%arg0: i32, %arg1: i32, %arg2: memref<10000x128xf32, #tpu.memory_space<hbm>>, %arg3: memref<2560x2x128xi32, #tpu.memory_space<hbm>>, %arg4: memref<128x128xf32, #tpu.memory_space<hbm>>, %arg5: memref<2x10240x128xf32, #tpu.memory_space<hbm>>, %arg6: memref<16x2x128xi32, #tpu.memory_space<vmem>>, %arg7: memref<128x128xf32, #tpu.memory_space<vmem>>, %arg8: memref<128x128xf32, #tpu.memory_space<vmem>>, %arg9: memref<10240x128xf32, #tpu.memory_space<vmem_shared>>, %arg10: memref<!tpu.dma_semaphore, #tpu.memory_space<semaphore_mem>>, %arg11: memref<!tpu.dma_semaphore, #tpu.memory_space<semaphore_mem>>) attributes {dimension_semantics = [#tpu.dimension_semantics<core_parallel>, #tpu.dimension_semantics<subcore_parallel>], iteration_bounds = array<i64: 2, 16>, scalar_prefetch = 0 : i64, scratch_operands = 6 : i64, tpu.core_type = #tpu.core_type<sc_vector_subcore>, window_params = [{transform_indices = #map}, {transform_indices = #map1}, {transform_indices = #map}, {transform_indices = #map1}]} {
    %eq3A = arith.constant 0 : i32
    %eq3A_0 = arith.cmpi eq, %arg0, %eq3A : i32
    %mul3A = arith.constant 80 : i32
    %mul3A_1 = arith.muli %arg1, %mul3A : i32
    %mul3A_2 = arith.constant 80 : i32
    %mul3A_3 = arith.muli %arg1, %mul3A_2 : i32
    %add3A = arith.constant 1280 : i32
    %add3A_4 = arith.addi %add3A, %mul3A_3 : i32
    %select_n3A = arith.select %eq3A_0, %mul3A_1, %add3A_4 : i32
    %eq3A_5 = arith.constant 0 : i32
    %eq3A_6 = arith.cmpi eq, %arg0, %eq3A_5 : i32
    %jit3A = arith.constant 5 : i32
    %jit3A_7 = arith.constant 5 : i32
    %select_n3A_8 = arith.select %eq3A_6, %jit3A, %jit3A_7 : i32
    "tpu.region"() ({
      %run_scoped3A = tpu.sem_alloc : memref<!tpu.dma_semaphore, #tpu.memory_space<semaphore_mem>>
      tpu.enqueue_dma source(%arg4 : memref<128x128xf32, #tpu.memory_space<hbm>>) target(%arg7 : memref<128x128xf32, #tpu.memory_space<vmem>>) target_semaphore(%run_scoped3A : memref<!tpu.dma_semaphore, #tpu.memory_space<semaphore_mem>>)
      tpu.wait_dma2 semaphore(%run_scoped3A : memref<!tpu.dma_semaphore, #tpu.memory_space<semaphore_mem>>) src(%arg4 : memref<128x128xf32, #tpu.memory_space<hbm>>) dst(%arg7 : memref<128x128xf32, #tpu.memory_space<vmem>>)
      tpu.yield
    }) : () -> ()
    %mul3A_9 = arith.constant 640 : i32
    %mul3A_10 = arith.muli %arg1, %mul3A_9 : i32
    %add3A_11 = arith.constant 0 : i32
    %add3A_12 = arith.addi %mul3A_10, %add3A_11 : i32
    "tpu.region"() ({
      %run_scoped3A = tpu.sem_alloc : memref<!tpu.dma_semaphore, #tpu.memory_space<semaphore_mem>>
      %dma_start3A = arith.constant 0 : i32
      %dma_start3A_86 = tpu.memref_slice %arg9[%add3A_12, %dma_start3A] : memref<10240x128xf32, #tpu.memory_space<vmem_shared>> -> memref<128x128xf32, #tpu.memory_space<vmem_shared>>
      %dma_start3A_87 = arith.constant 0 : i32
      %dma_start3A_88 = tpu.memref_slice %arg9[%add3A_12, %dma_start3A_87] : memref<10240x128xf32, #tpu.memory_space<vmem_shared>> -> memref<128x128xf32, #tpu.memory_space<vmem_shared>>
      tpu.enqueue_dma source(%arg7 : memref<128x128xf32, #tpu.memory_space<vmem>>) target(%dma_start3A_88 : memref<128x128xf32, #tpu.memory_space<vmem_shared>>) target_semaphore(%run_scoped3A : memref<!tpu.dma_semaphore, #tpu.memory_space<semaphore_mem>>)
      %dma_wait3A = arith.constant 0 : i32
      %dma_wait3A_89 = tpu.memref_slice %arg9[%add3A_12, %dma_wait3A] : memref<10240x128xf32, #tpu.memory_space<vmem_shared>> -> memref<128x128xf32, #tpu.memory_space<vmem_shared>>
      %dma_wait3A_90 = arith.constant 0 : i32
      %dma_wait3A_91 = tpu.memref_slice %arg9[%add3A_12, %dma_wait3A_90] : memref<10240x128xf32, #tpu.memory_space<vmem_shared>> -> memref<128x128xf32, #tpu.memory_space<vmem_shared>>
      tpu.wait_dma2 semaphore(%run_scoped3A : memref<!tpu.dma_semaphore, #tpu.memory_space<semaphore_mem>>) src(%arg7 : memref<128x128xf32, #tpu.memory_space<vmem>>) dst(%dma_wait3A_91 : memref<128x128xf32, #tpu.memory_space<vmem_shared>>)
      tpu.yield
    }) : () -> ()
    %mul3A_13 = arith.constant 640 : i32
    %mul3A_14 = arith.muli %arg1, %mul3A_13 : i32
    %add3A_15 = arith.constant 128 : i32
    %add3A_16 = arith.addi %mul3A_14, %add3A_15 : i32
    "tpu.region"() ({
      %run_scoped3A = tpu.sem_alloc : memref<!tpu.dma_semaphore, #tpu.memory_space<semaphore_mem>>
      %dma_start3A = arith.constant 0 : i32
      %dma_start3A_86 = tpu.memref_slice %arg9[%add3A_16, %dma_start3A] : memref<10240x128xf32, #tpu.memory_space<vmem_shared>> -> memref<128x128xf32, #tpu.memory_space<vmem_shared>>
      %dma_start3A_87 = arith.constant 0 : i32
      %dma_start3A_88 = tpu.memref_slice %arg9[%add3A_16, %dma_start3A_87] : memref<10240x128xf32, #tpu.memory_space<vmem_shared>> -> memref<128x128xf32, #tpu.memory_space<vmem_shared>>
      tpu.enqueue_dma source(%arg7 : memref<128x128xf32, #tpu.memory_space<vmem>>) target(%dma_start3A_88 : memref<128x128xf32, #tpu.memory_space<vmem_shared>>) target_semaphore(%run_scoped3A : memref<!tpu.dma_semaphore, #tpu.memory_space<semaphore_mem>>)
      %dma_wait3A = arith.constant 0 : i32
      %dma_wait3A_89 = tpu.memref_slice %arg9[%add3A_16, %dma_wait3A] : memref<10240x128xf32, #tpu.memory_space<vmem_shared>> -> memref<128x128xf32, #tpu.memory_space<vmem_shared>>
      %dma_wait3A_90 = arith.constant 0 : i32
      %dma_wait3A_91 = tpu.memref_slice %arg9[%add3A_16, %dma_wait3A_90] : memref<10240x128xf32, #tpu.memory_space<vmem_shared>> -> memref<128x128xf32, #tpu.memory_space<vmem_shared>>
      tpu.wait_dma2 semaphore(%run_scoped3A : memref<!tpu.dma_semaphore, #tpu.memory_space<semaphore_mem>>) src(%arg7 : memref<128x128xf32, #tpu.memory_space<vmem>>) dst(%dma_wait3A_91 : memref<128x128xf32, #tpu.memory_space<vmem_shared>>)
      tpu.yield
    }) : () -> ()
    %mul3A_17 = arith.constant 640 : i32
    %mul3A_18 = arith.muli %arg1, %mul3A_17 : i32
    %add3A_19 = arith.constant 256 : i32
    %add3A_20 = arith.addi %mul3A_18, %add3A_19 : i32
    "tpu.region"() ({
      %run_scoped3A = tpu.sem_alloc : memref<!tpu.dma_semaphore, #tpu.memory_space<semaphore_mem>>
      %dma_start3A = arith.constant 0 : i32
      %dma_start3A_86 = tpu.memref_slice %arg9[%add3A_20, %dma_start3A] : memref<10240x128xf32, #tpu.memory_space<vmem_shared>> -> memref<128x128xf32, #tpu.memory_space<vmem_shared>>
      %dma_start3A_87 = arith.constant 0 : i32
      %dma_start3A_88 = tpu.memref_slice %arg9[%add3A_20, %dma_start3A_87] : memref<10240x128xf32, #tpu.memory_space<vmem_shared>> -> memref<128x128xf32, #tpu.memory_space<vmem_shared>>
      tpu.enqueue_dma source(%arg7 : memref<128x128xf32, #tpu.memory_space<vmem>>) target(%dma_start3A_88 : memref<128x128xf32, #tpu.memory_space<vmem_shared>>) target_semaphore(%run_scoped3A : memref<!tpu.dma_semaphore, #tpu.memory_space<semaphore_mem>>)
      %dma_wait3A = arith.constant 0 : i32
      %dma_wait3A_89 = tpu.memref_slice %arg9[%add3A_20, %dma_wait3A] : memref<10240x128xf32, #tpu.memory_space<vmem_shared>> -> memref<128x128xf32, #tpu.memory_space<vmem_shared>>
      %dma_wait3A_90 = arith.constant 0 : i32
      %dma_wait3A_91 = tpu.memref_slice %arg9[%add3A_20, %dma_wait3A_90] : memref<10240x128xf32, #tpu.memory_space<vmem_shared>> -> memref<128x128xf32, #tpu.memory_space<vmem_shared>>
      tpu.wait_dma2 semaphore(%run_scoped3A : memref<!tpu.dma_semaphore, #tpu.memory_space<semaphore_mem>>) src(%arg7 : memref<128x128xf32, #tpu.memory_space<vmem>>) dst(%dma_wait3A_91 : memref<128x128xf32, #tpu.memory_space<vmem_shared>>)
      tpu.yield
    }) : () -> ()
    %mul3A_21 = arith.constant 640 : i32
    %mul3A_22 = arith.muli %arg1, %mul3A_21 : i32
    %add3A_23 = arith.constant 384 : i32
    %add3A_24 = arith.addi %mul3A_22, %add3A_23 : i32
    "tpu.region"() ({
      %run_scoped3A = tpu.sem_alloc : memref<!tpu.dma_semaphore, #tpu.memory_space<semaphore_mem>>
      %dma_start3A = arith.constant 0 : i32
      %dma_start3A_86 = tpu.memref_slice %arg9[%add3A_24, %dma_start3A] : memref<10240x128xf32, #tpu.memory_space<vmem_shared>> -> memref<128x128xf32, #tpu.memory_space<vmem_shared>>
      %dma_start3A_87 = arith.constant 0 : i32
      %dma_start3A_88 = tpu.memref_slice %arg9[%add3A_24, %dma_start3A_87] : memref<10240x128xf32, #tpu.memory_space<vmem_shared>> -> memref<128x128xf32, #tpu.memory_space<vmem_shared>>
      tpu.enqueue_dma source(%arg7 : memref<128x128xf32, #tpu.memory_space<vmem>>) target(%dma_start3A_88 : memref<128x128xf32, #tpu.memory_space<vmem_shared>>) target_semaphore(%run_scoped3A : memref<!tpu.dma_semaphore, #tpu.memory_space<semaphore_mem>>)
      %dma_wait3A = arith.constant 0 : i32
      %dma_wait3A_89 = tpu.memref_slice %arg9[%add3A_24, %dma_wait3A] : memref<10240x128xf32, #tpu.memory_space<vmem_shared>> -> memref<128x128xf32, #tpu.memory_space<vmem_shared>>
      %dma_wait3A_90 = arith.constant 0 : i32
      %dma_wait3A_91 = tpu.memref_slice %arg9[%add3A_24, %dma_wait3A_90] : memref<10240x128xf32, #tpu.memory_space<vmem_shared>> -> memref<128x128xf32, #tpu.memory_space<vmem_shared>>
      tpu.wait_dma2 semaphore(%run_scoped3A : memref<!tpu.dma_semaphore, #tpu.memory_space<semaphore_mem>>) src(%arg7 : memref<128x128xf32, #tpu.memory_space<vmem>>) dst(%dma_wait3A_91 : memref<128x128xf32, #tpu.memory_space<vmem_shared>>)
      tpu.yield
    }) : () -> ()
    %mul3A_25 = arith.constant 640 : i32
    %mul3A_26 = arith.muli %arg1, %mul3A_25 : i32
    %add3A_27 = arith.constant 512 : i32
    %add3A_28 = arith.addi %mul3A_26, %add3A_27 : i32
    "tpu.region"() ({
      %run_scoped3A = tpu.sem_alloc : memref<!tpu.dma_semaphore, #tpu.memory_space<semaphore_mem>>
      %dma_start3A = arith.constant 0 : i32
      %dma_start3A_86 = tpu.memref_slice %arg9[%add3A_28, %dma_start3A] : memref<10240x128xf32, #tpu.memory_space<vmem_shared>> -> memref<128x128xf32, #tpu.memory_space<vmem_shared>>
      %dma_start3A_87 = arith.constant 0 : i32
      %dma_start3A_88 = tpu.memref_slice %arg9[%add3A_28, %dma_start3A_87] : memref<10240x128xf32, #tpu.memory_space<vmem_shared>> -> memref<128x128xf32, #tpu.memory_space<vmem_shared>>
      tpu.enqueue_dma source(%arg7 : memref<128x128xf32, #tpu.memory_space<vmem>>) target(%dma_start3A_88 : memref<128x128xf32, #tpu.memory_space<vmem_shared>>) target_semaphore(%run_scoped3A : memref<!tpu.dma_semaphore, #tpu.memory_space<semaphore_mem>>)
      %dma_wait3A = arith.constant 0 : i32
      %dma_wait3A_89 = tpu.memref_slice %arg9[%add3A_28, %dma_wait3A] : memref<10240x128xf32, #tpu.memory_space<vmem_shared>> -> memref<128x128xf32, #tpu.memory_space<vmem_shared>>
      %dma_wait3A_90 = arith.constant 0 : i32
      %dma_wait3A_91 = tpu.memref_slice %arg9[%add3A_28, %dma_wait3A_90] : memref<10240x128xf32, #tpu.memory_space<vmem_shared>> -> memref<128x128xf32, #tpu.memory_space<vmem_shared>>
      tpu.wait_dma2 semaphore(%run_scoped3A : memref<!tpu.dma_semaphore, #tpu.memory_space<semaphore_mem>>) src(%arg7 : memref<128x128xf32, #tpu.memory_space<vmem>>) dst(%dma_wait3A_91 : memref<128x128xf32, #tpu.memory_space<vmem_shared>>)
      tpu.yield
    }) : () -> ()
    %barrier3A = arith.constant 0 : index
    tpu.barrier barrier_id(%barrier3A)
    %sub3A = arith.constant 0 : i32
    %sub3A_29 = arith.subi %select_n3A_8, %sub3A : i32
    %sub3A_30 = arith.constant 1 : i32
    %sub3A_31 = arith.constant 1 : i32
    %sub3A_32 = arith.subi %sub3A_30, %sub3A_31 : i32
    %add3A_33 = arith.addi %sub3A_29, %sub3A_32 : i32
    %div3A = arith.constant 1 : i32
    %div3A_34 = arith.divsi %add3A_33, %div3A : i32
    %while3A = arith.constant 1 : i32
    %while3A_35 = arith.constant 0 : i32
    %while3A_36 = arith.constant 0 : i32
    %while3A_37 = arith.subi %div3A_34, %while3A_36 : i32
    %while3A_38 = arith.addi %while3A_36, %while3A_37 : i32
    %while3A_39 = arith.constant 1 : i32
    %while3A_40 = arith.divsi %while3A_37, %while3A_39 : i32
    %while3A_41 = arith.muli %while3A_40, %while3A_39 : i32
    %while3A_42 = arith.addi %while3A_36, %while3A_41 : i32
    %while3A_43 = arith.constant 1 : i32
    scf.for %while3A_86 = %while3A_36 to %while3A_42 step %while3A_43  : i32 {
      %mul3A_87 = arith.muli %while3A_86, %while3A : i32
      %add3A_88 = arith.addi %while3A_35, %mul3A_87 : i32
      %mul3A_89 = arith.constant 16 : i32
      %mul3A_90 = arith.muli %add3A_88, %mul3A_89 : i32
      %add3A_91 = arith.addi %select_n3A, %mul3A_90 : i32
      "tpu.region"() ({
        %run_scoped3A = tpu.sem_alloc : memref<!tpu.dma_semaphore, #tpu.memory_space<semaphore_mem>>
        %dma_start3A_111 = arith.constant 0 : i32
        %dma_start3A_112 = arith.constant 0 : i32
        %dma_start3A_113 = tpu.memref_slice %arg3[%add3A_91, %dma_start3A_111, %dma_start3A_112] : memref<2560x2x128xi32, #tpu.memory_space<hbm>> -> memref<16x2x128xi32, #tpu.memory_space<hbm>>
        %dma_start3A_114 = arith.constant 0 : i32
        %dma_start3A_115 = arith.constant 0 : i32
        %dma_start3A_116 = tpu.memref_slice %arg3[%add3A_91, %dma_start3A_114, %dma_start3A_115] : memref<2560x2x128xi32, #tpu.memory_space<hbm>> -> memref<16x2x128xi32, #tpu.memory_space<hbm>>
        tpu.enqueue_dma source(%dma_start3A_116 : memref<16x2x128xi32, #tpu.memory_space<hbm>>) target(%arg6 : memref<16x2x128xi32, #tpu.memory_space<vmem>>) target_semaphore(%run_scoped3A : memref<!tpu.dma_semaphore, #tpu.memory_space<semaphore_mem>>)
        %dma_wait3A = arith.constant 0 : i32
        %dma_wait3A_117 = arith.constant 0 : i32
        %dma_wait3A_118 = tpu.memref_slice %arg3[%add3A_91, %dma_wait3A, %dma_wait3A_117] : memref<2560x2x128xi32, #tpu.memory_space<hbm>> -> memref<16x2x128xi32, #tpu.memory_space<hbm>>
        %dma_wait3A_119 = arith.constant 0 : i32
        %dma_wait3A_120 = arith.constant 0 : i32
        %dma_wait3A_121 = tpu.memref_slice %arg3[%add3A_91, %dma_wait3A_119, %dma_wait3A_120] : memref<2560x2x128xi32, #tpu.memory_space<hbm>> -> memref<16x2x128xi32, #tpu.memory_space<hbm>>
        tpu.wait_dma2 semaphore(%run_scoped3A : memref<!tpu.dma_semaphore, #tpu.memory_space<semaphore_mem>>) src(%dma_wait3A_121 : memref<16x2x128xi32, #tpu.memory_space<hbm>>) dst(%arg6 : memref<16x2x128xi32, #tpu.memory_space<vmem>>)
        tpu.yield
      }) : () -> ()
      %dma_start3A = arith.constant 0 : i32
      %dma_start3A_92 = arith.constant 0 : i32
      %dma_start3A_93 = arith.constant 0 : i32
      %dma_start3A_94 = tpu.memref_slice %arg6[%dma_start3A, %dma_start3A_92, %dma_start3A_93] : memref<16x2x128xi32, #tpu.memory_space<vmem>> -> memref<1x1x128xi32, #tpu.memory_space<vmem>>
      %dma_start3A_95 = tpu.memref_squeeze %dma_start3A_94 : memref<1x1x128xi32, #tpu.memory_space<vmem>> -> memref<128xi32, #tpu.memory_space<vmem>>
      %dma_start3A_96 = arith.constant 0 : i32
      %dma_start3A_97 = arith.constant 0 : i32
      %dma_start3A_98 = tpu.memref_slice %arg2[%dma_start3A_96, %dma_start3A_97] : memref<10000x128xf32, #tpu.memory_space<hbm>> -> memref<10000x128xf32, #tpu.memory_space<hbm>>
      tpu.enqueue_indirect_dma source(%dma_start3A_98 : memref<10000x128xf32, #tpu.memory_space<hbm>>) target(%arg7 : memref<128x128xf32, #tpu.memory_space<vmem>>) offsets(%dma_start3A_95 : memref<128xi32, #tpu.memory_space<vmem>>) semaphore(%arg10 : memref<!tpu.dma_semaphore, #tpu.memory_space<semaphore_mem>>)
      %dma_start3A_99 = arith.constant 1 : i32
      %dma_start3A_100 = arith.constant 0 : i32
      %dma_start3A_101 = arith.constant 0 : i32
      %dma_start3A_102 = tpu.memref_slice %arg6[%dma_start3A_99, %dma_start3A_100, %dma_start3A_101] : memref<16x2x128xi32, #tpu.memory_space<vmem>> -> memref<1x1x128xi32, #tpu.memory_space<vmem>>
      %dma_start3A_103 = tpu.memref_squeeze %dma_start3A_102 : memref<1x1x128xi32, #tpu.memory_space<vmem>> -> memref<128xi32, #tpu.memory_space<vmem>>
      %dma_start3A_104 = arith.constant 0 : i32
      %dma_start3A_105 = arith.constant 0 : i32
      %dma_start3A_106 = tpu.memref_slice %arg2[%dma_start3A_104, %dma_start3A_105] : memref<10000x128xf32, #tpu.memory_space<hbm>> -> memref<10000x128xf32, #tpu.memory_space<hbm>>
      tpu.enqueue_indirect_dma source(%dma_start3A_106 : memref<10000x128xf32, #tpu.memory_space<hbm>>) target(%arg8 : memref<128x128xf32, #tpu.memory_space<vmem>>) offsets(%dma_start3A_103 : memref<128xi32, #tpu.memory_space<vmem>>) semaphore(%arg11 : memref<!tpu.dma_semaphore, #tpu.memory_space<semaphore_mem>>)
      %scan3A = arith.constant 0 : i32
      %scan3A_107 = arith.constant 8 : i32
      %scan3A_108 = arith.addi %scan3A, %scan3A_107 : i32
      %scan3A_109 = arith.constant 1 : i32
      scf.for %scan3A_111 = %scan3A to %scan3A_108 step %scan3A_109  : i32 {
        %mul3A_112 = arith.constant 2 : i32
        %mul3A_113 = arith.muli %scan3A_111, %mul3A_112 : i32
        %add3A_114 = arith.constant 0 : i32
        %add3A_115 = arith.addi %add3A_114, %mul3A_113 : i32
        %add3A_116 = arith.constant 0 : i32
        %add3A_117 = arith.addi %add3A_115, %add3A_116 : i32
        %dma_wait3A = arith.constant 0 : i32
        %dma_wait3A_118 = arith.constant 0 : i32
        %dma_wait3A_119 = tpu.memref_slice %arg6[%add3A_117, %dma_wait3A, %dma_wait3A_118] : memref<16x2x128xi32, #tpu.memory_space<vmem>> -> memref<1x1x128xi32, #tpu.memory_space<vmem>>
        %dma_wait3A_120 = tpu.memref_squeeze %dma_wait3A_119 : memref<1x1x128xi32, #tpu.memory_space<vmem>> -> memref<128xi32, #tpu.memory_space<vmem>>
        %dma_wait3A_121 = arith.constant 0 : i32
        %dma_wait3A_122 = arith.constant 0 : i32
        %dma_wait3A_123 = tpu.memref_slice %arg2[%dma_wait3A_121, %dma_wait3A_122] : memref<10000x128xf32, #tpu.memory_space<hbm>> -> memref<10000x128xf32, #tpu.memory_space<hbm>>
        tpu.wait_indirect_dma semaphore(%arg10 : memref<!tpu.dma_semaphore, #tpu.memory_space<semaphore_mem>>) src(%dma_wait3A_123 : memref<10000x128xf32, #tpu.memory_space<hbm>>) dst(%arg7 : memref<128x128xf32, #tpu.memory_space<vmem>>)
        %run_scoped3A = arith.constant 1 : i32
        "tpu.region"() ({
          %run_scoped3A_145 = tpu.sem_alloc : memref<!tpu.dma_semaphore, #tpu.memory_space<semaphore_mem>>
          %dma_start3A_146 = arith.constant 0 : i32
          %dma_start3A_147 = tpu.memref_slice %arg6[%add3A_117, %run_scoped3A, %dma_start3A_146] : memref<16x2x128xi32, #tpu.memory_space<vmem>> -> memref<1x1x128xi32, #tpu.memory_space<vmem>>
          %dma_start3A_148 = tpu.memref_squeeze %dma_start3A_147 : memref<1x1x128xi32, #tpu.memory_space<vmem>> -> memref<128xi32, #tpu.memory_space<vmem>>
          %dma_start3A_149 = arith.constant 0 : i32
          %dma_start3A_150 = arith.constant 0 : i32
          %dma_start3A_151 = tpu.memref_slice %arg9[%dma_start3A_149, %dma_start3A_150] : memref<10240x128xf32, #tpu.memory_space<vmem_shared>> -> memref<10240x128xf32, #tpu.memory_space<vmem_shared>>
          tpu.enqueue_indirect_dma source(%arg7 : memref<128x128xf32, #tpu.memory_space<vmem>>) target(%dma_start3A_151 : memref<10240x128xf32, #tpu.memory_space<vmem_shared>>) offsets(%dma_start3A_148 : memref<128xi32, #tpu.memory_space<vmem>>) semaphore(%run_scoped3A_145 : memref<!tpu.dma_semaphore, #tpu.memory_space<semaphore_mem>>) {add = true}
          %dma_wait3A_152 = arith.constant 0 : i32
          %dma_wait3A_153 = tpu.memref_slice %arg6[%add3A_117, %run_scoped3A, %dma_wait3A_152] : memref<16x2x128xi32, #tpu.memory_space<vmem>> -> memref<1x1x128xi32, #tpu.memory_space<vmem>>
          %dma_wait3A_154 = tpu.memref_squeeze %dma_wait3A_153 : memref<1x1x128xi32, #tpu.memory_space<vmem>> -> memref<128xi32, #tpu.memory_space<vmem>>
          %dma_wait3A_155 = arith.constant 0 : i32
          %dma_wait3A_156 = arith.constant 0 : i32
          %dma_wait3A_157 = tpu.memref_slice %arg9[%dma_wait3A_155, %dma_wait3A_156] : memref<10240x128xf32, #tpu.memory_space<vmem_shared>> -> memref<10240x128xf32, #tpu.memory_space<vmem_shared>>
          tpu.wait_indirect_dma semaphore(%run_scoped3A_145 : memref<!tpu.dma_semaphore, #tpu.memory_space<semaphore_mem>>) src(%arg7 : memref<128x128xf32, #tpu.memory_space<vmem>>) dst(%dma_wait3A_157 : memref<10240x128xf32, #tpu.memory_space<vmem_shared>>)
          tpu.yield
        }) : () -> ()
        %add3A_124 = arith.constant 2 : i32
        %add3A_125 = arith.addi %add3A_117, %add3A_124 : i32
        %lt3A = arith.constant 16 : i32
        %lt3A_126 = arith.cmpi slt, %add3A_125, %lt3A : i32
        %convert_element_type3A = arith.extui %lt3A_126 : i1 to i32
        %cond3A = arith.constant 0 : i32
        %cond3A_127 = arith.cmpi ne, %convert_element_type3A, %cond3A : i32
        scf.if %cond3A_127 {
          %add3A_145 = arith.constant 2 : i32
          %add3A_146 = arith.addi %add3A_117, %add3A_145 : i32
          %dma_start3A_147 = arith.constant 0 : i32
          %dma_start3A_148 = arith.constant 0 : i32
          %dma_start3A_149 = tpu.memref_slice %arg6[%add3A_146, %dma_start3A_147, %dma_start3A_148] : memref<16x2x128xi32, #tpu.memory_space<vmem>> -> memref<1x1x128xi32, #tpu.memory_space<vmem>>
          %dma_start3A_150 = tpu.memref_squeeze %dma_start3A_149 : memref<1x1x128xi32, #tpu.memory_space<vmem>> -> memref<128xi32, #tpu.memory_space<vmem>>
          %dma_start3A_151 = arith.constant 0 : i32
          %dma_start3A_152 = arith.constant 0 : i32
          %dma_start3A_153 = tpu.memref_slice %arg2[%dma_start3A_151, %dma_start3A_152] : memref<10000x128xf32, #tpu.memory_space<hbm>> -> memref<10000x128xf32, #tpu.memory_space<hbm>>
          tpu.enqueue_indirect_dma source(%dma_start3A_153 : memref<10000x128xf32, #tpu.memory_space<hbm>>) target(%arg7 : memref<128x128xf32, #tpu.memory_space<vmem>>) offsets(%dma_start3A_150 : memref<128xi32, #tpu.memory_space<vmem>>) semaphore(%arg10 : memref<!tpu.dma_semaphore, #tpu.memory_space<semaphore_mem>>)
        } else {
        }
        %add3A_128 = arith.constant 1 : i32
        %add3A_129 = arith.addi %add3A_115, %add3A_128 : i32
        %dma_wait3A_130 = arith.constant 0 : i32
        %dma_wait3A_131 = arith.constant 0 : i32
        %dma_wait3A_132 = tpu.memref_slice %arg6[%add3A_129, %dma_wait3A_130, %dma_wait3A_131] : memref<16x2x128xi32, #tpu.memory_space<vmem>> -> memref<1x1x128xi32, #tpu.memory_space<vmem>>
        %dma_wait3A_133 = tpu.memref_squeeze %dma_wait3A_132 : memref<1x1x128xi32, #tpu.memory_space<vmem>> -> memref<128xi32, #tpu.memory_space<vmem>>
        %dma_wait3A_134 = arith.constant 0 : i32
        %dma_wait3A_135 = arith.constant 0 : i32
        %dma_wait3A_136 = tpu.memref_slice %arg2[%dma_wait3A_134, %dma_wait3A_135] : memref<10000x128xf32, #tpu.memory_space<hbm>> -> memref<10000x128xf32, #tpu.memory_space<hbm>>
        tpu.wait_indirect_dma semaphore(%arg11 : memref<!tpu.dma_semaphore, #tpu.memory_space<semaphore_mem>>) src(%dma_wait3A_136 : memref<10000x128xf32, #tpu.memory_space<hbm>>) dst(%arg8 : memref<128x128xf32, #tpu.memory_space<vmem>>)
        %run_scoped3A_137 = arith.constant 1 : i32
        "tpu.region"() ({
          %run_scoped3A_145 = tpu.sem_alloc : memref<!tpu.dma_semaphore, #tpu.memory_space<semaphore_mem>>
          %dma_start3A_146 = arith.constant 0 : i32
          %dma_start3A_147 = tpu.memref_slice %arg6[%add3A_129, %run_scoped3A_137, %dma_start3A_146] : memref<16x2x128xi32, #tpu.memory_space<vmem>> -> memref<1x1x128xi32, #tpu.memory_space<vmem>>
          %dma_start3A_148 = tpu.memref_squeeze %dma_start3A_147 : memref<1x1x128xi32, #tpu.memory_space<vmem>> -> memref<128xi32, #tpu.memory_space<vmem>>
          %dma_start3A_149 = arith.constant 0 : i32
          %dma_start3A_150 = arith.constant 0 : i32
          %dma_start3A_151 = tpu.memref_slice %arg9[%dma_start3A_149, %dma_start3A_150] : memref<10240x128xf32, #tpu.memory_space<vmem_shared>> -> memref<10240x128xf32, #tpu.memory_space<vmem_shared>>
          tpu.enqueue_indirect_dma source(%arg8 : memref<128x128xf32, #tpu.memory_space<vmem>>) target(%dma_start3A_151 : memref<10240x128xf32, #tpu.memory_space<vmem_shared>>) offsets(%dma_start3A_148 : memref<128xi32, #tpu.memory_space<vmem>>) semaphore(%run_scoped3A_145 : memref<!tpu.dma_semaphore, #tpu.memory_space<semaphore_mem>>) {add = true}
          %dma_wait3A_152 = arith.constant 0 : i32
          %dma_wait3A_153 = tpu.memref_slice %arg6[%add3A_129, %run_scoped3A_137, %dma_wait3A_152] : memref<16x2x128xi32, #tpu.memory_space<vmem>> -> memref<1x1x128xi32, #tpu.memory_space<vmem>>
          %dma_wait3A_154 = tpu.memref_squeeze %dma_wait3A_153 : memref<1x1x128xi32, #tpu.memory_space<vmem>> -> memref<128xi32, #tpu.memory_space<vmem>>
          %dma_wait3A_155 = arith.constant 0 : i32
          %dma_wait3A_156 = arith.constant 0 : i32
          %dma_wait3A_157 = tpu.memref_slice %arg9[%dma_wait3A_155, %dma_wait3A_156] : memref<10240x128xf32, #tpu.memory_space<vmem_shared>> -> memref<10240x128xf32, #tpu.memory_space<vmem_shared>>
          tpu.wait_indirect_dma semaphore(%run_scoped3A_145 : memref<!tpu.dma_semaphore, #tpu.memory_space<semaphore_mem>>) src(%arg8 : memref<128x128xf32, #tpu.memory_space<vmem>>) dst(%dma_wait3A_157 : memref<10240x128xf32, #tpu.memory_space<vmem_shared>>)
          tpu.yield
        }) : () -> ()
        %add3A_138 = arith.constant 2 : i32
        %add3A_139 = arith.addi %add3A_129, %add3A_138 : i32
        %lt3A_140 = arith.constant 16 : i32
        %lt3A_141 = arith.cmpi slt, %add3A_139, %lt3A_140 : i32
        %convert_element_type3A_142 = arith.extui %lt3A_141 : i1 to i32
        %cond3A_143 = arith.constant 0 : i32
        %cond3A_144 = arith.cmpi ne, %convert_element_type3A_142, %cond3A_143 : i32
        scf.if %cond3A_144 {
          %add3A_145 = arith.constant 2 : i32
          %add3A_146 = arith.addi %add3A_129, %add3A_145 : i32
          %dma_start3A_147 = arith.constant 0 : i32
          %dma_start3A_148 = arith.constant 0 : i32
          %dma_start3A_149 = tpu.memref_slice %arg6[%add3A_146, %dma_start3A_147, %dma_start3A_148] : memref<16x2x128xi32, #tpu.memory_space<vmem>> -> memref<1x1x128xi32, #tpu.memory_space<vmem>>
          %dma_start3A_150 = tpu.memref_squeeze %dma_start3A_149 : memref<1x1x128xi32, #tpu.memory_space<vmem>> -> memref<128xi32, #tpu.memory_space<vmem>>
          %dma_start3A_151 = arith.constant 0 : i32
          %dma_start3A_152 = arith.constant 0 : i32
          %dma_start3A_153 = tpu.memref_slice %arg2[%dma_start3A_151, %dma_start3A_152] : memref<10000x128xf32, #tpu.memory_space<hbm>> -> memref<10000x128xf32, #tpu.memory_space<hbm>>
          tpu.enqueue_indirect_dma source(%dma_start3A_153 : memref<10000x128xf32, #tpu.memory_space<hbm>>) target(%arg8 : memref<128x128xf32, #tpu.memory_space<vmem>>) offsets(%dma_start3A_150 : memref<128xi32, #tpu.memory_space<vmem>>) semaphore(%arg11 : memref<!tpu.dma_semaphore, #tpu.memory_space<semaphore_mem>>)
        } else {
        }
      }
      %scan3A_110 = arith.constant 8 : i32
    }
    %while3A_44 = arith.constant 1 : i32
    scf.for %while3A_86 = %while3A_42 to %while3A_38 step %while3A_44  : i32 {
      %mul3A_87 = arith.muli %while3A_86, %while3A : i32
      %add3A_88 = arith.addi %while3A_35, %mul3A_87 : i32
      %mul3A_89 = arith.constant 16 : i32
      %mul3A_90 = arith.muli %add3A_88, %mul3A_89 : i32
      %add3A_91 = arith.addi %select_n3A, %mul3A_90 : i32
      "tpu.region"() ({
        %run_scoped3A = tpu.sem_alloc : memref<!tpu.dma_semaphore, #tpu.memory_space<semaphore_mem>>
        %dma_start3A_111 = arith.constant 0 : i32
        %dma_start3A_112 = arith.constant 0 : i32
        %dma_start3A_113 = tpu.memref_slice %arg3[%add3A_91, %dma_start3A_111, %dma_start3A_112] : memref<2560x2x128xi32, #tpu.memory_space<hbm>> -> memref<16x2x128xi32, #tpu.memory_space<hbm>>
        %dma_start3A_114 = arith.constant 0 : i32
        %dma_start3A_115 = arith.constant 0 : i32
        %dma_start3A_116 = tpu.memref_slice %arg3[%add3A_91, %dma_start3A_114, %dma_start3A_115] : memref<2560x2x128xi32, #tpu.memory_space<hbm>> -> memref<16x2x128xi32, #tpu.memory_space<hbm>>
        tpu.enqueue_dma source(%dma_start3A_116 : memref<16x2x128xi32, #tpu.memory_space<hbm>>) target(%arg6 : memref<16x2x128xi32, #tpu.memory_space<vmem>>) target_semaphore(%run_scoped3A : memref<!tpu.dma_semaphore, #tpu.memory_space<semaphore_mem>>)
        %dma_wait3A = arith.constant 0 : i32
        %dma_wait3A_117 = arith.constant 0 : i32
        %dma_wait3A_118 = tpu.memref_slice %arg3[%add3A_91, %dma_wait3A, %dma_wait3A_117] : memref<2560x2x128xi32, #tpu.memory_space<hbm>> -> memref<16x2x128xi32, #tpu.memory_space<hbm>>
        %dma_wait3A_119 = arith.constant 0 : i32
        %dma_wait3A_120 = arith.constant 0 : i32
        %dma_wait3A_121 = tpu.memref_slice %arg3[%add3A_91, %dma_wait3A_119, %dma_wait3A_120] : memref<2560x2x128xi32, #tpu.memory_space<hbm>> -> memref<16x2x128xi32, #tpu.memory_space<hbm>>
        tpu.wait_dma2 semaphore(%run_scoped3A : memref<!tpu.dma_semaphore, #tpu.memory_space<semaphore_mem>>) src(%dma_wait3A_121 : memref<16x2x128xi32, #tpu.memory_space<hbm>>) dst(%arg6 : memref<16x2x128xi32, #tpu.memory_space<vmem>>)
        tpu.yield
      }) : () -> ()
      %dma_start3A = arith.constant 0 : i32
      %dma_start3A_92 = arith.constant 0 : i32
      %dma_start3A_93 = arith.constant 0 : i32
      %dma_start3A_94 = tpu.memref_slice %arg6[%dma_start3A, %dma_start3A_92, %dma_start3A_93] : memref<16x2x128xi32, #tpu.memory_space<vmem>> -> memref<1x1x128xi32, #tpu.memory_space<vmem>>
      %dma_start3A_95 = tpu.memref_squeeze %dma_start3A_94 : memref<1x1x128xi32, #tpu.memory_space<vmem>> -> memref<128xi32, #tpu.memory_space<vmem>>
      %dma_start3A_96 = arith.constant 0 : i32
      %dma_start3A_97 = arith.constant 0 : i32
      %dma_start3A_98 = tpu.memref_slice %arg2[%dma_start3A_96, %dma_start3A_97] : memref<10000x128xf32, #tpu.memory_space<hbm>> -> memref<10000x128xf32, #tpu.memory_space<hbm>>
      tpu.enqueue_indirect_dma source(%dma_start3A_98 : memref<10000x128xf32, #tpu.memory_space<hbm>>) target(%arg7 : memref<128x128xf32, #tpu.memory_space<vmem>>) offsets(%dma_start3A_95 : memref<128xi32, #tpu.memory_space<vmem>>) semaphore(%arg10 : memref<!tpu.dma_semaphore, #tpu.memory_space<semaphore_mem>>)
      %dma_start3A_99 = arith.constant 1 : i32
      %dma_start3A_100 = arith.constant 0 : i32
      %dma_start3A_101 = arith.constant 0 : i32
      %dma_start3A_102 = tpu.memref_slice %arg6[%dma_start3A_99, %dma_start3A_100, %dma_start3A_101] : memref<16x2x128xi32, #tpu.memory_space<vmem>> -> memref<1x1x128xi32, #tpu.memory_space<vmem>>
      %dma_start3A_103 = tpu.memref_squeeze %dma_start3A_102 : memref<1x1x128xi32, #tpu.memory_space<vmem>> -> memref<128xi32, #tpu.memory_space<vmem>>
      %dma_start3A_104 = arith.constant 0 : i32
      %dma_start3A_105 = arith.constant 0 : i32
      %dma_start3A_106 = tpu.memref_slice %arg2[%dma_start3A_104, %dma_start3A_105] : memref<10000x128xf32, #tpu.memory_space<hbm>> -> memref<10000x128xf32, #tpu.memory_space<hbm>>
      tpu.enqueue_indirect_dma source(%dma_start3A_106 : memref<10000x128xf32, #tpu.memory_space<hbm>>) target(%arg8 : memref<128x128xf32, #tpu.memory_space<vmem>>) offsets(%dma_start3A_103 : memref<128xi32, #tpu.memory_space<vmem>>) semaphore(%arg11 : memref<!tpu.dma_semaphore, #tpu.memory_space<semaphore_mem>>)
      %scan3A = arith.constant 0 : i32
      %scan3A_107 = arith.constant 8 : i32
      %scan3A_108 = arith.addi %scan3A, %scan3A_107 : i32
      %scan3A_109 = arith.constant 1 : i32
      scf.for %scan3A_111 = %scan3A to %scan3A_108 step %scan3A_109  : i32 {
        %mul3A_112 = arith.constant 2 : i32
        %mul3A_113 = arith.muli %scan3A_111, %mul3A_112 : i32
        %add3A_114 = arith.constant 0 : i32
        %add3A_115 = arith.addi %add3A_114, %mul3A_113 : i32
        %add3A_116 = arith.constant 0 : i32
        %add3A_117 = arith.addi %add3A_115, %add3A_116 : i32
        %dma_wait3A = arith.constant 0 : i32
        %dma_wait3A_118 = arith.constant 0 : i32
        %dma_wait3A_119 = tpu.memref_slice %arg6[%add3A_117, %dma_wait3A, %dma_wait3A_118] : memref<16x2x128xi32, #tpu.memory_space<vmem>> -> memref<1x1x128xi32, #tpu.memory_space<vmem>>
        %dma_wait3A_120 = tpu.memref_squeeze %dma_wait3A_119 : memref<1x1x128xi32, #tpu.memory_space<vmem>> -> memref<128xi32, #tpu.memory_space<vmem>>
        %dma_wait3A_121 = arith.constant 0 : i32
        %dma_wait3A_122 = arith.constant 0 : i32
        %dma_wait3A_123 = tpu.memref_slice %arg2[%dma_wait3A_121, %dma_wait3A_122] : memref<10000x128xf32, #tpu.memory_space<hbm>> -> memref<10000x128xf32, #tpu.memory_space<hbm>>
        tpu.wait_indirect_dma semaphore(%arg10 : memref<!tpu.dma_semaphore, #tpu.memory_space<semaphore_mem>>) src(%dma_wait3A_123 : memref<10000x128xf32, #tpu.memory_space<hbm>>) dst(%arg7 : memref<128x128xf32, #tpu.memory_space<vmem>>)
        %run_scoped3A = arith.constant 1 : i32
        "tpu.region"() ({
          %run_scoped3A_145 = tpu.sem_alloc : memref<!tpu.dma_semaphore, #tpu.memory_space<semaphore_mem>>
          %dma_start3A_146 = arith.constant 0 : i32
          %dma_start3A_147 = tpu.memref_slice %arg6[%add3A_117, %run_scoped3A, %dma_start3A_146] : memref<16x2x128xi32, #tpu.memory_space<vmem>> -> memref<1x1x128xi32, #tpu.memory_space<vmem>>
          %dma_start3A_148 = tpu.memref_squeeze %dma_start3A_147 : memref<1x1x128xi32, #tpu.memory_space<vmem>> -> memref<128xi32, #tpu.memory_space<vmem>>
          %dma_start3A_149 = arith.constant 0 : i32
          %dma_start3A_150 = arith.constant 0 : i32
          %dma_start3A_151 = tpu.memref_slice %arg9[%dma_start3A_149, %dma_start3A_150] : memref<10240x128xf32, #tpu.memory_space<vmem_shared>> -> memref<10240x128xf32, #tpu.memory_space<vmem_shared>>
          tpu.enqueue_indirect_dma source(%arg7 : memref<128x128xf32, #tpu.memory_space<vmem>>) target(%dma_start3A_151 : memref<10240x128xf32, #tpu.memory_space<vmem_shared>>) offsets(%dma_start3A_148 : memref<128xi32, #tpu.memory_space<vmem>>) semaphore(%run_scoped3A_145 : memref<!tpu.dma_semaphore, #tpu.memory_space<semaphore_mem>>) {add = true}
          %dma_wait3A_152 = arith.constant 0 : i32
          %dma_wait3A_153 = tpu.memref_slice %arg6[%add3A_117, %run_scoped3A, %dma_wait3A_152] : memref<16x2x128xi32, #tpu.memory_space<vmem>> -> memref<1x1x128xi32, #tpu.memory_space<vmem>>
          %dma_wait3A_154 = tpu.memref_squeeze %dma_wait3A_153 : memref<1x1x128xi32, #tpu.memory_space<vmem>> -> memref<128xi32, #tpu.memory_space<vmem>>
          %dma_wait3A_155 = arith.constant 0 : i32
          %dma_wait3A_156 = arith.constant 0 : i32
          %dma_wait3A_157 = tpu.memref_slice %arg9[%dma_wait3A_155, %dma_wait3A_156] : memref<10240x128xf32, #tpu.memory_space<vmem_shared>> -> memref<10240x128xf32, #tpu.memory_space<vmem_shared>>
          tpu.wait_indirect_dma semaphore(%run_scoped3A_145 : memref<!tpu.dma_semaphore, #tpu.memory_space<semaphore_mem>>) src(%arg7 : memref<128x128xf32, #tpu.memory_space<vmem>>) dst(%dma_wait3A_157 : memref<10240x128xf32, #tpu.memory_space<vmem_shared>>)
          tpu.yield
        }) : () -> ()
        %add3A_124 = arith.constant 2 : i32
        %add3A_125 = arith.addi %add3A_117, %add3A_124 : i32
        %lt3A = arith.constant 16 : i32
        %lt3A_126 = arith.cmpi slt, %add3A_125, %lt3A : i32
        %convert_element_type3A = arith.extui %lt3A_126 : i1 to i32
        %cond3A = arith.constant 0 : i32
        %cond3A_127 = arith.cmpi ne, %convert_element_type3A, %cond3A : i32
        scf.if %cond3A_127 {
          %add3A_145 = arith.constant 2 : i32
          %add3A_146 = arith.addi %add3A_117, %add3A_145 : i32
          %dma_start3A_147 = arith.constant 0 : i32
          %dma_start3A_148 = arith.constant 0 : i32
          %dma_start3A_149 = tpu.memref_slice %arg6[%add3A_146, %dma_start3A_147, %dma_start3A_148] : memref<16x2x128xi32, #tpu.memory_space<vmem>> -> memref<1x1x128xi32, #tpu.memory_space<vmem>>
          %dma_start3A_150 = tpu.memref_squeeze %dma_start3A_149 : memref<1x1x128xi32, #tpu.memory_space<vmem>> -> memref<128xi32, #tpu.memory_space<vmem>>
          %dma_start3A_151 = arith.constant 0 : i32
          %dma_start3A_152 = arith.constant 0 : i32
          %dma_start3A_153 = tpu.memref_slice %arg2[%dma_start3A_151, %dma_start3A_152] : memref<10000x128xf32, #tpu.memory_space<hbm>> -> memref<10000x128xf32, #tpu.memory_space<hbm>>
          tpu.enqueue_indirect_dma source(%dma_start3A_153 : memref<10000x128xf32, #tpu.memory_space<hbm>>) target(%arg7 : memref<128x128xf32, #tpu.memory_space<vmem>>) offsets(%dma_start3A_150 : memref<128xi32, #tpu.memory_space<vmem>>) semaphore(%arg10 : memref<!tpu.dma_semaphore, #tpu.memory_space<semaphore_mem>>)
        } else {
        }
        %add3A_128 = arith.constant 1 : i32
        %add3A_129 = arith.addi %add3A_115, %add3A_128 : i32
        %dma_wait3A_130 = arith.constant 0 : i32
        %dma_wait3A_131 = arith.constant 0 : i32
        %dma_wait3A_132 = tpu.memref_slice %arg6[%add3A_129, %dma_wait3A_130, %dma_wait3A_131] : memref<16x2x128xi32, #tpu.memory_space<vmem>> -> memref<1x1x128xi32, #tpu.memory_space<vmem>>
        %dma_wait3A_133 = tpu.memref_squeeze %dma_wait3A_132 : memref<1x1x128xi32, #tpu.memory_space<vmem>> -> memref<128xi32, #tpu.memory_space<vmem>>
        %dma_wait3A_134 = arith.constant 0 : i32
        %dma_wait3A_135 = arith.constant 0 : i32
        %dma_wait3A_136 = tpu.memref_slice %arg2[%dma_wait3A_134, %dma_wait3A_135] : memref<10000x128xf32, #tpu.memory_space<hbm>> -> memref<10000x128xf32, #tpu.memory_space<hbm>>
        tpu.wait_indirect_dma semaphore(%arg11 : memref<!tpu.dma_semaphore, #tpu.memory_space<semaphore_mem>>) src(%dma_wait3A_136 : memref<10000x128xf32, #tpu.memory_space<hbm>>) dst(%arg8 : memref<128x128xf32, #tpu.memory_space<vmem>>)
        %run_scoped3A_137 = arith.constant 1 : i32
        "tpu.region"() ({
          %run_scoped3A_145 = tpu.sem_alloc : memref<!tpu.dma_semaphore, #tpu.memory_space<semaphore_mem>>
          %dma_start3A_146 = arith.constant 0 : i32
          %dma_start3A_147 = tpu.memref_slice %arg6[%add3A_129, %run_scoped3A_137, %dma_start3A_146] : memref<16x2x128xi32, #tpu.memory_space<vmem>> -> memref<1x1x128xi32, #tpu.memory_space<vmem>>
          %dma_start3A_148 = tpu.memref_squeeze %dma_start3A_147 : memref<1x1x128xi32, #tpu.memory_space<vmem>> -> memref<128xi32, #tpu.memory_space<vmem>>
          %dma_start3A_149 = arith.constant 0 : i32
          %dma_start3A_150 = arith.constant 0 : i32
          %dma_start3A_151 = tpu.memref_slice %arg9[%dma_start3A_149, %dma_start3A_150] : memref<10240x128xf32, #tpu.memory_space<vmem_shared>> -> memref<10240x128xf32, #tpu.memory_space<vmem_shared>>
          tpu.enqueue_indirect_dma source(%arg8 : memref<128x128xf32, #tpu.memory_space<vmem>>) target(%dma_start3A_151 : memref<10240x128xf32, #tpu.memory_space<vmem_shared>>) offsets(%dma_start3A_148 : memref<128xi32, #tpu.memory_space<vmem>>) semaphore(%run_scoped3A_145 : memref<!tpu.dma_semaphore, #tpu.memory_space<semaphore_mem>>) {add = true}
          %dma_wait3A_152 = arith.constant 0 : i32
          %dma_wait3A_153 = tpu.memref_slice %arg6[%add3A_129, %run_scoped3A_137, %dma_wait3A_152] : memref<16x2x128xi32, #tpu.memory_space<vmem>> -> memref<1x1x128xi32, #tpu.memory_space<vmem>>
          %dma_wait3A_154 = tpu.memref_squeeze %dma_wait3A_153 : memref<1x1x128xi32, #tpu.memory_space<vmem>> -> memref<128xi32, #tpu.memory_space<vmem>>
          %dma_wait3A_155 = arith.constant 0 : i32
          %dma_wait3A_156 = arith.constant 0 : i32
          %dma_wait3A_157 = tpu.memref_slice %arg9[%dma_wait3A_155, %dma_wait3A_156] : memref<10240x128xf32, #tpu.memory_space<vmem_shared>> -> memref<10240x128xf32, #tpu.memory_space<vmem_shared>>
          tpu.wait_indirect_dma semaphore(%run_scoped3A_145 : memref<!tpu.dma_semaphore, #tpu.memory_space<semaphore_mem>>) src(%arg8 : memref<128x128xf32, #tpu.memory_space<vmem>>) dst(%dma_wait3A_157 : memref<10240x128xf32, #tpu.memory_space<vmem_shared>>)
          tpu.yield
        }) : () -> ()
        %add3A_138 = arith.constant 2 : i32
        %add3A_139 = arith.addi %add3A_129, %add3A_138 : i32
        %lt3A_140 = arith.constant 16 : i32
        %lt3A_141 = arith.cmpi slt, %add3A_139, %lt3A_140 : i32
        %convert_element_type3A_142 = arith.extui %lt3A_141 : i1 to i32
        %cond3A_143 = arith.constant 0 : i32
        %cond3A_144 = arith.cmpi ne, %convert_element_type3A_142, %cond3A_143 : i32
        scf.if %cond3A_144 {
          %add3A_145 = arith.constant 2 : i32
          %add3A_146 = arith.addi %add3A_129, %add3A_145 : i32
          %dma_start3A_147 = arith.constant 0 : i32
          %dma_start3A_148 = arith.constant 0 : i32
          %dma_start3A_149 = tpu.memref_slice %arg6[%add3A_146, %dma_start3A_147, %dma_start3A_148] : memref<16x2x128xi32, #tpu.memory_space<vmem>> -> memref<1x1x128xi32, #tpu.memory_space<vmem>>
          %dma_start3A_150 = tpu.memref_squeeze %dma_start3A_149 : memref<1x1x128xi32, #tpu.memory_space<vmem>> -> memref<128xi32, #tpu.memory_space<vmem>>
          %dma_start3A_151 = arith.constant 0 : i32
          %dma_start3A_152 = arith.constant 0 : i32
          %dma_start3A_153 = tpu.memref_slice %arg2[%dma_start3A_151, %dma_start3A_152] : memref<10000x128xf32, #tpu.memory_space<hbm>> -> memref<10000x128xf32, #tpu.memory_space<hbm>>
          tpu.enqueue_indirect_dma source(%dma_start3A_153 : memref<10000x128xf32, #tpu.memory_space<hbm>>) target(%arg8 : memref<128x128xf32, #tpu.memory_space<vmem>>) offsets(%dma_start3A_150 : memref<128xi32, #tpu.memory_space<vmem>>) semaphore(%arg11 : memref<!tpu.dma_semaphore, #tpu.memory_space<semaphore_mem>>)
        } else {
        }
      }
      %scan3A_110 = arith.constant 8 : i32
    }
    %barrier3A_45 = arith.constant 0 : index
    tpu.barrier barrier_id(%barrier3A_45)
    %mul3A_46 = arith.constant 640 : i32
    %mul3A_47 = arith.muli %arg1, %mul3A_46 : i32
    %add3A_48 = arith.constant 0 : i32
    %add3A_49 = arith.addi %mul3A_47, %add3A_48 : i32
    %mul3A_50 = arith.constant 640 : i32
    %mul3A_51 = arith.muli %arg1, %mul3A_50 : i32
    %add3A_52 = arith.constant 0 : i32
    %add3A_53 = arith.addi %mul3A_51, %add3A_52 : i32
    "tpu.region"() ({
      %run_scoped3A = tpu.sem_alloc : memref<!tpu.dma_semaphore, #tpu.memory_space<semaphore_mem>>
      %dma_start3A = arith.constant 0 : i32
      %dma_start3A_86 = arith.constant 0 : i32
      %dma_start3A_87 = tpu.memref_slice %arg5[%arg0, %dma_start3A, %dma_start3A_86] : memref<2x10240x128xf32, #tpu.memory_space<hbm>> -> memref<1x10240x128xf32, #tpu.memory_space<hbm>>
      %dma_start3A_88 = tpu.memref_squeeze %dma_start3A_87 : memref<1x10240x128xf32, #tpu.memory_space<hbm>> -> memref<10240x128xf32, #tpu.memory_space<hbm>>
      %dma_start3A_89 = arith.constant 0 : i32
      %dma_start3A_90 = tpu.memref_slice %dma_start3A_88[%add3A_53, %dma_start3A_89] : memref<10240x128xf32, #tpu.memory_space<hbm>> -> memref<128x128xf32, #tpu.memory_space<hbm>>
      %dma_start3A_91 = arith.constant 0 : i32
      %dma_start3A_92 = tpu.memref_slice %arg9[%add3A_49, %dma_start3A_91] : memref<10240x128xf32, #tpu.memory_space<vmem_shared>> -> memref<128x128xf32, #tpu.memory_space<vmem_shared>>
      tpu.enqueue_dma source(%dma_start3A_92 : memref<128x128xf32, #tpu.memory_space<vmem_shared>>) target(%dma_start3A_90 : memref<128x128xf32, #tpu.memory_space<hbm>>) target_semaphore(%run_scoped3A : memref<!tpu.dma_semaphore, #tpu.memory_space<semaphore_mem>>)
      %dma_wait3A = arith.constant 0 : i32
      %dma_wait3A_93 = arith.constant 0 : i32
      %dma_wait3A_94 = tpu.memref_slice %arg5[%arg0, %dma_wait3A, %dma_wait3A_93] : memref<2x10240x128xf32, #tpu.memory_space<hbm>> -> memref<1x10240x128xf32, #tpu.memory_space<hbm>>
      %dma_wait3A_95 = tpu.memref_squeeze %dma_wait3A_94 : memref<1x10240x128xf32, #tpu.memory_space<hbm>> -> memref<10240x128xf32, #tpu.memory_space<hbm>>
      %dma_wait3A_96 = arith.constant 0 : i32
      %dma_wait3A_97 = tpu.memref_slice %dma_wait3A_95[%add3A_53, %dma_wait3A_96] : memref<10240x128xf32, #tpu.memory_space<hbm>> -> memref<128x128xf32, #tpu.memory_space<hbm>>
      %dma_wait3A_98 = arith.constant 0 : i32
      %dma_wait3A_99 = tpu.memref_slice %arg9[%add3A_49, %dma_wait3A_98] : memref<10240x128xf32, #tpu.memory_space<vmem_shared>> -> memref<128x128xf32, #tpu.memory_space<vmem_shared>>
      tpu.wait_dma2 semaphore(%run_scoped3A : memref<!tpu.dma_semaphore, #tpu.memory_space<semaphore_mem>>) src(%dma_wait3A_99 : memref<128x128xf32, #tpu.memory_space<vmem_shared>>) dst(%dma_wait3A_97 : memref<128x128xf32, #tpu.memory_space<hbm>>)
      tpu.yield
    }) : () -> ()
    %mul3A_54 = arith.constant 640 : i32
    %mul3A_55 = arith.muli %arg1, %mul3A_54 : i32
    %add3A_56 = arith.constant 128 : i32
    %add3A_57 = arith.addi %mul3A_55, %add3A_56 : i32
    %mul3A_58 = arith.constant 640 : i32
    %mul3A_59 = arith.muli %arg1, %mul3A_58 : i32
    %add3A_60 = arith.constant 128 : i32
    %add3A_61 = arith.addi %mul3A_59, %add3A_60 : i32
    "tpu.region"() ({
      %run_scoped3A = tpu.sem_alloc : memref<!tpu.dma_semaphore, #tpu.memory_space<semaphore_mem>>
      %dma_start3A = arith.constant 0 : i32
      %dma_start3A_86 = arith.constant 0 : i32
      %dma_start3A_87 = tpu.memref_slice %arg5[%arg0, %dma_start3A, %dma_start3A_86] : memref<2x10240x128xf32, #tpu.memory_space<hbm>> -> memref<1x10240x128xf32, #tpu.memory_space<hbm>>
      %dma_start3A_88 = tpu.memref_squeeze %dma_start3A_87 : memref<1x10240x128xf32, #tpu.memory_space<hbm>> -> memref<10240x128xf32, #tpu.memory_space<hbm>>
      %dma_start3A_89 = arith.constant 0 : i32
      %dma_start3A_90 = tpu.memref_slice %dma_start3A_88[%add3A_61, %dma_start3A_89] : memref<10240x128xf32, #tpu.memory_space<hbm>> -> memref<128x128xf32, #tpu.memory_space<hbm>>
      %dma_start3A_91 = arith.constant 0 : i32
      %dma_start3A_92 = tpu.memref_slice %arg9[%add3A_57, %dma_start3A_91] : memref<10240x128xf32, #tpu.memory_space<vmem_shared>> -> memref<128x128xf32, #tpu.memory_space<vmem_shared>>
      tpu.enqueue_dma source(%dma_start3A_92 : memref<128x128xf32, #tpu.memory_space<vmem_shared>>) target(%dma_start3A_90 : memref<128x128xf32, #tpu.memory_space<hbm>>) target_semaphore(%run_scoped3A : memref<!tpu.dma_semaphore, #tpu.memory_space<semaphore_mem>>)
      %dma_wait3A = arith.constant 0 : i32
      %dma_wait3A_93 = arith.constant 0 : i32
      %dma_wait3A_94 = tpu.memref_slice %arg5[%arg0, %dma_wait3A, %dma_wait3A_93] : memref<2x10240x128xf32, #tpu.memory_space<hbm>> -> memref<1x10240x128xf32, #tpu.memory_space<hbm>>
      %dma_wait3A_95 = tpu.memref_squeeze %dma_wait3A_94 : memref<1x10240x128xf32, #tpu.memory_space<hbm>> -> memref<10240x128xf32, #tpu.memory_space<hbm>>
      %dma_wait3A_96 = arith.constant 0 : i32
      %dma_wait3A_97 = tpu.memref_slice %dma_wait3A_95[%add3A_61, %dma_wait3A_96] : memref<10240x128xf32, #tpu.memory_space<hbm>> -> memref<128x128xf32, #tpu.memory_space<hbm>>
      %dma_wait3A_98 = arith.constant 0 : i32
      %dma_wait3A_99 = tpu.memref_slice %arg9[%add3A_57, %dma_wait3A_98] : memref<10240x128xf32, #tpu.memory_space<vmem_shared>> -> memref<128x128xf32, #tpu.memory_space<vmem_shared>>
      tpu.wait_dma2 semaphore(%run_scoped3A : memref<!tpu.dma_semaphore, #tpu.memory_space<semaphore_mem>>) src(%dma_wait3A_99 : memref<128x128xf32, #tpu.memory_space<vmem_shared>>) dst(%dma_wait3A_97 : memref<128x128xf32, #tpu.memory_space<hbm>>)
      tpu.yield
    }) : () -> ()
    %mul3A_62 = arith.constant 640 : i32
    %mul3A_63 = arith.muli %arg1, %mul3A_62 : i32
    %add3A_64 = arith.constant 256 : i32
    %add3A_65 = arith.addi %mul3A_63, %add3A_64 : i32
    %mul3A_66 = arith.constant 640 : i32
    %mul3A_67 = arith.muli %arg1, %mul3A_66 : i32
    %add3A_68 = arith.constant 256 : i32
    %add3A_69 = arith.addi %mul3A_67, %add3A_68 : i32
    "tpu.region"() ({
      %run_scoped3A = tpu.sem_alloc : memref<!tpu.dma_semaphore, #tpu.memory_space<semaphore_mem>>
      %dma_start3A = arith.constant 0 : i32
      %dma_start3A_86 = arith.constant 0 : i32
      %dma_start3A_87 = tpu.memref_slice %arg5[%arg0, %dma_start3A, %dma_start3A_86] : memref<2x10240x128xf32, #tpu.memory_space<hbm>> -> memref<1x10240x128xf32, #tpu.memory_space<hbm>>
      %dma_start3A_88 = tpu.memref_squeeze %dma_start3A_87 : memref<1x10240x128xf32, #tpu.memory_space<hbm>> -> memref<10240x128xf32, #tpu.memory_space<hbm>>
      %dma_start3A_89 = arith.constant 0 : i32
      %dma_start3A_90 = tpu.memref_slice %dma_start3A_88[%add3A_69, %dma_start3A_89] : memref<10240x128xf32, #tpu.memory_space<hbm>> -> memref<128x128xf32, #tpu.memory_space<hbm>>
      %dma_start3A_91 = arith.constant 0 : i32
      %dma_start3A_92 = tpu.memref_slice %arg9[%add3A_65, %dma_start3A_91] : memref<10240x128xf32, #tpu.memory_space<vmem_shared>> -> memref<128x128xf32, #tpu.memory_space<vmem_shared>>
      tpu.enqueue_dma source(%dma_start3A_92 : memref<128x128xf32, #tpu.memory_space<vmem_shared>>) target(%dma_start3A_90 : memref<128x128xf32, #tpu.memory_space<hbm>>) target_semaphore(%run_scoped3A : memref<!tpu.dma_semaphore, #tpu.memory_space<semaphore_mem>>)
      %dma_wait3A = arith.constant 0 : i32
      %dma_wait3A_93 = arith.constant 0 : i32
      %dma_wait3A_94 = tpu.memref_slice %arg5[%arg0, %dma_wait3A, %dma_wait3A_93] : memref<2x10240x128xf32, #tpu.memory_space<hbm>> -> memref<1x10240x128xf32, #tpu.memory_space<hbm>>
      %dma_wait3A_95 = tpu.memref_squeeze %dma_wait3A_94 : memref<1x10240x128xf32, #tpu.memory_space<hbm>> -> memref<10240x128xf32, #tpu.memory_space<hbm>>
      %dma_wait3A_96 = arith.constant 0 : i32
      %dma_wait3A_97 = tpu.memref_slice %dma_wait3A_95[%add3A_69, %dma_wait3A_96] : memref<10240x128xf32, #tpu.memory_space<hbm>> -> memref<128x128xf32, #tpu.memory_space<hbm>>
      %dma_wait3A_98 = arith.constant 0 : i32
      %dma_wait3A_99 = tpu.memref_slice %arg9[%add3A_65, %dma_wait3A_98] : memref<10240x128xf32, #tpu.memory_space<vmem_shared>> -> memref<128x128xf32, #tpu.memory_space<vmem_shared>>
      tpu.wait_dma2 semaphore(%run_scoped3A : memref<!tpu.dma_semaphore, #tpu.memory_space<semaphore_mem>>) src(%dma_wait3A_99 : memref<128x128xf32, #tpu.memory_space<vmem_shared>>) dst(%dma_wait3A_97 : memref<128x128xf32, #tpu.memory_space<hbm>>)
      tpu.yield
    }) : () -> ()
    %mul3A_70 = arith.constant 640 : i32
    %mul3A_71 = arith.muli %arg1, %mul3A_70 : i32
    %add3A_72 = arith.constant 384 : i32
    %add3A_73 = arith.addi %mul3A_71, %add3A_72 : i32
    %mul3A_74 = arith.constant 640 : i32
    %mul3A_75 = arith.muli %arg1, %mul3A_74 : i32
    %add3A_76 = arith.constant 384 : i32
    %add3A_77 = arith.addi %mul3A_75, %add3A_76 : i32
    "tpu.region"() ({
      %run_scoped3A = tpu.sem_alloc : memref<!tpu.dma_semaphore, #tpu.memory_space<semaphore_mem>>
      %dma_start3A = arith.constant 0 : i32
      %dma_start3A_86 = arith.constant 0 : i32
      %dma_start3A_87 = tpu.memref_slice %arg5[%arg0, %dma_start3A, %dma_start3A_86] : memref<2x10240x128xf32, #tpu.memory_space<hbm>> -> memref<1x10240x128xf32, #tpu.memory_space<hbm>>
      %dma_start3A_88 = tpu.memref_squeeze %dma_start3A_87 : memref<1x10240x128xf32, #tpu.memory_space<hbm>> -> memref<10240x128xf32, #tpu.memory_space<hbm>>
      %dma_start3A_89 = arith.constant 0 : i32
      %dma_start3A_90 = tpu.memref_slice %dma_start3A_88[%add3A_77, %dma_start3A_89] : memref<10240x128xf32, #tpu.memory_space<hbm>> -> memref<128x128xf32, #tpu.memory_space<hbm>>
      %dma_start3A_91 = arith.constant 0 : i32
      %dma_start3A_92 = tpu.memref_slice %arg9[%add3A_73, %dma_start3A_91] : memref<10240x128xf32, #tpu.memory_space<vmem_shared>> -> memref<128x128xf32, #tpu.memory_space<vmem_shared>>
      tpu.enqueue_dma source(%dma_start3A_92 : memref<128x128xf32, #tpu.memory_space<vmem_shared>>) target(%dma_start3A_90 : memref<128x128xf32, #tpu.memory_space<hbm>>) target_semaphore(%run_scoped3A : memref<!tpu.dma_semaphore, #tpu.memory_space<semaphore_mem>>)
      %dma_wait3A = arith.constant 0 : i32
      %dma_wait3A_93 = arith.constant 0 : i32
      %dma_wait3A_94 = tpu.memref_slice %arg5[%arg0, %dma_wait3A, %dma_wait3A_93] : memref<2x10240x128xf32, #tpu.memory_space<hbm>> -> memref<1x10240x128xf32, #tpu.memory_space<hbm>>
      %dma_wait3A_95 = tpu.memref_squeeze %dma_wait3A_94 : memref<1x10240x128xf32, #tpu.memory_space<hbm>> -> memref<10240x128xf32, #tpu.memory_space<hbm>>
      %dma_wait3A_96 = arith.constant 0 : i32
      %dma_wait3A_97 = tpu.memref_slice %dma_wait3A_95[%add3A_77, %dma_wait3A_96] : memref<10240x128xf32, #tpu.memory_space<hbm>> -> memref<128x128xf32, #tpu.memory_space<hbm>>
      %dma_wait3A_98 = arith.constant 0 : i32
      %dma_wait3A_99 = tpu.memref_slice %arg9[%add3A_73, %dma_wait3A_98] : memref<10240x128xf32, #tpu.memory_space<vmem_shared>> -> memref<128x128xf32, #tpu.memory_space<vmem_shared>>
      tpu.wait_dma2 semaphore(%run_scoped3A : memref<!tpu.dma_semaphore, #tpu.memory_space<semaphore_mem>>) src(%dma_wait3A_99 : memref<128x128xf32, #tpu.memory_space<vmem_shared>>) dst(%dma_wait3A_97 : memref<128x128xf32, #tpu.memory_space<hbm>>)
      tpu.yield
    }) : () -> ()
    %mul3A_78 = arith.constant 640 : i32
    %mul3A_79 = arith.muli %arg1, %mul3A_78 : i32
    %add3A_80 = arith.constant 512 : i32
    %add3A_81 = arith.addi %mul3A_79, %add3A_80 : i32
    %mul3A_82 = arith.constant 640 : i32
    %mul3A_83 = arith.muli %arg1, %mul3A_82 : i32
    %add3A_84 = arith.constant 512 : i32
    %add3A_85 = arith.addi %mul3A_83, %add3A_84 : i32
    "tpu.region"() ({
      %run_scoped3A = tpu.sem_alloc : memref<!tpu.dma_semaphore, #tpu.memory_space<semaphore_mem>>
      %dma_start3A = arith.constant 0 : i32
      %dma_start3A_86 = arith.constant 0 : i32
      %dma_start3A_87 = tpu.memref_slice %arg5[%arg0, %dma_start3A, %dma_start3A_86] : memref<2x10240x128xf32, #tpu.memory_space<hbm>> -> memref<1x10240x128xf32, #tpu.memory_space<hbm>>
      %dma_start3A_88 = tpu.memref_squeeze %dma_start3A_87 : memref<1x10240x128xf32, #tpu.memory_space<hbm>> -> memref<10240x128xf32, #tpu.memory_space<hbm>>
      %dma_start3A_89 = arith.constant 0 : i32
      %dma_start3A_90 = tpu.memref_slice %dma_start3A_88[%add3A_85, %dma_start3A_89] : memref<10240x128xf32, #tpu.memory_space<hbm>> -> memref<128x128xf32, #tpu.memory_space<hbm>>
      %dma_start3A_91 = arith.constant 0 : i32
      %dma_start3A_92 = tpu.memref_slice %arg9[%add3A_81, %dma_start3A_91] : memref<10240x128xf32, #tpu.memory_space<vmem_shared>> -> memref<128x128xf32, #tpu.memory_space<vmem_shared>>
      tpu.enqueue_dma source(%dma_start3A_92 : memref<128x128xf32, #tpu.memory_space<vmem_shared>>) target(%dma_start3A_90 : memref<128x128xf32, #tpu.memory_space<hbm>>) target_semaphore(%run_scoped3A : memref<!tpu.dma_semaphore, #tpu.memory_space<semaphore_mem>>)
      %dma_wait3A = arith.constant 0 : i32
      %dma_wait3A_93 = arith.constant 0 : i32
      %dma_wait3A_94 = tpu.memref_slice %arg5[%arg0, %dma_wait3A, %dma_wait3A_93] : memref<2x10240x128xf32, #tpu.memory_space<hbm>> -> memref<1x10240x128xf32, #tpu.memory_space<hbm>>
      %dma_wait3A_95 = tpu.memref_squeeze %dma_wait3A_94 : memref<1x10240x128xf32, #tpu.memory_space<hbm>> -> memref<10240x128xf32, #tpu.memory_space<hbm>>
      %dma_wait3A_96 = arith.constant 0 : i32
      %dma_wait3A_97 = tpu.memref_slice %dma_wait3A_95[%add3A_85, %dma_wait3A_96] : memref<10240x128xf32, #tpu.memory_space<hbm>> -> memref<128x128xf32, #tpu.memory_space<hbm>>
      %dma_wait3A_98 = arith.constant 0 : i32
      %dma_wait3A_99 = tpu.memref_slice %arg9[%add3A_81, %dma_wait3A_98] : memref<10240x128xf32, #tpu.memory_space<vmem_shared>> -> memref<128x128xf32, #tpu.memory_space<vmem_shared>>
      tpu.wait_dma2 semaphore(%run_scoped3A : memref<!tpu.dma_semaphore, #tpu.memory_space<semaphore_mem>>) src(%dma_wait3A_99 : memref<128x128xf32, #tpu.memory_space<vmem_shared>>) dst(%dma_wait3A_97 : memref<128x128xf32, #tpu.memory_space<hbm>>)
      tpu.yield
    }) : () -> ()
    return
  }
}

#map = affine_map<(d0, d1) -> (0, 0, 0)>
module attributes {stable_mosaic.version = 14 : i64} {
  func.func @_sc_degree(%arg0: i32, %arg1: i32, %arg2: memref<2560x2x128xi32, #tpu.memory_space<hbm>>, %arg3: memref<2x10240x128xf32, #tpu.memory_space<hbm>>, %arg4: memref<16x2x128xi32, #tpu.memory_space<vmem>>, %arg5: memref<128x128xf32, #tpu.memory_space<vmem>>, %arg6: memref<10240x128xf32, #tpu.memory_space<vmem_shared>>) attributes {dimension_semantics = [#tpu.dimension_semantics<core_parallel>, #tpu.dimension_semantics<subcore_parallel>], iteration_bounds = array<i64: 2, 16>, scalar_prefetch = 0 : i64, scratch_operands = 3 : i64, tpu.core_type = #tpu.core_type<sc_vector_subcore>, window_params = [{transform_indices = #map}, {transform_indices = #map}]} {
    %eq3A = arith.constant 0 : i32
    %eq3A_0 = arith.cmpi eq, %arg0, %eq3A : i32
    %mul3A = arith.constant 80 : i32
    %mul3A_1 = arith.muli %arg1, %mul3A : i32
    %mul3A_2 = arith.constant 80 : i32
    %mul3A_3 = arith.muli %arg1, %mul3A_2 : i32
    %add3A = arith.constant 1280 : i32
    %add3A_4 = arith.addi %add3A, %mul3A_3 : i32
    %select_n3A = arith.select %eq3A_0, %mul3A_1, %add3A_4 : i32
    %eq3A_5 = arith.constant 0 : i32
    %eq3A_6 = arith.cmpi eq, %arg0, %eq3A_5 : i32
    %jit3A = arith.constant 5 : i32
    %jit3A_7 = arith.constant 5 : i32
    %select_n3A_8 = arith.select %eq3A_6, %jit3A, %jit3A_7 : i32
    %broadcast_in_dim3A = arith.constant 0.000000e+00 : f32
    %broadcast_in_dim3A_9 = vector.broadcast %broadcast_in_dim3A : f32 to vector<16xf32>
    %scan3A = arith.constant 0 : i32
    %scan3A_10 = arith.constant 128 : i32
    %scan3A_11 = arith.addi %scan3A, %scan3A_10 : i32
    %scan3A_12 = arith.constant 1 : i32
    scf.for %scan3A_98 = %scan3A to %scan3A_11 step %scan3A_12  : i32 {
      %mul3A_99 = arith.constant 1 : i32
      %mul3A_100 = arith.muli %scan3A_98, %mul3A_99 : i32
      %add3A_101 = arith.constant 0 : i32
      %add3A_102 = arith.addi %add3A_101, %mul3A_100 : i32
      %swap3A = arith.index_cast %add3A_102 : i32 to index
      %swap3A_103 = arith.constant 0 : index
      %swap3A_104 = tpu.vector_load %arg5[%swap3A, %swap3A_103] {strides = array<i32>} : memref<128x128xf32, #tpu.memory_space<vmem>>, vector<1x16xf32>,
      %swap3A_105 = vector.shape_cast %swap3A_104 : vector<1x16xf32> to vector<16xf32>
      %swap3A_106 = vector.shape_cast %broadcast_in_dim3A_9 : vector<16xf32> to vector<1x16xf32>
      tpu.vector_store %arg5[%swap3A, %swap3A_103], %swap3A_106 {strides = array<i32>} : memref<128x128xf32, #tpu.memory_space<vmem>>, vector<1x16xf32>,
      %swap3A_107 = arith.index_cast %add3A_102 : i32 to index
      %swap3A_108 = arith.constant 16 : index
      %swap3A_109 = tpu.vector_load %arg5[%swap3A_107, %swap3A_108] {strides = array<i32>} : memref<128x128xf32, #tpu.memory_space<vmem>>, vector<1x16xf32>,
      %swap3A_110 = vector.shape_cast %swap3A_109 : vector<1x16xf32> to vector<16xf32>
      %swap3A_111 = vector.shape_cast %broadcast_in_dim3A_9 : vector<16xf32> to vector<1x16xf32>
      tpu.vector_store %arg5[%swap3A_107, %swap3A_108], %swap3A_111 {strides = array<i32>} : memref<128x128xf32, #tpu.memory_space<vmem>>, vector<1x16xf32>,
      %swap3A_112 = arith.index_cast %add3A_102 : i32 to index
      %swap3A_113 = arith.constant 32 : index
      %swap3A_114 = tpu.vector_load %arg5[%swap3A_112, %swap3A_113] {strides = array<i32>} : memref<128x128xf32, #tpu.memory_space<vmem>>, vector<1x16xf32>,
      %swap3A_115 = vector.shape_cast %swap3A_114 : vector<1x16xf32> to vector<16xf32>
      %swap3A_116 = vector.shape_cast %broadcast_in_dim3A_9 : vector<16xf32> to vector<1x16xf32>
      tpu.vector_store %arg5[%swap3A_112, %swap3A_113], %swap3A_116 {strides = array<i32>} : memref<128x128xf32, #tpu.memory_space<vmem>>, vector<1x16xf32>,
      %swap3A_117 = arith.index_cast %add3A_102 : i32 to index
      %swap3A_118 = arith.constant 48 : index
      %swap3A_119 = tpu.vector_load %arg5[%swap3A_117, %swap3A_118] {strides = array<i32>} : memref<128x128xf32, #tpu.memory_space<vmem>>, vector<1x16xf32>,
      %swap3A_120 = vector.shape_cast %swap3A_119 : vector<1x16xf32> to vector<16xf32>
      %swap3A_121 = vector.shape_cast %broadcast_in_dim3A_9 : vector<16xf32> to vector<1x16xf32>
      tpu.vector_store %arg5[%swap3A_117, %swap3A_118], %swap3A_121 {strides = array<i32>} : memref<128x128xf32, #tpu.memory_space<vmem>>, vector<1x16xf32>,
      %swap3A_122 = arith.index_cast %add3A_102 : i32 to index
      %swap3A_123 = arith.constant 64 : index
      %swap3A_124 = tpu.vector_load %arg5[%swap3A_122, %swap3A_123] {strides = array<i32>} : memref<128x128xf32, #tpu.memory_space<vmem>>, vector<1x16xf32>,
      %swap3A_125 = vector.shape_cast %swap3A_124 : vector<1x16xf32> to vector<16xf32>
      %swap3A_126 = vector.shape_cast %broadcast_in_dim3A_9 : vector<16xf32> to vector<1x16xf32>
      tpu.vector_store %arg5[%swap3A_122, %swap3A_123], %swap3A_126 {strides = array<i32>} : memref<128x128xf32, #tpu.memory_space<vmem>>, vector<1x16xf32>,
      %swap3A_127 = arith.index_cast %add3A_102 : i32 to index
      %swap3A_128 = arith.constant 80 : index
      %swap3A_129 = tpu.vector_load %arg5[%swap3A_127, %swap3A_128] {strides = array<i32>} : memref<128x128xf32, #tpu.memory_space<vmem>>, vector<1x16xf32>,
      %swap3A_130 = vector.shape_cast %swap3A_129 : vector<1x16xf32> to vector<16xf32>
      %swap3A_131 = vector.shape_cast %broadcast_in_dim3A_9 : vector<16xf32> to vector<1x16xf32>
      tpu.vector_store %arg5[%swap3A_127, %swap3A_128], %swap3A_131 {strides = array<i32>} : memref<128x128xf32, #tpu.memory_space<vmem>>, vector<1x16xf32>,
      %swap3A_132 = arith.index_cast %add3A_102 : i32 to index
      %swap3A_133 = arith.constant 96 : index
      %swap3A_134 = tpu.vector_load %arg5[%swap3A_132, %swap3A_133] {strides = array<i32>} : memref<128x128xf32, #tpu.memory_space<vmem>>, vector<1x16xf32>,
      %swap3A_135 = vector.shape_cast %swap3A_134 : vector<1x16xf32> to vector<16xf32>
      %swap3A_136 = vector.shape_cast %broadcast_in_dim3A_9 : vector<16xf32> to vector<1x16xf32>
      tpu.vector_store %arg5[%swap3A_132, %swap3A_133], %swap3A_136 {strides = array<i32>} : memref<128x128xf32, #tpu.memory_space<vmem>>, vector<1x16xf32>,
      %swap3A_137 = arith.index_cast %add3A_102 : i32 to index
      %swap3A_138 = arith.constant 112 : index
      %swap3A_139 = tpu.vector_load %arg5[%swap3A_137, %swap3A_138] {strides = array<i32>} : memref<128x128xf32, #tpu.memory_space<vmem>>, vector<1x16xf32>,
      %swap3A_140 = vector.shape_cast %swap3A_139 : vector<1x16xf32> to vector<16xf32>
      %swap3A_141 = vector.shape_cast %broadcast_in_dim3A_9 : vector<16xf32> to vector<1x16xf32>
      tpu.vector_store %arg5[%swap3A_137, %swap3A_138], %swap3A_141 {strides = array<i32>} : memref<128x128xf32, #tpu.memory_space<vmem>>, vector<1x16xf32>,
    }
    %scan3A_13 = arith.constant 128 : i32
    %mul3A_14 = arith.constant 640 : i32
    %mul3A_15 = arith.muli %arg1, %mul3A_14 : i32
    %add3A_16 = arith.constant 0 : i32
    %add3A_17 = arith.addi %mul3A_15, %add3A_16 : i32
    "tpu.region"() ({
      %run_scoped3A = tpu.sem_alloc : memref<!tpu.dma_semaphore, #tpu.memory_space<semaphore_mem>>
      %dma_start3A = arith.constant 0 : i32
      %dma_start3A_98 = tpu.memref_slice %arg6[%add3A_17, %dma_start3A] : memref<10240x128xf32, #tpu.memory_space<vmem_shared>> -> memref<128x128xf32, #tpu.memory_space<vmem_shared>>
      %dma_start3A_99 = arith.constant 0 : i32
      %dma_start3A_100 = tpu.memref_slice %arg6[%add3A_17, %dma_start3A_99] : memref<10240x128xf32, #tpu.memory_space<vmem_shared>> -> memref<128x128xf32, #tpu.memory_space<vmem_shared>>
      tpu.enqueue_dma source(%arg5 : memref<128x128xf32, #tpu.memory_space<vmem>>) target(%dma_start3A_100 : memref<128x128xf32, #tpu.memory_space<vmem_shared>>) target_semaphore(%run_scoped3A : memref<!tpu.dma_semaphore, #tpu.memory_space<semaphore_mem>>)
      %dma_wait3A = arith.constant 0 : i32
      %dma_wait3A_101 = tpu.memref_slice %arg6[%add3A_17, %dma_wait3A] : memref<10240x128xf32, #tpu.memory_space<vmem_shared>> -> memref<128x128xf32, #tpu.memory_space<vmem_shared>>
      %dma_wait3A_102 = arith.constant 0 : i32
      %dma_wait3A_103 = tpu.memref_slice %arg6[%add3A_17, %dma_wait3A_102] : memref<10240x128xf32, #tpu.memory_space<vmem_shared>> -> memref<128x128xf32, #tpu.memory_space<vmem_shared>>
      tpu.wait_dma2 semaphore(%run_scoped3A : memref<!tpu.dma_semaphore, #tpu.memory_space<semaphore_mem>>) src(%arg5 : memref<128x128xf32, #tpu.memory_space<vmem>>) dst(%dma_wait3A_103 : memref<128x128xf32, #tpu.memory_space<vmem_shared>>)
      tpu.yield
    }) : () -> ()
    %mul3A_18 = arith.constant 640 : i32
    %mul3A_19 = arith.muli %arg1, %mul3A_18 : i32
    %add3A_20 = arith.constant 128 : i32
    %add3A_21 = arith.addi %mul3A_19, %add3A_20 : i32
    "tpu.region"() ({
      %run_scoped3A = tpu.sem_alloc : memref<!tpu.dma_semaphore, #tpu.memory_space<semaphore_mem>>
      %dma_start3A = arith.constant 0 : i32
      %dma_start3A_98 = tpu.memref_slice %arg6[%add3A_21, %dma_start3A] : memref<10240x128xf32, #tpu.memory_space<vmem_shared>> -> memref<128x128xf32, #tpu.memory_space<vmem_shared>>
      %dma_start3A_99 = arith.constant 0 : i32
      %dma_start3A_100 = tpu.memref_slice %arg6[%add3A_21, %dma_start3A_99] : memref<10240x128xf32, #tpu.memory_space<vmem_shared>> -> memref<128x128xf32, #tpu.memory_space<vmem_shared>>
      tpu.enqueue_dma source(%arg5 : memref<128x128xf32, #tpu.memory_space<vmem>>) target(%dma_start3A_100 : memref<128x128xf32, #tpu.memory_space<vmem_shared>>) target_semaphore(%run_scoped3A : memref<!tpu.dma_semaphore, #tpu.memory_space<semaphore_mem>>)
      %dma_wait3A = arith.constant 0 : i32
      %dma_wait3A_101 = tpu.memref_slice %arg6[%add3A_21, %dma_wait3A] : memref<10240x128xf32, #tpu.memory_space<vmem_shared>> -> memref<128x128xf32, #tpu.memory_space<vmem_shared>>
      %dma_wait3A_102 = arith.constant 0 : i32
      %dma_wait3A_103 = tpu.memref_slice %arg6[%add3A_21, %dma_wait3A_102] : memref<10240x128xf32, #tpu.memory_space<vmem_shared>> -> memref<128x128xf32, #tpu.memory_space<vmem_shared>>
      tpu.wait_dma2 semaphore(%run_scoped3A : memref<!tpu.dma_semaphore, #tpu.memory_space<semaphore_mem>>) src(%arg5 : memref<128x128xf32, #tpu.memory_space<vmem>>) dst(%dma_wait3A_103 : memref<128x128xf32, #tpu.memory_space<vmem_shared>>)
      tpu.yield
    }) : () -> ()
    %mul3A_22 = arith.constant 640 : i32
    %mul3A_23 = arith.muli %arg1, %mul3A_22 : i32
    %add3A_24 = arith.constant 256 : i32
    %add3A_25 = arith.addi %mul3A_23, %add3A_24 : i32
    "tpu.region"() ({
      %run_scoped3A = tpu.sem_alloc : memref<!tpu.dma_semaphore, #tpu.memory_space<semaphore_mem>>
      %dma_start3A = arith.constant 0 : i32
      %dma_start3A_98 = tpu.memref_slice %arg6[%add3A_25, %dma_start3A] : memref<10240x128xf32, #tpu.memory_space<vmem_shared>> -> memref<128x128xf32, #tpu.memory_space<vmem_shared>>
      %dma_start3A_99 = arith.constant 0 : i32
      %dma_start3A_100 = tpu.memref_slice %arg6[%add3A_25, %dma_start3A_99] : memref<10240x128xf32, #tpu.memory_space<vmem_shared>> -> memref<128x128xf32, #tpu.memory_space<vmem_shared>>
      tpu.enqueue_dma source(%arg5 : memref<128x128xf32, #tpu.memory_space<vmem>>) target(%dma_start3A_100 : memref<128x128xf32, #tpu.memory_space<vmem_shared>>) target_semaphore(%run_scoped3A : memref<!tpu.dma_semaphore, #tpu.memory_space<semaphore_mem>>)
      %dma_wait3A = arith.constant 0 : i32
      %dma_wait3A_101 = tpu.memref_slice %arg6[%add3A_25, %dma_wait3A] : memref<10240x128xf32, #tpu.memory_space<vmem_shared>> -> memref<128x128xf32, #tpu.memory_space<vmem_shared>>
      %dma_wait3A_102 = arith.constant 0 : i32
      %dma_wait3A_103 = tpu.memref_slice %arg6[%add3A_25, %dma_wait3A_102] : memref<10240x128xf32, #tpu.memory_space<vmem_shared>> -> memref<128x128xf32, #tpu.memory_space<vmem_shared>>
      tpu.wait_dma2 semaphore(%run_scoped3A : memref<!tpu.dma_semaphore, #tpu.memory_space<semaphore_mem>>) src(%arg5 : memref<128x128xf32, #tpu.memory_space<vmem>>) dst(%dma_wait3A_103 : memref<128x128xf32, #tpu.memory_space<vmem_shared>>)
      tpu.yield
    }) : () -> ()
    %mul3A_26 = arith.constant 640 : i32
    %mul3A_27 = arith.muli %arg1, %mul3A_26 : i32
    %add3A_28 = arith.constant 384 : i32
    %add3A_29 = arith.addi %mul3A_27, %add3A_28 : i32
    "tpu.region"() ({
      %run_scoped3A = tpu.sem_alloc : memref<!tpu.dma_semaphore, #tpu.memory_space<semaphore_mem>>
      %dma_start3A = arith.constant 0 : i32
      %dma_start3A_98 = tpu.memref_slice %arg6[%add3A_29, %dma_start3A] : memref<10240x128xf32, #tpu.memory_space<vmem_shared>> -> memref<128x128xf32, #tpu.memory_space<vmem_shared>>
      %dma_start3A_99 = arith.constant 0 : i32
      %dma_start3A_100 = tpu.memref_slice %arg6[%add3A_29, %dma_start3A_99] : memref<10240x128xf32, #tpu.memory_space<vmem_shared>> -> memref<128x128xf32, #tpu.memory_space<vmem_shared>>
      tpu.enqueue_dma source(%arg5 : memref<128x128xf32, #tpu.memory_space<vmem>>) target(%dma_start3A_100 : memref<128x128xf32, #tpu.memory_space<vmem_shared>>) target_semaphore(%run_scoped3A : memref<!tpu.dma_semaphore, #tpu.memory_space<semaphore_mem>>)
      %dma_wait3A = arith.constant 0 : i32
      %dma_wait3A_101 = tpu.memref_slice %arg6[%add3A_29, %dma_wait3A] : memref<10240x128xf32, #tpu.memory_space<vmem_shared>> -> memref<128x128xf32, #tpu.memory_space<vmem_shared>>
      %dma_wait3A_102 = arith.constant 0 : i32
      %dma_wait3A_103 = tpu.memref_slice %arg6[%add3A_29, %dma_wait3A_102] : memref<10240x128xf32, #tpu.memory_space<vmem_shared>> -> memref<128x128xf32, #tpu.memory_space<vmem_shared>>
      tpu.wait_dma2 semaphore(%run_scoped3A : memref<!tpu.dma_semaphore, #tpu.memory_space<semaphore_mem>>) src(%arg5 : memref<128x128xf32, #tpu.memory_space<vmem>>) dst(%dma_wait3A_103 : memref<128x128xf32, #tpu.memory_space<vmem_shared>>)
      tpu.yield
    }) : () -> ()
    %mul3A_30 = arith.constant 640 : i32
    %mul3A_31 = arith.muli %arg1, %mul3A_30 : i32
    %add3A_32 = arith.constant 512 : i32
    %add3A_33 = arith.addi %mul3A_31, %add3A_32 : i32
    "tpu.region"() ({
      %run_scoped3A = tpu.sem_alloc : memref<!tpu.dma_semaphore, #tpu.memory_space<semaphore_mem>>
      %dma_start3A = arith.constant 0 : i32
      %dma_start3A_98 = tpu.memref_slice %arg6[%add3A_33, %dma_start3A] : memref<10240x128xf32, #tpu.memory_space<vmem_shared>> -> memref<128x128xf32, #tpu.memory_space<vmem_shared>>
      %dma_start3A_99 = arith.constant 0 : i32
      %dma_start3A_100 = tpu.memref_slice %arg6[%add3A_33, %dma_start3A_99] : memref<10240x128xf32, #tpu.memory_space<vmem_shared>> -> memref<128x128xf32, #tpu.memory_space<vmem_shared>>
      tpu.enqueue_dma source(%arg5 : memref<128x128xf32, #tpu.memory_space<vmem>>) target(%dma_start3A_100 : memref<128x128xf32, #tpu.memory_space<vmem_shared>>) target_semaphore(%run_scoped3A : memref<!tpu.dma_semaphore, #tpu.memory_space<semaphore_mem>>)
      %dma_wait3A = arith.constant 0 : i32
      %dma_wait3A_101 = tpu.memref_slice %arg6[%add3A_33, %dma_wait3A] : memref<10240x128xf32, #tpu.memory_space<vmem_shared>> -> memref<128x128xf32, #tpu.memory_space<vmem_shared>>
      %dma_wait3A_102 = arith.constant 0 : i32
      %dma_wait3A_103 = tpu.memref_slice %arg6[%add3A_33, %dma_wait3A_102] : memref<10240x128xf32, #tpu.memory_space<vmem_shared>> -> memref<128x128xf32, #tpu.memory_space<vmem_shared>>
      tpu.wait_dma2 semaphore(%run_scoped3A : memref<!tpu.dma_semaphore, #tpu.memory_space<semaphore_mem>>) src(%arg5 : memref<128x128xf32, #tpu.memory_space<vmem>>) dst(%dma_wait3A_103 : memref<128x128xf32, #tpu.memory_space<vmem_shared>>)
      tpu.yield
    }) : () -> ()
    %broadcast_in_dim3A_34 = arith.constant 1.000000e+00 : f32
    %broadcast_in_dim3A_35 = vector.broadcast %broadcast_in_dim3A_34 : f32 to vector<16xf32>
    %scan3A_36 = arith.constant 0 : i32
    %scan3A_37 = arith.constant 128 : i32
    %scan3A_38 = arith.addi %scan3A_36, %scan3A_37 : i32
    %scan3A_39 = arith.constant 1 : i32
    scf.for %scan3A_98 = %scan3A_36 to %scan3A_38 step %scan3A_39  : i32 {
      %mul3A_99 = arith.constant 1 : i32
      %mul3A_100 = arith.muli %scan3A_98, %mul3A_99 : i32
      %add3A_101 = arith.constant 0 : i32
      %add3A_102 = arith.addi %add3A_101, %mul3A_100 : i32
      %swap3A = arith.index_cast %add3A_102 : i32 to index
      %swap3A_103 = arith.constant 0 : index
      %swap3A_104 = tpu.vector_load %arg5[%swap3A, %swap3A_103] {strides = array<i32>} : memref<128x128xf32, #tpu.memory_space<vmem>>, vector<1x16xf32>,
      %swap3A_105 = vector.shape_cast %swap3A_104 : vector<1x16xf32> to vector<16xf32>
      %swap3A_106 = vector.shape_cast %broadcast_in_dim3A_35 : vector<16xf32> to vector<1x16xf32>
      tpu.vector_store %arg5[%swap3A, %swap3A_103], %swap3A_106 {strides = array<i32>} : memref<128x128xf32, #tpu.memory_space<vmem>>, vector<1x16xf32>,
      %swap3A_107 = arith.index_cast %add3A_102 : i32 to index
      %swap3A_108 = arith.constant 16 : index
      %swap3A_109 = tpu.vector_load %arg5[%swap3A_107, %swap3A_108] {strides = array<i32>} : memref<128x128xf32, #tpu.memory_space<vmem>>, vector<1x16xf32>,
      %swap3A_110 = vector.shape_cast %swap3A_109 : vector<1x16xf32> to vector<16xf32>
      %swap3A_111 = vector.shape_cast %broadcast_in_dim3A_35 : vector<16xf32> to vector<1x16xf32>
      tpu.vector_store %arg5[%swap3A_107, %swap3A_108], %swap3A_111 {strides = array<i32>} : memref<128x128xf32, #tpu.memory_space<vmem>>, vector<1x16xf32>,
      %swap3A_112 = arith.index_cast %add3A_102 : i32 to index
      %swap3A_113 = arith.constant 32 : index
      %swap3A_114 = tpu.vector_load %arg5[%swap3A_112, %swap3A_113] {strides = array<i32>} : memref<128x128xf32, #tpu.memory_space<vmem>>, vector<1x16xf32>,
      %swap3A_115 = vector.shape_cast %swap3A_114 : vector<1x16xf32> to vector<16xf32>
      %swap3A_116 = vector.shape_cast %broadcast_in_dim3A_35 : vector<16xf32> to vector<1x16xf32>
      tpu.vector_store %arg5[%swap3A_112, %swap3A_113], %swap3A_116 {strides = array<i32>} : memref<128x128xf32, #tpu.memory_space<vmem>>, vector<1x16xf32>,
      %swap3A_117 = arith.index_cast %add3A_102 : i32 to index
      %swap3A_118 = arith.constant 48 : index
      %swap3A_119 = tpu.vector_load %arg5[%swap3A_117, %swap3A_118] {strides = array<i32>} : memref<128x128xf32, #tpu.memory_space<vmem>>, vector<1x16xf32>,
      %swap3A_120 = vector.shape_cast %swap3A_119 : vector<1x16xf32> to vector<16xf32>
      %swap3A_121 = vector.shape_cast %broadcast_in_dim3A_35 : vector<16xf32> to vector<1x16xf32>
      tpu.vector_store %arg5[%swap3A_117, %swap3A_118], %swap3A_121 {strides = array<i32>} : memref<128x128xf32, #tpu.memory_space<vmem>>, vector<1x16xf32>,
      %swap3A_122 = arith.index_cast %add3A_102 : i32 to index
      %swap3A_123 = arith.constant 64 : index
      %swap3A_124 = tpu.vector_load %arg5[%swap3A_122, %swap3A_123] {strides = array<i32>} : memref<128x128xf32, #tpu.memory_space<vmem>>, vector<1x16xf32>,
      %swap3A_125 = vector.shape_cast %swap3A_124 : vector<1x16xf32> to vector<16xf32>
      %swap3A_126 = vector.shape_cast %broadcast_in_dim3A_35 : vector<16xf32> to vector<1x16xf32>
      tpu.vector_store %arg5[%swap3A_122, %swap3A_123], %swap3A_126 {strides = array<i32>} : memref<128x128xf32, #tpu.memory_space<vmem>>, vector<1x16xf32>,
      %swap3A_127 = arith.index_cast %add3A_102 : i32 to index
      %swap3A_128 = arith.constant 80 : index
      %swap3A_129 = tpu.vector_load %arg5[%swap3A_127, %swap3A_128] {strides = array<i32>} : memref<128x128xf32, #tpu.memory_space<vmem>>, vector<1x16xf32>,
      %swap3A_130 = vector.shape_cast %swap3A_129 : vector<1x16xf32> to vector<16xf32>
      %swap3A_131 = vector.shape_cast %broadcast_in_dim3A_35 : vector<16xf32> to vector<1x16xf32>
      tpu.vector_store %arg5[%swap3A_127, %swap3A_128], %swap3A_131 {strides = array<i32>} : memref<128x128xf32, #tpu.memory_space<vmem>>, vector<1x16xf32>,
      %swap3A_132 = arith.index_cast %add3A_102 : i32 to index
      %swap3A_133 = arith.constant 96 : index
      %swap3A_134 = tpu.vector_load %arg5[%swap3A_132, %swap3A_133] {strides = array<i32>} : memref<128x128xf32, #tpu.memory_space<vmem>>, vector<1x16xf32>,
      %swap3A_135 = vector.shape_cast %swap3A_134 : vector<1x16xf32> to vector<16xf32>
      %swap3A_136 = vector.shape_cast %broadcast_in_dim3A_35 : vector<16xf32> to vector<1x16xf32>
      tpu.vector_store %arg5[%swap3A_132, %swap3A_133], %swap3A_136 {strides = array<i32>} : memref<128x128xf32, #tpu.memory_space<vmem>>, vector<1x16xf32>,
      %swap3A_137 = arith.index_cast %add3A_102 : i32 to index
      %swap3A_138 = arith.constant 112 : index
      %swap3A_139 = tpu.vector_load %arg5[%swap3A_137, %swap3A_138] {strides = array<i32>} : memref<128x128xf32, #tpu.memory_space<vmem>>, vector<1x16xf32>,
      %swap3A_140 = vector.shape_cast %swap3A_139 : vector<1x16xf32> to vector<16xf32>
      %swap3A_141 = vector.shape_cast %broadcast_in_dim3A_35 : vector<16xf32> to vector<1x16xf32>
      tpu.vector_store %arg5[%swap3A_137, %swap3A_138], %swap3A_141 {strides = array<i32>} : memref<128x128xf32, #tpu.memory_space<vmem>>, vector<1x16xf32>,
    }
    %scan3A_40 = arith.constant 128 : i32
    %barrier3A = arith.constant 0 : index
    tpu.barrier barrier_id(%barrier3A)
    %sub3A = arith.constant 0 : i32
    %sub3A_41 = arith.subi %select_n3A_8, %sub3A : i32
    %sub3A_42 = arith.constant 1 : i32
    %sub3A_43 = arith.constant 1 : i32
    %sub3A_44 = arith.subi %sub3A_42, %sub3A_43 : i32
    %add3A_45 = arith.addi %sub3A_41, %sub3A_44 : i32
    %div3A = arith.constant 1 : i32
    %div3A_46 = arith.divsi %add3A_45, %div3A : i32
    %while3A = arith.constant 1 : i32
    %while3A_47 = arith.constant 0 : i32
    %while3A_48 = arith.constant 0 : i32
    %while3A_49 = arith.subi %div3A_46, %while3A_48 : i32
    %while3A_50 = arith.addi %while3A_48, %while3A_49 : i32
    %while3A_51 = arith.constant 1 : i32
    %while3A_52 = arith.divsi %while3A_49, %while3A_51 : i32
    %while3A_53 = arith.muli %while3A_52, %while3A_51 : i32
    %while3A_54 = arith.addi %while3A_48, %while3A_53 : i32
    %while3A_55 = arith.constant 1 : i32
    scf.for %while3A_98 = %while3A_48 to %while3A_54 step %while3A_55  : i32 {
      %mul3A_99 = arith.muli %while3A_98, %while3A : i32
      %add3A_100 = arith.addi %while3A_47, %mul3A_99 : i32
      %mul3A_101 = arith.constant 16 : i32
      %mul3A_102 = arith.muli %add3A_100, %mul3A_101 : i32
      %add3A_103 = arith.addi %select_n3A, %mul3A_102 : i32
      "tpu.region"() ({
        %run_scoped3A = tpu.sem_alloc : memref<!tpu.dma_semaphore, #tpu.memory_space<semaphore_mem>>
        %dma_start3A = arith.constant 0 : i32
        %dma_start3A_109 = arith.constant 0 : i32
        %dma_start3A_110 = tpu.memref_slice %arg2[%add3A_103, %dma_start3A, %dma_start3A_109] : memref<2560x2x128xi32, #tpu.memory_space<hbm>> -> memref<16x2x128xi32, #tpu.memory_space<hbm>>
        %dma_start3A_111 = arith.constant 0 : i32
        %dma_start3A_112 = arith.constant 0 : i32
        %dma_start3A_113 = tpu.memref_slice %arg2[%add3A_103, %dma_start3A_111, %dma_start3A_112] : memref<2560x2x128xi32, #tpu.memory_space<hbm>> -> memref<16x2x128xi32, #tpu.memory_space<hbm>>
        tpu.enqueue_dma source(%dma_start3A_113 : memref<16x2x128xi32, #tpu.memory_space<hbm>>) target(%arg4 : memref<16x2x128xi32, #tpu.memory_space<vmem>>) target_semaphore(%run_scoped3A : memref<!tpu.dma_semaphore, #tpu.memory_space<semaphore_mem>>)
        %dma_wait3A = arith.constant 0 : i32
        %dma_wait3A_114 = arith.constant 0 : i32
        %dma_wait3A_115 = tpu.memref_slice %arg2[%add3A_103, %dma_wait3A, %dma_wait3A_114] : memref<2560x2x128xi32, #tpu.memory_space<hbm>> -> memref<16x2x128xi32, #tpu.memory_space<hbm>>
        %dma_wait3A_116 = arith.constant 0 : i32
        %dma_wait3A_117 = arith.constant 0 : i32
        %dma_wait3A_118 = tpu.memref_slice %arg2[%add3A_103, %dma_wait3A_116, %dma_wait3A_117] : memref<2560x2x128xi32, #tpu.memory_space<hbm>> -> memref<16x2x128xi32, #tpu.memory_space<hbm>>
        tpu.wait_dma2 semaphore(%run_scoped3A : memref<!tpu.dma_semaphore, #tpu.memory_space<semaphore_mem>>) src(%dma_wait3A_118 : memref<16x2x128xi32, #tpu.memory_space<hbm>>) dst(%arg4 : memref<16x2x128xi32, #tpu.memory_space<vmem>>)
        tpu.yield
      }) : () -> ()
      %scan3A_104 = arith.constant 0 : i32
      %scan3A_105 = arith.constant 16 : i32
      %scan3A_106 = arith.addi %scan3A_104, %scan3A_105 : i32
      %scan3A_107 = arith.constant 1 : i32
      scf.for %scan3A_109 = %scan3A_104 to %scan3A_106 step %scan3A_107  : i32 {
        %mul3A_110 = arith.constant 1 : i32
        %mul3A_111 = arith.muli %scan3A_109, %mul3A_110 : i32
        %add3A_112 = arith.constant 0 : i32
        %add3A_113 = arith.addi %add3A_112, %mul3A_111 : i32
        %run_scoped3A = arith.constant 1 : i32
        "tpu.region"() ({
          %run_scoped3A_114 = tpu.sem_alloc : memref<!tpu.dma_semaphore, #tpu.memory_space<semaphore_mem>>
          %dma_start3A = arith.constant 0 : i32
          %dma_start3A_115 = tpu.memref_slice %arg4[%add3A_113, %run_scoped3A, %dma_start3A] : memref<16x2x128xi32, #tpu.memory_space<vmem>> -> memref<1x1x128xi32, #tpu.memory_space<vmem>>
          %dma_start3A_116 = tpu.memref_squeeze %dma_start3A_115 : memref<1x1x128xi32, #tpu.memory_space<vmem>> -> memref<128xi32, #tpu.memory_space<vmem>>
          %dma_start3A_117 = arith.constant 0 : i32
          %dma_start3A_118 = arith.constant 0 : i32
          %dma_start3A_119 = tpu.memref_slice %arg6[%dma_start3A_117, %dma_start3A_118] : memref<10240x128xf32, #tpu.memory_space<vmem_shared>> -> memref<10240x128xf32, #tpu.memory_space<vmem_shared>>
          tpu.enqueue_indirect_dma source(%arg5 : memref<128x128xf32, #tpu.memory_space<vmem>>) target(%dma_start3A_119 : memref<10240x128xf32, #tpu.memory_space<vmem_shared>>) offsets(%dma_start3A_116 : memref<128xi32, #tpu.memory_space<vmem>>) semaphore(%run_scoped3A_114 : memref<!tpu.dma_semaphore, #tpu.memory_space<semaphore_mem>>) {add = true}
          %dma_wait3A = arith.constant 0 : i32
          %dma_wait3A_120 = tpu.memref_slice %arg4[%add3A_113, %run_scoped3A, %dma_wait3A] : memref<16x2x128xi32, #tpu.memory_space<vmem>> -> memref<1x1x128xi32, #tpu.memory_space<vmem>>
          %dma_wait3A_121 = tpu.memref_squeeze %dma_wait3A_120 : memref<1x1x128xi32, #tpu.memory_space<vmem>> -> memref<128xi32, #tpu.memory_space<vmem>>
          %dma_wait3A_122 = arith.constant 0 : i32
          %dma_wait3A_123 = arith.constant 0 : i32
          %dma_wait3A_124 = tpu.memref_slice %arg6[%dma_wait3A_122, %dma_wait3A_123] : memref<10240x128xf32, #tpu.memory_space<vmem_shared>> -> memref<10240x128xf32, #tpu.memory_space<vmem_shared>>
          tpu.wait_indirect_dma semaphore(%run_scoped3A_114 : memref<!tpu.dma_semaphore, #tpu.memory_space<semaphore_mem>>) src(%arg5 : memref<128x128xf32, #tpu.memory_space<vmem>>) dst(%dma_wait3A_124 : memref<10240x128xf32, #tpu.memory_space<vmem_shared>>)
          tpu.yield
        }) : () -> ()
      }
      %scan3A_108 = arith.constant 16 : i32
    }
    %while3A_56 = arith.constant 1 : i32
    scf.for %while3A_98 = %while3A_54 to %while3A_50 step %while3A_56  : i32 {
      %mul3A_99 = arith.muli %while3A_98, %while3A : i32
      %add3A_100 = arith.addi %while3A_47, %mul3A_99 : i32
      %mul3A_101 = arith.constant 16 : i32
      %mul3A_102 = arith.muli %add3A_100, %mul3A_101 : i32
      %add3A_103 = arith.addi %select_n3A, %mul3A_102 : i32
      "tpu.region"() ({
        %run_scoped3A = tpu.sem_alloc : memref<!tpu.dma_semaphore, #tpu.memory_space<semaphore_mem>>
        %dma_start3A = arith.constant 0 : i32
        %dma_start3A_109 = arith.constant 0 : i32
        %dma_start3A_110 = tpu.memref_slice %arg2[%add3A_103, %dma_start3A, %dma_start3A_109] : memref<2560x2x128xi32, #tpu.memory_space<hbm>> -> memref<16x2x128xi32, #tpu.memory_space<hbm>>
        %dma_start3A_111 = arith.constant 0 : i32
        %dma_start3A_112 = arith.constant 0 : i32
        %dma_start3A_113 = tpu.memref_slice %arg2[%add3A_103, %dma_start3A_111, %dma_start3A_112] : memref<2560x2x128xi32, #tpu.memory_space<hbm>> -> memref<16x2x128xi32, #tpu.memory_space<hbm>>
        tpu.enqueue_dma source(%dma_start3A_113 : memref<16x2x128xi32, #tpu.memory_space<hbm>>) target(%arg4 : memref<16x2x128xi32, #tpu.memory_space<vmem>>) target_semaphore(%run_scoped3A : memref<!tpu.dma_semaphore, #tpu.memory_space<semaphore_mem>>)
        %dma_wait3A = arith.constant 0 : i32
        %dma_wait3A_114 = arith.constant 0 : i32
        %dma_wait3A_115 = tpu.memref_slice %arg2[%add3A_103, %dma_wait3A, %dma_wait3A_114] : memref<2560x2x128xi32, #tpu.memory_space<hbm>> -> memref<16x2x128xi32, #tpu.memory_space<hbm>>
        %dma_wait3A_116 = arith.constant 0 : i32
        %dma_wait3A_117 = arith.constant 0 : i32
        %dma_wait3A_118 = tpu.memref_slice %arg2[%add3A_103, %dma_wait3A_116, %dma_wait3A_117] : memref<2560x2x128xi32, #tpu.memory_space<hbm>> -> memref<16x2x128xi32, #tpu.memory_space<hbm>>
        tpu.wait_dma2 semaphore(%run_scoped3A : memref<!tpu.dma_semaphore, #tpu.memory_space<semaphore_mem>>) src(%dma_wait3A_118 : memref<16x2x128xi32, #tpu.memory_space<hbm>>) dst(%arg4 : memref<16x2x128xi32, #tpu.memory_space<vmem>>)
        tpu.yield
      }) : () -> ()
      %scan3A_104 = arith.constant 0 : i32
      %scan3A_105 = arith.constant 16 : i32
      %scan3A_106 = arith.addi %scan3A_104, %scan3A_105 : i32
      %scan3A_107 = arith.constant 1 : i32
      scf.for %scan3A_109 = %scan3A_104 to %scan3A_106 step %scan3A_107  : i32 {
        %mul3A_110 = arith.constant 1 : i32
        %mul3A_111 = arith.muli %scan3A_109, %mul3A_110 : i32
        %add3A_112 = arith.constant 0 : i32
        %add3A_113 = arith.addi %add3A_112, %mul3A_111 : i32
        %run_scoped3A = arith.constant 1 : i32
        "tpu.region"() ({
          %run_scoped3A_114 = tpu.sem_alloc : memref<!tpu.dma_semaphore, #tpu.memory_space<semaphore_mem>>
          %dma_start3A = arith.constant 0 : i32
          %dma_start3A_115 = tpu.memref_slice %arg4[%add3A_113, %run_scoped3A, %dma_start3A] : memref<16x2x128xi32, #tpu.memory_space<vmem>> -> memref<1x1x128xi32, #tpu.memory_space<vmem>>
          %dma_start3A_116 = tpu.memref_squeeze %dma_start3A_115 : memref<1x1x128xi32, #tpu.memory_space<vmem>> -> memref<128xi32, #tpu.memory_space<vmem>>
          %dma_start3A_117 = arith.constant 0 : i32
          %dma_start3A_118 = arith.constant 0 : i32
          %dma_start3A_119 = tpu.memref_slice %arg6[%dma_start3A_117, %dma_start3A_118] : memref<10240x128xf32, #tpu.memory_space<vmem_shared>> -> memref<10240x128xf32, #tpu.memory_space<vmem_shared>>
          tpu.enqueue_indirect_dma source(%arg5 : memref<128x128xf32, #tpu.memory_space<vmem>>) target(%dma_start3A_119 : memref<10240x128xf32, #tpu.memory_space<vmem_shared>>) offsets(%dma_start3A_116 : memref<128xi32, #tpu.memory_space<vmem>>) semaphore(%run_scoped3A_114 : memref<!tpu.dma_semaphore, #tpu.memory_space<semaphore_mem>>) {add = true}
          %dma_wait3A = arith.constant 0 : i32
          %dma_wait3A_120 = tpu.memref_slice %arg4[%add3A_113, %run_scoped3A, %dma_wait3A] : memref<16x2x128xi32, #tpu.memory_space<vmem>> -> memref<1x1x128xi32, #tpu.memory_space<vmem>>
          %dma_wait3A_121 = tpu.memref_squeeze %dma_wait3A_120 : memref<1x1x128xi32, #tpu.memory_space<vmem>> -> memref<128xi32, #tpu.memory_space<vmem>>
          %dma_wait3A_122 = arith.constant 0 : i32
          %dma_wait3A_123 = arith.constant 0 : i32
          %dma_wait3A_124 = tpu.memref_slice %arg6[%dma_wait3A_122, %dma_wait3A_123] : memref<10240x128xf32, #tpu.memory_space<vmem_shared>> -> memref<10240x128xf32, #tpu.memory_space<vmem_shared>>
          tpu.wait_indirect_dma semaphore(%run_scoped3A_114 : memref<!tpu.dma_semaphore, #tpu.memory_space<semaphore_mem>>) src(%arg5 : memref<128x128xf32, #tpu.memory_space<vmem>>) dst(%dma_wait3A_124 : memref<10240x128xf32, #tpu.memory_space<vmem_shared>>)
          tpu.yield
        }) : () -> ()
      }
      %scan3A_108 = arith.constant 16 : i32
    }
    %barrier3A_57 = arith.constant 0 : index
    tpu.barrier barrier_id(%barrier3A_57)
    %mul3A_58 = arith.constant 640 : i32
    %mul3A_59 = arith.muli %arg1, %mul3A_58 : i32
    %add3A_60 = arith.constant 0 : i32
    %add3A_61 = arith.addi %mul3A_59, %add3A_60 : i32
    %mul3A_62 = arith.constant 640 : i32
    %mul3A_63 = arith.muli %arg1, %mul3A_62 : i32
    %add3A_64 = arith.constant 0 : i32
    %add3A_65 = arith.addi %mul3A_63, %add3A_64 : i32
    "tpu.region"() ({
      %run_scoped3A = tpu.sem_alloc : memref<!tpu.dma_semaphore, #tpu.memory_space<semaphore_mem>>
      %dma_start3A = arith.constant 0 : i32
      %dma_start3A_98 = arith.constant 0 : i32
      %dma_start3A_99 = tpu.memref_slice %arg3[%arg0, %dma_start3A, %dma_start3A_98] : memref<2x10240x128xf32, #tpu.memory_space<hbm>> -> memref<1x10240x128xf32, #tpu.memory_space<hbm>>
      %dma_start3A_100 = tpu.memref_squeeze %dma_start3A_99 : memref<1x10240x128xf32, #tpu.memory_space<hbm>> -> memref<10240x128xf32, #tpu.memory_space<hbm>>
      %dma_start3A_101 = arith.constant 0 : i32
      %dma_start3A_102 = tpu.memref_slice %dma_start3A_100[%add3A_65, %dma_start3A_101] : memref<10240x128xf32, #tpu.memory_space<hbm>> -> memref<128x128xf32, #tpu.memory_space<hbm>>
      %dma_start3A_103 = arith.constant 0 : i32
      %dma_start3A_104 = tpu.memref_slice %arg6[%add3A_61, %dma_start3A_103] : memref<10240x128xf32, #tpu.memory_space<vmem_shared>> -> memref<128x128xf32, #tpu.memory_space<vmem_shared>>
      tpu.enqueue_dma source(%dma_start3A_104 : memref<128x128xf32, #tpu.memory_space<vmem_shared>>) target(%dma_start3A_102 : memref<128x128xf32, #tpu.memory_space<hbm>>) target_semaphore(%run_scoped3A : memref<!tpu.dma_semaphore, #tpu.memory_space<semaphore_mem>>)
      %dma_wait3A = arith.constant 0 : i32
      %dma_wait3A_105 = arith.constant 0 : i32
      %dma_wait3A_106 = tpu.memref_slice %arg3[%arg0, %dma_wait3A, %dma_wait3A_105] : memref<2x10240x128xf32, #tpu.memory_space<hbm>> -> memref<1x10240x128xf32, #tpu.memory_space<hbm>>
      %dma_wait3A_107 = tpu.memref_squeeze %dma_wait3A_106 : memref<1x10240x128xf32, #tpu.memory_space<hbm>> -> memref<10240x128xf32, #tpu.memory_space<hbm>>
      %dma_wait3A_108 = arith.constant 0 : i32
      %dma_wait3A_109 = tpu.memref_slice %dma_wait3A_107[%add3A_65, %dma_wait3A_108] : memref<10240x128xf32, #tpu.memory_space<hbm>> -> memref<128x128xf32, #tpu.memory_space<hbm>>
      %dma_wait3A_110 = arith.constant 0 : i32
      %dma_wait3A_111 = tpu.memref_slice %arg6[%add3A_61, %dma_wait3A_110] : memref<10240x128xf32, #tpu.memory_space<vmem_shared>> -> memref<128x128xf32, #tpu.memory_space<vmem_shared>>
      tpu.wait_dma2 semaphore(%run_scoped3A : memref<!tpu.dma_semaphore, #tpu.memory_space<semaphore_mem>>) src(%dma_wait3A_111 : memref<128x128xf32, #tpu.memory_space<vmem_shared>>) dst(%dma_wait3A_109 : memref<128x128xf32, #tpu.memory_space<hbm>>)
      tpu.yield
    }) : () -> ()
    %mul3A_66 = arith.constant 640 : i32
    %mul3A_67 = arith.muli %arg1, %mul3A_66 : i32
    %add3A_68 = arith.constant 128 : i32
    %add3A_69 = arith.addi %mul3A_67, %add3A_68 : i32
    %mul3A_70 = arith.constant 640 : i32
    %mul3A_71 = arith.muli %arg1, %mul3A_70 : i32
    %add3A_72 = arith.constant 128 : i32
    %add3A_73 = arith.addi %mul3A_71, %add3A_72 : i32
    "tpu.region"() ({
      %run_scoped3A = tpu.sem_alloc : memref<!tpu.dma_semaphore, #tpu.memory_space<semaphore_mem>>
      %dma_start3A = arith.constant 0 : i32
      %dma_start3A_98 = arith.constant 0 : i32
      %dma_start3A_99 = tpu.memref_slice %arg3[%arg0, %dma_start3A, %dma_start3A_98] : memref<2x10240x128xf32, #tpu.memory_space<hbm>> -> memref<1x10240x128xf32, #tpu.memory_space<hbm>>
      %dma_start3A_100 = tpu.memref_squeeze %dma_start3A_99 : memref<1x10240x128xf32, #tpu.memory_space<hbm>> -> memref<10240x128xf32, #tpu.memory_space<hbm>>
      %dma_start3A_101 = arith.constant 0 : i32
      %dma_start3A_102 = tpu.memref_slice %dma_start3A_100[%add3A_73, %dma_start3A_101] : memref<10240x128xf32, #tpu.memory_space<hbm>> -> memref<128x128xf32, #tpu.memory_space<hbm>>
      %dma_start3A_103 = arith.constant 0 : i32
      %dma_start3A_104 = tpu.memref_slice %arg6[%add3A_69, %dma_start3A_103] : memref<10240x128xf32, #tpu.memory_space<vmem_shared>> -> memref<128x128xf32, #tpu.memory_space<vmem_shared>>
      tpu.enqueue_dma source(%dma_start3A_104 : memref<128x128xf32, #tpu.memory_space<vmem_shared>>) target(%dma_start3A_102 : memref<128x128xf32, #tpu.memory_space<hbm>>) target_semaphore(%run_scoped3A : memref<!tpu.dma_semaphore, #tpu.memory_space<semaphore_mem>>)
      %dma_wait3A = arith.constant 0 : i32
      %dma_wait3A_105 = arith.constant 0 : i32
      %dma_wait3A_106 = tpu.memref_slice %arg3[%arg0, %dma_wait3A, %dma_wait3A_105] : memref<2x10240x128xf32, #tpu.memory_space<hbm>> -> memref<1x10240x128xf32, #tpu.memory_space<hbm>>
      %dma_wait3A_107 = tpu.memref_squeeze %dma_wait3A_106 : memref<1x10240x128xf32, #tpu.memory_space<hbm>> -> memref<10240x128xf32, #tpu.memory_space<hbm>>
      %dma_wait3A_108 = arith.constant 0 : i32
      %dma_wait3A_109 = tpu.memref_slice %dma_wait3A_107[%add3A_73, %dma_wait3A_108] : memref<10240x128xf32, #tpu.memory_space<hbm>> -> memref<128x128xf32, #tpu.memory_space<hbm>>
      %dma_wait3A_110 = arith.constant 0 : i32
      %dma_wait3A_111 = tpu.memref_slice %arg6[%add3A_69, %dma_wait3A_110] : memref<10240x128xf32, #tpu.memory_space<vmem_shared>> -> memref<128x128xf32, #tpu.memory_space<vmem_shared>>
      tpu.wait_dma2 semaphore(%run_scoped3A : memref<!tpu.dma_semaphore, #tpu.memory_space<semaphore_mem>>) src(%dma_wait3A_111 : memref<128x128xf32, #tpu.memory_space<vmem_shared>>) dst(%dma_wait3A_109 : memref<128x128xf32, #tpu.memory_space<hbm>>)
      tpu.yield
    }) : () -> ()
    %mul3A_74 = arith.constant 640 : i32
    %mul3A_75 = arith.muli %arg1, %mul3A_74 : i32
    %add3A_76 = arith.constant 256 : i32
    %add3A_77 = arith.addi %mul3A_75, %add3A_76 : i32
    %mul3A_78 = arith.constant 640 : i32
    %mul3A_79 = arith.muli %arg1, %mul3A_78 : i32
    %add3A_80 = arith.constant 256 : i32
    %add3A_81 = arith.addi %mul3A_79, %add3A_80 : i32
    "tpu.region"() ({
      %run_scoped3A = tpu.sem_alloc : memref<!tpu.dma_semaphore, #tpu.memory_space<semaphore_mem>>
      %dma_start3A = arith.constant 0 : i32
      %dma_start3A_98 = arith.constant 0 : i32
      %dma_start3A_99 = tpu.memref_slice %arg3[%arg0, %dma_start3A, %dma_start3A_98] : memref<2x10240x128xf32, #tpu.memory_space<hbm>> -> memref<1x10240x128xf32, #tpu.memory_space<hbm>>
      %dma_start3A_100 = tpu.memref_squeeze %dma_start3A_99 : memref<1x10240x128xf32, #tpu.memory_space<hbm>> -> memref<10240x128xf32, #tpu.memory_space<hbm>>
      %dma_start3A_101 = arith.constant 0 : i32
      %dma_start3A_102 = tpu.memref_slice %dma_start3A_100[%add3A_81, %dma_start3A_101] : memref<10240x128xf32, #tpu.memory_space<hbm>> -> memref<128x128xf32, #tpu.memory_space<hbm>>
      %dma_start3A_103 = arith.constant 0 : i32
      %dma_start3A_104 = tpu.memref_slice %arg6[%add3A_77, %dma_start3A_103] : memref<10240x128xf32, #tpu.memory_space<vmem_shared>> -> memref<128x128xf32, #tpu.memory_space<vmem_shared>>
      tpu.enqueue_dma source(%dma_start3A_104 : memref<128x128xf32, #tpu.memory_space<vmem_shared>>) target(%dma_start3A_102 : memref<128x128xf32, #tpu.memory_space<hbm>>) target_semaphore(%run_scoped3A : memref<!tpu.dma_semaphore, #tpu.memory_space<semaphore_mem>>)
      %dma_wait3A = arith.constant 0 : i32
      %dma_wait3A_105 = arith.constant 0 : i32
      %dma_wait3A_106 = tpu.memref_slice %arg3[%arg0, %dma_wait3A, %dma_wait3A_105] : memref<2x10240x128xf32, #tpu.memory_space<hbm>> -> memref<1x10240x128xf32, #tpu.memory_space<hbm>>
      %dma_wait3A_107 = tpu.memref_squeeze %dma_wait3A_106 : memref<1x10240x128xf32, #tpu.memory_space<hbm>> -> memref<10240x128xf32, #tpu.memory_space<hbm>>
      %dma_wait3A_108 = arith.constant 0 : i32
      %dma_wait3A_109 = tpu.memref_slice %dma_wait3A_107[%add3A_81, %dma_wait3A_108] : memref<10240x128xf32, #tpu.memory_space<hbm>> -> memref<128x128xf32, #tpu.memory_space<hbm>>
      %dma_wait3A_110 = arith.constant 0 : i32
      %dma_wait3A_111 = tpu.memref_slice %arg6[%add3A_77, %dma_wait3A_110] : memref<10240x128xf32, #tpu.memory_space<vmem_shared>> -> memref<128x128xf32, #tpu.memory_space<vmem_shared>>
      tpu.wait_dma2 semaphore(%run_scoped3A : memref<!tpu.dma_semaphore, #tpu.memory_space<semaphore_mem>>) src(%dma_wait3A_111 : memref<128x128xf32, #tpu.memory_space<vmem_shared>>) dst(%dma_wait3A_109 : memref<128x128xf32, #tpu.memory_space<hbm>>)
      tpu.yield
    }) : () -> ()
    %mul3A_82 = arith.constant 640 : i32
    %mul3A_83 = arith.muli %arg1, %mul3A_82 : i32
    %add3A_84 = arith.constant 384 : i32
    %add3A_85 = arith.addi %mul3A_83, %add3A_84 : i32
    %mul3A_86 = arith.constant 640 : i32
    %mul3A_87 = arith.muli %arg1, %mul3A_86 : i32
    %add3A_88 = arith.constant 384 : i32
    %add3A_89 = arith.addi %mul3A_87, %add3A_88 : i32
    "tpu.region"() ({
      %run_scoped3A = tpu.sem_alloc : memref<!tpu.dma_semaphore, #tpu.memory_space<semaphore_mem>>
      %dma_start3A = arith.constant 0 : i32
      %dma_start3A_98 = arith.constant 0 : i32
      %dma_start3A_99 = tpu.memref_slice %arg3[%arg0, %dma_start3A, %dma_start3A_98] : memref<2x10240x128xf32, #tpu.memory_space<hbm>> -> memref<1x10240x128xf32, #tpu.memory_space<hbm>>
      %dma_start3A_100 = tpu.memref_squeeze %dma_start3A_99 : memref<1x10240x128xf32, #tpu.memory_space<hbm>> -> memref<10240x128xf32, #tpu.memory_space<hbm>>
      %dma_start3A_101 = arith.constant 0 : i32
      %dma_start3A_102 = tpu.memref_slice %dma_start3A_100[%add3A_89, %dma_start3A_101] : memref<10240x128xf32, #tpu.memory_space<hbm>> -> memref<128x128xf32, #tpu.memory_space<hbm>>
      %dma_start3A_103 = arith.constant 0 : i32
      %dma_start3A_104 = tpu.memref_slice %arg6[%add3A_85, %dma_start3A_103] : memref<10240x128xf32, #tpu.memory_space<vmem_shared>> -> memref<128x128xf32, #tpu.memory_space<vmem_shared>>
      tpu.enqueue_dma source(%dma_start3A_104 : memref<128x128xf32, #tpu.memory_space<vmem_shared>>) target(%dma_start3A_102 : memref<128x128xf32, #tpu.memory_space<hbm>>) target_semaphore(%run_scoped3A : memref<!tpu.dma_semaphore, #tpu.memory_space<semaphore_mem>>)
      %dma_wait3A = arith.constant 0 : i32
      %dma_wait3A_105 = arith.constant 0 : i32
      %dma_wait3A_106 = tpu.memref_slice %arg3[%arg0, %dma_wait3A, %dma_wait3A_105] : memref<2x10240x128xf32, #tpu.memory_space<hbm>> -> memref<1x10240x128xf32, #tpu.memory_space<hbm>>
      %dma_wait3A_107 = tpu.memref_squeeze %dma_wait3A_106 : memref<1x10240x128xf32, #tpu.memory_space<hbm>> -> memref<10240x128xf32, #tpu.memory_space<hbm>>
      %dma_wait3A_108 = arith.constant 0 : i32
      %dma_wait3A_109 = tpu.memref_slice %dma_wait3A_107[%add3A_89, %dma_wait3A_108] : memref<10240x128xf32, #tpu.memory_space<hbm>> -> memref<128x128xf32, #tpu.memory_space<hbm>>
      %dma_wait3A_110 = arith.constant 0 : i32
      %dma_wait3A_111 = tpu.memref_slice %arg6[%add3A_85, %dma_wait3A_110] : memref<10240x128xf32, #tpu.memory_space<vmem_shared>> -> memref<128x128xf32, #tpu.memory_space<vmem_shared>>
      tpu.wait_dma2 semaphore(%run_scoped3A : memref<!tpu.dma_semaphore, #tpu.memory_space<semaphore_mem>>) src(%dma_wait3A_111 : memref<128x128xf32, #tpu.memory_space<vmem_shared>>) dst(%dma_wait3A_109 : memref<128x128xf32, #tpu.memory_space<hbm>>)
      tpu.yield
    }) : () -> ()
    %mul3A_90 = arith.constant 640 : i32
    %mul3A_91 = arith.muli %arg1, %mul3A_90 : i32
    %add3A_92 = arith.constant 512 : i32
    %add3A_93 = arith.addi %mul3A_91, %add3A_92 : i32
    %mul3A_94 = arith.constant 640 : i32
    %mul3A_95 = arith.muli %arg1, %mul3A_94 : i32
    %add3A_96 = arith.constant 512 : i32
    %add3A_97 = arith.addi %mul3A_95, %add3A_96 : i32
    "tpu.region"() ({
      %run_scoped3A = tpu.sem_alloc : memref<!tpu.dma_semaphore, #tpu.memory_space<semaphore_mem>>
      %dma_start3A = arith.constant 0 : i32
      %dma_start3A_98 = arith.constant 0 : i32
      %dma_start3A_99 = tpu.memref_slice %arg3[%arg0, %dma_start3A, %dma_start3A_98] : memref<2x10240x128xf32, #tpu.memory_space<hbm>> -> memref<1x10240x128xf32, #tpu.memory_space<hbm>>
      %dma_start3A_100 = tpu.memref_squeeze %dma_start3A_99 : memref<1x10240x128xf32, #tpu.memory_space<hbm>> -> memref<10240x128xf32, #tpu.memory_space<hbm>>
      %dma_start3A_101 = arith.constant 0 : i32
      %dma_start3A_102 = tpu.memref_slice %dma_start3A_100[%add3A_97, %dma_start3A_101] : memref<10240x128xf32, #tpu.memory_space<hbm>> -> memref<128x128xf32, #tpu.memory_space<hbm>>
      %dma_start3A_103 = arith.constant 0 : i32
      %dma_start3A_104 = tpu.memref_slice %arg6[%add3A_93, %dma_start3A_103] : memref<10240x128xf32, #tpu.memory_space<vmem_shared>> -> memref<128x128xf32, #tpu.memory_space<vmem_shared>>
      tpu.enqueue_dma source(%dma_start3A_104 : memref<128x128xf32, #tpu.memory_space<vmem_shared>>) target(%dma_start3A_102 : memref<128x128xf32, #tpu.memory_space<hbm>>) target_semaphore(%run_scoped3A : memref<!tpu.dma_semaphore, #tpu.memory_space<semaphore_mem>>)
      %dma_wait3A = arith.constant 0 : i32
      %dma_wait3A_105 = arith.constant 0 : i32
      %dma_wait3A_106 = tpu.memref_slice %arg3[%arg0, %dma_wait3A, %dma_wait3A_105] : memref<2x10240x128xf32, #tpu.memory_space<hbm>> -> memref<1x10240x128xf32, #tpu.memory_space<hbm>>
      %dma_wait3A_107 = tpu.memref_squeeze %dma_wait3A_106 : memref<1x10240x128xf32, #tpu.memory_space<hbm>> -> memref<10240x128xf32, #tpu.memory_space<hbm>>
      %dma_wait3A_108 = arith.constant 0 : i32
      %dma_wait3A_109 = tpu.memref_slice %dma_wait3A_107[%add3A_97, %dma_wait3A_108] : memref<10240x128xf32, #tpu.memory_space<hbm>> -> memref<128x128xf32, #tpu.memory_space<hbm>>
      %dma_wait3A_110 = arith.constant 0 : i32
      %dma_wait3A_111 = tpu.memref_slice %arg6[%add3A_93, %dma_wait3A_110] : memref<10240x128xf32, #tpu.memory_space<vmem_shared>> -> memref<128x128xf32, #tpu.memory_space<vmem_shared>>
      tpu.wait_dma2 semaphore(%run_scoped3A : memref<!tpu.dma_semaphore, #tpu.memory_space<semaphore_mem>>) src(%dma_wait3A_111 : memref<128x128xf32, #tpu.memory_space<vmem_shared>>) dst(%dma_wait3A_109 : memref<128x128xf32, #tpu.memory_space<hbm>>)
      tpu.yield
    }) : () -> ()
    return
  }
}

#map = affine_map<(d0, d1) -> (0, 0)>
#map1 = affine_map<(d0, d1) -> (0, 0, 0)>
module attributes {stable_mosaic.version = 14 : i64} {
  func.func @_sc_segsum(%arg0: i32, %arg1: i32, %arg2: memref<10000x128xf32, #tpu.memory_space<hbm>>, %arg3: memref<2560x2x128xi32, #tpu.memory_space<hbm>>, %arg4: memref<128x128xf32, #tpu.memory_space<hbm>>, %arg5: memref<2x10240x128xf32, #tpu.memory_space<hbm>>, %arg6: memref<16x2x128xi32, #tpu.memory_space<vmem>>, %arg7: memref<128x128xf32, #tpu.memory_space<vmem>>, %arg8: memref<128x128xf32, #tpu.memory_space<vmem>>, %arg9: memref<10240x128xf32, #tpu.memory_space<vmem_shared>>, %arg10: memref<!tpu.dma_semaphore, #tpu.memory_space<semaphore_mem>>, %arg11: memref<!tpu.dma_semaphore, #tpu.memory_space<semaphore_mem>>) attributes {dimension_semantics = [#tpu.dimension_semantics<core_parallel>, #tpu.dimension_semantics<subcore_parallel>], iteration_bounds = array<i64: 2, 16>, scalar_prefetch = 0 : i64, scratch_operands = 6 : i64, tpu.core_type = #tpu.core_type<sc_vector_subcore>, window_params = [{transform_indices = #map}, {transform_indices = #map1}, {transform_indices = #map}, {transform_indices = #map1}]} {
    %eq3A = arith.constant 0 : i32
    %eq3A_0 = arith.cmpi eq, %arg0, %eq3A : i32
    %mul3A = arith.constant 80 : i32
    %mul3A_1 = arith.muli %arg1, %mul3A : i32
    %mul3A_2 = arith.constant 80 : i32
    %mul3A_3 = arith.muli %arg1, %mul3A_2 : i32
    %add3A = arith.constant 1280 : i32
    %add3A_4 = arith.addi %add3A, %mul3A_3 : i32
    %select_n3A = arith.select %eq3A_0, %mul3A_1, %add3A_4 : i32
    %eq3A_5 = arith.constant 0 : i32
    %eq3A_6 = arith.cmpi eq, %arg0, %eq3A_5 : i32
    %jit3A = arith.constant 5 : i32
    %jit3A_7 = arith.constant 5 : i32
    %select_n3A_8 = arith.select %eq3A_6, %jit3A, %jit3A_7 : i32
    "tpu.region"() ({
      %run_scoped3A = tpu.sem_alloc : memref<!tpu.dma_semaphore, #tpu.memory_space<semaphore_mem>>
      tpu.enqueue_dma source(%arg4 : memref<128x128xf32, #tpu.memory_space<hbm>>) target(%arg7 : memref<128x128xf32, #tpu.memory_space<vmem>>) target_semaphore(%run_scoped3A : memref<!tpu.dma_semaphore, #tpu.memory_space<semaphore_mem>>)
      tpu.wait_dma2 semaphore(%run_scoped3A : memref<!tpu.dma_semaphore, #tpu.memory_space<semaphore_mem>>) src(%arg4 : memref<128x128xf32, #tpu.memory_space<hbm>>) dst(%arg7 : memref<128x128xf32, #tpu.memory_space<vmem>>)
      tpu.yield
    }) : () -> ()
    %mul3A_9 = arith.constant 640 : i32
    %mul3A_10 = arith.muli %arg1, %mul3A_9 : i32
    %add3A_11 = arith.constant 0 : i32
    %add3A_12 = arith.addi %mul3A_10, %add3A_11 : i32
    "tpu.region"() ({
      %run_scoped3A = tpu.sem_alloc : memref<!tpu.dma_semaphore, #tpu.memory_space<semaphore_mem>>
      %dma_start3A = arith.constant 0 : i32
      %dma_start3A_86 = tpu.memref_slice %arg9[%add3A_12, %dma_start3A] : memref<10240x128xf32, #tpu.memory_space<vmem_shared>> -> memref<128x128xf32, #tpu.memory_space<vmem_shared>>
      %dma_start3A_87 = arith.constant 0 : i32
      %dma_start3A_88 = tpu.memref_slice %arg9[%add3A_12, %dma_start3A_87] : memref<10240x128xf32, #tpu.memory_space<vmem_shared>> -> memref<128x128xf32, #tpu.memory_space<vmem_shared>>
      tpu.enqueue_dma source(%arg7 : memref<128x128xf32, #tpu.memory_space<vmem>>) target(%dma_start3A_88 : memref<128x128xf32, #tpu.memory_space<vmem_shared>>) target_semaphore(%run_scoped3A : memref<!tpu.dma_semaphore, #tpu.memory_space<semaphore_mem>>)
      %dma_wait3A = arith.constant 0 : i32
      %dma_wait3A_89 = tpu.memref_slice %arg9[%add3A_12, %dma_wait3A] : memref<10240x128xf32, #tpu.memory_space<vmem_shared>> -> memref<128x128xf32, #tpu.memory_space<vmem_shared>>
      %dma_wait3A_90 = arith.constant 0 : i32
      %dma_wait3A_91 = tpu.memref_slice %arg9[%add3A_12, %dma_wait3A_90] : memref<10240x128xf32, #tpu.memory_space<vmem_shared>> -> memref<128x128xf32, #tpu.memory_space<vmem_shared>>
      tpu.wait_dma2 semaphore(%run_scoped3A : memref<!tpu.dma_semaphore, #tpu.memory_space<semaphore_mem>>) src(%arg7 : memref<128x128xf32, #tpu.memory_space<vmem>>) dst(%dma_wait3A_91 : memref<128x128xf32, #tpu.memory_space<vmem_shared>>)
      tpu.yield
    }) : () -> ()
    %mul3A_13 = arith.constant 640 : i32
    %mul3A_14 = arith.muli %arg1, %mul3A_13 : i32
    %add3A_15 = arith.constant 128 : i32
    %add3A_16 = arith.addi %mul3A_14, %add3A_15 : i32
    "tpu.region"() ({
      %run_scoped3A = tpu.sem_alloc : memref<!tpu.dma_semaphore, #tpu.memory_space<semaphore_mem>>
      %dma_start3A = arith.constant 0 : i32
      %dma_start3A_86 = tpu.memref_slice %arg9[%add3A_16, %dma_start3A] : memref<10240x128xf32, #tpu.memory_space<vmem_shared>> -> memref<128x128xf32, #tpu.memory_space<vmem_shared>>
      %dma_start3A_87 = arith.constant 0 : i32
      %dma_start3A_88 = tpu.memref_slice %arg9[%add3A_16, %dma_start3A_87] : memref<10240x128xf32, #tpu.memory_space<vmem_shared>> -> memref<128x128xf32, #tpu.memory_space<vmem_shared>>
      tpu.enqueue_dma source(%arg7 : memref<128x128xf32, #tpu.memory_space<vmem>>) target(%dma_start3A_88 : memref<128x128xf32, #tpu.memory_space<vmem_shared>>) target_semaphore(%run_scoped3A : memref<!tpu.dma_semaphore, #tpu.memory_space<semaphore_mem>>)
      %dma_wait3A = arith.constant 0 : i32
      %dma_wait3A_89 = tpu.memref_slice %arg9[%add3A_16, %dma_wait3A] : memref<10240x128xf32, #tpu.memory_space<vmem_shared>> -> memref<128x128xf32, #tpu.memory_space<vmem_shared>>
      %dma_wait3A_90 = arith.constant 0 : i32
      %dma_wait3A_91 = tpu.memref_slice %arg9[%add3A_16, %dma_wait3A_90] : memref<10240x128xf32, #tpu.memory_space<vmem_shared>> -> memref<128x128xf32, #tpu.memory_space<vmem_shared>>
      tpu.wait_dma2 semaphore(%run_scoped3A : memref<!tpu.dma_semaphore, #tpu.memory_space<semaphore_mem>>) src(%arg7 : memref<128x128xf32, #tpu.memory_space<vmem>>) dst(%dma_wait3A_91 : memref<128x128xf32, #tpu.memory_space<vmem_shared>>)
      tpu.yield
    }) : () -> ()
    %mul3A_17 = arith.constant 640 : i32
    %mul3A_18 = arith.muli %arg1, %mul3A_17 : i32
    %add3A_19 = arith.constant 256 : i32
    %add3A_20 = arith.addi %mul3A_18, %add3A_19 : i32
    "tpu.region"() ({
      %run_scoped3A = tpu.sem_alloc : memref<!tpu.dma_semaphore, #tpu.memory_space<semaphore_mem>>
      %dma_start3A = arith.constant 0 : i32
      %dma_start3A_86 = tpu.memref_slice %arg9[%add3A_20, %dma_start3A] : memref<10240x128xf32, #tpu.memory_space<vmem_shared>> -> memref<128x128xf32, #tpu.memory_space<vmem_shared>>
      %dma_start3A_87 = arith.constant 0 : i32
      %dma_start3A_88 = tpu.memref_slice %arg9[%add3A_20, %dma_start3A_87] : memref<10240x128xf32, #tpu.memory_space<vmem_shared>> -> memref<128x128xf32, #tpu.memory_space<vmem_shared>>
      tpu.enqueue_dma source(%arg7 : memref<128x128xf32, #tpu.memory_space<vmem>>) target(%dma_start3A_88 : memref<128x128xf32, #tpu.memory_space<vmem_shared>>) target_semaphore(%run_scoped3A : memref<!tpu.dma_semaphore, #tpu.memory_space<semaphore_mem>>)
      %dma_wait3A = arith.constant 0 : i32
      %dma_wait3A_89 = tpu.memref_slice %arg9[%add3A_20, %dma_wait3A] : memref<10240x128xf32, #tpu.memory_space<vmem_shared>> -> memref<128x128xf32, #tpu.memory_space<vmem_shared>>
      %dma_wait3A_90 = arith.constant 0 : i32
      %dma_wait3A_91 = tpu.memref_slice %arg9[%add3A_20, %dma_wait3A_90] : memref<10240x128xf32, #tpu.memory_space<vmem_shared>> -> memref<128x128xf32, #tpu.memory_space<vmem_shared>>
      tpu.wait_dma2 semaphore(%run_scoped3A : memref<!tpu.dma_semaphore, #tpu.memory_space<semaphore_mem>>) src(%arg7 : memref<128x128xf32, #tpu.memory_space<vmem>>) dst(%dma_wait3A_91 : memref<128x128xf32, #tpu.memory_space<vmem_shared>>)
      tpu.yield
    }) : () -> ()
    %mul3A_21 = arith.constant 640 : i32
    %mul3A_22 = arith.muli %arg1, %mul3A_21 : i32
    %add3A_23 = arith.constant 384 : i32
    %add3A_24 = arith.addi %mul3A_22, %add3A_23 : i32
    "tpu.region"() ({
      %run_scoped3A = tpu.sem_alloc : memref<!tpu.dma_semaphore, #tpu.memory_space<semaphore_mem>>
      %dma_start3A = arith.constant 0 : i32
      %dma_start3A_86 = tpu.memref_slice %arg9[%add3A_24, %dma_start3A] : memref<10240x128xf32, #tpu.memory_space<vmem_shared>> -> memref<128x128xf32, #tpu.memory_space<vmem_shared>>
      %dma_start3A_87 = arith.constant 0 : i32
      %dma_start3A_88 = tpu.memref_slice %arg9[%add3A_24, %dma_start3A_87] : memref<10240x128xf32, #tpu.memory_space<vmem_shared>> -> memref<128x128xf32, #tpu.memory_space<vmem_shared>>
      tpu.enqueue_dma source(%arg7 : memref<128x128xf32, #tpu.memory_space<vmem>>) target(%dma_start3A_88 : memref<128x128xf32, #tpu.memory_space<vmem_shared>>) target_semaphore(%run_scoped3A : memref<!tpu.dma_semaphore, #tpu.memory_space<semaphore_mem>>)
      %dma_wait3A = arith.constant 0 : i32
      %dma_wait3A_89 = tpu.memref_slice %arg9[%add3A_24, %dma_wait3A] : memref<10240x128xf32, #tpu.memory_space<vmem_shared>> -> memref<128x128xf32, #tpu.memory_space<vmem_shared>>
      %dma_wait3A_90 = arith.constant 0 : i32
      %dma_wait3A_91 = tpu.memref_slice %arg9[%add3A_24, %dma_wait3A_90] : memref<10240x128xf32, #tpu.memory_space<vmem_shared>> -> memref<128x128xf32, #tpu.memory_space<vmem_shared>>
      tpu.wait_dma2 semaphore(%run_scoped3A : memref<!tpu.dma_semaphore, #tpu.memory_space<semaphore_mem>>) src(%arg7 : memref<128x128xf32, #tpu.memory_space<vmem>>) dst(%dma_wait3A_91 : memref<128x128xf32, #tpu.memory_space<vmem_shared>>)
      tpu.yield
    }) : () -> ()
    %mul3A_25 = arith.constant 640 : i32
    %mul3A_26 = arith.muli %arg1, %mul3A_25 : i32
    %add3A_27 = arith.constant 512 : i32
    %add3A_28 = arith.addi %mul3A_26, %add3A_27 : i32
    "tpu.region"() ({
      %run_scoped3A = tpu.sem_alloc : memref<!tpu.dma_semaphore, #tpu.memory_space<semaphore_mem>>
      %dma_start3A = arith.constant 0 : i32
      %dma_start3A_86 = tpu.memref_slice %arg9[%add3A_28, %dma_start3A] : memref<10240x128xf32, #tpu.memory_space<vmem_shared>> -> memref<128x128xf32, #tpu.memory_space<vmem_shared>>
      %dma_start3A_87 = arith.constant 0 : i32
      %dma_start3A_88 = tpu.memref_slice %arg9[%add3A_28, %dma_start3A_87] : memref<10240x128xf32, #tpu.memory_space<vmem_shared>> -> memref<128x128xf32, #tpu.memory_space<vmem_shared>>
      tpu.enqueue_dma source(%arg7 : memref<128x128xf32, #tpu.memory_space<vmem>>) target(%dma_start3A_88 : memref<128x128xf32, #tpu.memory_space<vmem_shared>>) target_semaphore(%run_scoped3A : memref<!tpu.dma_semaphore, #tpu.memory_space<semaphore_mem>>)
      %dma_wait3A = arith.constant 0 : i32
      %dma_wait3A_89 = tpu.memref_slice %arg9[%add3A_28, %dma_wait3A] : memref<10240x128xf32, #tpu.memory_space<vmem_shared>> -> memref<128x128xf32, #tpu.memory_space<vmem_shared>>
      %dma_wait3A_90 = arith.constant 0 : i32
      %dma_wait3A_91 = tpu.memref_slice %arg9[%add3A_28, %dma_wait3A_90] : memref<10240x128xf32, #tpu.memory_space<vmem_shared>> -> memref<128x128xf32, #tpu.memory_space<vmem_shared>>
      tpu.wait_dma2 semaphore(%run_scoped3A : memref<!tpu.dma_semaphore, #tpu.memory_space<semaphore_mem>>) src(%arg7 : memref<128x128xf32, #tpu.memory_space<vmem>>) dst(%dma_wait3A_91 : memref<128x128xf32, #tpu.memory_space<vmem_shared>>)
      tpu.yield
    }) : () -> ()
    %barrier3A = arith.constant 0 : index
    tpu.barrier barrier_id(%barrier3A)
    %sub3A = arith.constant 0 : i32
    %sub3A_29 = arith.subi %select_n3A_8, %sub3A : i32
    %sub3A_30 = arith.constant 1 : i32
    %sub3A_31 = arith.constant 1 : i32
    %sub3A_32 = arith.subi %sub3A_30, %sub3A_31 : i32
    %add3A_33 = arith.addi %sub3A_29, %sub3A_32 : i32
    %div3A = arith.constant 1 : i32
    %div3A_34 = arith.divsi %add3A_33, %div3A : i32
    %while3A = arith.constant 1 : i32
    %while3A_35 = arith.constant 0 : i32
    %while3A_36 = arith.constant 0 : i32
    %while3A_37 = arith.subi %div3A_34, %while3A_36 : i32
    %while3A_38 = arith.addi %while3A_36, %while3A_37 : i32
    %while3A_39 = arith.constant 1 : i32
    %while3A_40 = arith.divsi %while3A_37, %while3A_39 : i32
    %while3A_41 = arith.muli %while3A_40, %while3A_39 : i32
    %while3A_42 = arith.addi %while3A_36, %while3A_41 : i32
    %while3A_43 = arith.constant 1 : i32
    scf.for %while3A_86 = %while3A_36 to %while3A_42 step %while3A_43  : i32 {
      %mul3A_87 = arith.muli %while3A_86, %while3A : i32
      %add3A_88 = arith.addi %while3A_35, %mul3A_87 : i32
      %mul3A_89 = arith.constant 16 : i32
      %mul3A_90 = arith.muli %add3A_88, %mul3A_89 : i32
      %add3A_91 = arith.addi %select_n3A, %mul3A_90 : i32
      "tpu.region"() ({
        %run_scoped3A = tpu.sem_alloc : memref<!tpu.dma_semaphore, #tpu.memory_space<semaphore_mem>>
        %dma_start3A_111 = arith.constant 0 : i32
        %dma_start3A_112 = arith.constant 0 : i32
        %dma_start3A_113 = tpu.memref_slice %arg3[%add3A_91, %dma_start3A_111, %dma_start3A_112] : memref<2560x2x128xi32, #tpu.memory_space<hbm>> -> memref<16x2x128xi32, #tpu.memory_space<hbm>>
        %dma_start3A_114 = arith.constant 0 : i32
        %dma_start3A_115 = arith.constant 0 : i32
        %dma_start3A_116 = tpu.memref_slice %arg3[%add3A_91, %dma_start3A_114, %dma_start3A_115] : memref<2560x2x128xi32, #tpu.memory_space<hbm>> -> memref<16x2x128xi32, #tpu.memory_space<hbm>>
        tpu.enqueue_dma source(%dma_start3A_116 : memref<16x2x128xi32, #tpu.memory_space<hbm>>) target(%arg6 : memref<16x2x128xi32, #tpu.memory_space<vmem>>) target_semaphore(%run_scoped3A : memref<!tpu.dma_semaphore, #tpu.memory_space<semaphore_mem>>)
        %dma_wait3A = arith.constant 0 : i32
        %dma_wait3A_117 = arith.constant 0 : i32
        %dma_wait3A_118 = tpu.memref_slice %arg3[%add3A_91, %dma_wait3A, %dma_wait3A_117] : memref<2560x2x128xi32, #tpu.memory_space<hbm>> -> memref<16x2x128xi32, #tpu.memory_space<hbm>>
        %dma_wait3A_119 = arith.constant 0 : i32
        %dma_wait3A_120 = arith.constant 0 : i32
        %dma_wait3A_121 = tpu.memref_slice %arg3[%add3A_91, %dma_wait3A_119, %dma_wait3A_120] : memref<2560x2x128xi32, #tpu.memory_space<hbm>> -> memref<16x2x128xi32, #tpu.memory_space<hbm>>
        tpu.wait_dma2 semaphore(%run_scoped3A : memref<!tpu.dma_semaphore, #tpu.memory_space<semaphore_mem>>) src(%dma_wait3A_121 : memref<16x2x128xi32, #tpu.memory_space<hbm>>) dst(%arg6 : memref<16x2x128xi32, #tpu.memory_space<vmem>>)
        tpu.yield
      }) : () -> ()
      %dma_start3A = arith.constant 0 : i32
      %dma_start3A_92 = arith.constant 0 : i32
      %dma_start3A_93 = arith.constant 0 : i32
      %dma_start3A_94 = tpu.memref_slice %arg6[%dma_start3A, %dma_start3A_92, %dma_start3A_93] : memref<16x2x128xi32, #tpu.memory_space<vmem>> -> memref<1x1x128xi32, #tpu.memory_space<vmem>>
      %dma_start3A_95 = tpu.memref_squeeze %dma_start3A_94 : memref<1x1x128xi32, #tpu.memory_space<vmem>> -> memref<128xi32, #tpu.memory_space<vmem>>
      %dma_start3A_96 = arith.constant 0 : i32
      %dma_start3A_97 = arith.constant 0 : i32
      %dma_start3A_98 = tpu.memref_slice %arg2[%dma_start3A_96, %dma_start3A_97] : memref<10000x128xf32, #tpu.memory_space<hbm>> -> memref<10000x128xf32, #tpu.memory_space<hbm>>
      tpu.enqueue_indirect_dma source(%dma_start3A_98 : memref<10000x128xf32, #tpu.memory_space<hbm>>) target(%arg7 : memref<128x128xf32, #tpu.memory_space<vmem>>) offsets(%dma_start3A_95 : memref<128xi32, #tpu.memory_space<vmem>>) semaphore(%arg10 : memref<!tpu.dma_semaphore, #tpu.memory_space<semaphore_mem>>)
      %dma_start3A_99 = arith.constant 1 : i32
      %dma_start3A_100 = arith.constant 0 : i32
      %dma_start3A_101 = arith.constant 0 : i32
      %dma_start3A_102 = tpu.memref_slice %arg6[%dma_start3A_99, %dma_start3A_100, %dma_start3A_101] : memref<16x2x128xi32, #tpu.memory_space<vmem>> -> memref<1x1x128xi32, #tpu.memory_space<vmem>>
      %dma_start3A_103 = tpu.memref_squeeze %dma_start3A_102 : memref<1x1x128xi32, #tpu.memory_space<vmem>> -> memref<128xi32, #tpu.memory_space<vmem>>
      %dma_start3A_104 = arith.constant 0 : i32
      %dma_start3A_105 = arith.constant 0 : i32
      %dma_start3A_106 = tpu.memref_slice %arg2[%dma_start3A_104, %dma_start3A_105] : memref<10000x128xf32, #tpu.memory_space<hbm>> -> memref<10000x128xf32, #tpu.memory_space<hbm>>
      tpu.enqueue_indirect_dma source(%dma_start3A_106 : memref<10000x128xf32, #tpu.memory_space<hbm>>) target(%arg8 : memref<128x128xf32, #tpu.memory_space<vmem>>) offsets(%dma_start3A_103 : memref<128xi32, #tpu.memory_space<vmem>>) semaphore(%arg11 : memref<!tpu.dma_semaphore, #tpu.memory_space<semaphore_mem>>)
      %scan3A = arith.constant 0 : i32
      %scan3A_107 = arith.constant 8 : i32
      %scan3A_108 = arith.addi %scan3A, %scan3A_107 : i32
      %scan3A_109 = arith.constant 1 : i32
      scf.for %scan3A_111 = %scan3A to %scan3A_108 step %scan3A_109  : i32 {
        %mul3A_112 = arith.constant 2 : i32
        %mul3A_113 = arith.muli %scan3A_111, %mul3A_112 : i32
        %add3A_114 = arith.constant 0 : i32
        %add3A_115 = arith.addi %add3A_114, %mul3A_113 : i32
        %add3A_116 = arith.constant 0 : i32
        %add3A_117 = arith.addi %add3A_115, %add3A_116 : i32
        %dma_wait3A = arith.constant 0 : i32
        %dma_wait3A_118 = arith.constant 0 : i32
        %dma_wait3A_119 = tpu.memref_slice %arg6[%add3A_117, %dma_wait3A, %dma_wait3A_118] : memref<16x2x128xi32, #tpu.memory_space<vmem>> -> memref<1x1x128xi32, #tpu.memory_space<vmem>>
        %dma_wait3A_120 = tpu.memref_squeeze %dma_wait3A_119 : memref<1x1x128xi32, #tpu.memory_space<vmem>> -> memref<128xi32, #tpu.memory_space<vmem>>
        %dma_wait3A_121 = arith.constant 0 : i32
        %dma_wait3A_122 = arith.constant 0 : i32
        %dma_wait3A_123 = tpu.memref_slice %arg2[%dma_wait3A_121, %dma_wait3A_122] : memref<10000x128xf32, #tpu.memory_space<hbm>> -> memref<10000x128xf32, #tpu.memory_space<hbm>>
        tpu.wait_indirect_dma semaphore(%arg10 : memref<!tpu.dma_semaphore, #tpu.memory_space<semaphore_mem>>) src(%dma_wait3A_123 : memref<10000x128xf32, #tpu.memory_space<hbm>>) dst(%arg7 : memref<128x128xf32, #tpu.memory_space<vmem>>)
        %run_scoped3A = arith.constant 1 : i32
        "tpu.region"() ({
          %run_scoped3A_145 = tpu.sem_alloc : memref<!tpu.dma_semaphore, #tpu.memory_space<semaphore_mem>>
          %dma_start3A_146 = arith.constant 0 : i32
          %dma_start3A_147 = tpu.memref_slice %arg6[%add3A_117, %run_scoped3A, %dma_start3A_146] : memref<16x2x128xi32, #tpu.memory_space<vmem>> -> memref<1x1x128xi32, #tpu.memory_space<vmem>>
          %dma_start3A_148 = tpu.memref_squeeze %dma_start3A_147 : memref<1x1x128xi32, #tpu.memory_space<vmem>> -> memref<128xi32, #tpu.memory_space<vmem>>
          %dma_start3A_149 = arith.constant 0 : i32
          %dma_start3A_150 = arith.constant 0 : i32
          %dma_start3A_151 = tpu.memref_slice %arg9[%dma_start3A_149, %dma_start3A_150] : memref<10240x128xf32, #tpu.memory_space<vmem_shared>> -> memref<10240x128xf32, #tpu.memory_space<vmem_shared>>
          tpu.enqueue_indirect_dma source(%arg7 : memref<128x128xf32, #tpu.memory_space<vmem>>) target(%dma_start3A_151 : memref<10240x128xf32, #tpu.memory_space<vmem_shared>>) offsets(%dma_start3A_148 : memref<128xi32, #tpu.memory_space<vmem>>) semaphore(%run_scoped3A_145 : memref<!tpu.dma_semaphore, #tpu.memory_space<semaphore_mem>>) {add = true}
          %dma_wait3A_152 = arith.constant 0 : i32
          %dma_wait3A_153 = tpu.memref_slice %arg6[%add3A_117, %run_scoped3A, %dma_wait3A_152] : memref<16x2x128xi32, #tpu.memory_space<vmem>> -> memref<1x1x128xi32, #tpu.memory_space<vmem>>
          %dma_wait3A_154 = tpu.memref_squeeze %dma_wait3A_153 : memref<1x1x128xi32, #tpu.memory_space<vmem>> -> memref<128xi32, #tpu.memory_space<vmem>>
          %dma_wait3A_155 = arith.constant 0 : i32
          %dma_wait3A_156 = arith.constant 0 : i32
          %dma_wait3A_157 = tpu.memref_slice %arg9[%dma_wait3A_155, %dma_wait3A_156] : memref<10240x128xf32, #tpu.memory_space<vmem_shared>> -> memref<10240x128xf32, #tpu.memory_space<vmem_shared>>
          tpu.wait_indirect_dma semaphore(%run_scoped3A_145 : memref<!tpu.dma_semaphore, #tpu.memory_space<semaphore_mem>>) src(%arg7 : memref<128x128xf32, #tpu.memory_space<vmem>>) dst(%dma_wait3A_157 : memref<10240x128xf32, #tpu.memory_space<vmem_shared>>)
          tpu.yield
        }) : () -> ()
        %add3A_124 = arith.constant 2 : i32
        %add3A_125 = arith.addi %add3A_117, %add3A_124 : i32
        %lt3A = arith.constant 16 : i32
        %lt3A_126 = arith.cmpi slt, %add3A_125, %lt3A : i32
        %convert_element_type3A = arith.extui %lt3A_126 : i1 to i32
        %cond3A = arith.constant 0 : i32
        %cond3A_127 = arith.cmpi ne, %convert_element_type3A, %cond3A : i32
        scf.if %cond3A_127 {
          %add3A_145 = arith.constant 2 : i32
          %add3A_146 = arith.addi %add3A_117, %add3A_145 : i32
          %dma_start3A_147 = arith.constant 0 : i32
          %dma_start3A_148 = arith.constant 0 : i32
          %dma_start3A_149 = tpu.memref_slice %arg6[%add3A_146, %dma_start3A_147, %dma_start3A_148] : memref<16x2x128xi32, #tpu.memory_space<vmem>> -> memref<1x1x128xi32, #tpu.memory_space<vmem>>
          %dma_start3A_150 = tpu.memref_squeeze %dma_start3A_149 : memref<1x1x128xi32, #tpu.memory_space<vmem>> -> memref<128xi32, #tpu.memory_space<vmem>>
          %dma_start3A_151 = arith.constant 0 : i32
          %dma_start3A_152 = arith.constant 0 : i32
          %dma_start3A_153 = tpu.memref_slice %arg2[%dma_start3A_151, %dma_start3A_152] : memref<10000x128xf32, #tpu.memory_space<hbm>> -> memref<10000x128xf32, #tpu.memory_space<hbm>>
          tpu.enqueue_indirect_dma source(%dma_start3A_153 : memref<10000x128xf32, #tpu.memory_space<hbm>>) target(%arg7 : memref<128x128xf32, #tpu.memory_space<vmem>>) offsets(%dma_start3A_150 : memref<128xi32, #tpu.memory_space<vmem>>) semaphore(%arg10 : memref<!tpu.dma_semaphore, #tpu.memory_space<semaphore_mem>>)
        } else {
        }
        %add3A_128 = arith.constant 1 : i32
        %add3A_129 = arith.addi %add3A_115, %add3A_128 : i32
        %dma_wait3A_130 = arith.constant 0 : i32
        %dma_wait3A_131 = arith.constant 0 : i32
        %dma_wait3A_132 = tpu.memref_slice %arg6[%add3A_129, %dma_wait3A_130, %dma_wait3A_131] : memref<16x2x128xi32, #tpu.memory_space<vmem>> -> memref<1x1x128xi32, #tpu.memory_space<vmem>>
        %dma_wait3A_133 = tpu.memref_squeeze %dma_wait3A_132 : memref<1x1x128xi32, #tpu.memory_space<vmem>> -> memref<128xi32, #tpu.memory_space<vmem>>
        %dma_wait3A_134 = arith.constant 0 : i32
        %dma_wait3A_135 = arith.constant 0 : i32
        %dma_wait3A_136 = tpu.memref_slice %arg2[%dma_wait3A_134, %dma_wait3A_135] : memref<10000x128xf32, #tpu.memory_space<hbm>> -> memref<10000x128xf32, #tpu.memory_space<hbm>>
        tpu.wait_indirect_dma semaphore(%arg11 : memref<!tpu.dma_semaphore, #tpu.memory_space<semaphore_mem>>) src(%dma_wait3A_136 : memref<10000x128xf32, #tpu.memory_space<hbm>>) dst(%arg8 : memref<128x128xf32, #tpu.memory_space<vmem>>)
        %run_scoped3A_137 = arith.constant 1 : i32
        "tpu.region"() ({
          %run_scoped3A_145 = tpu.sem_alloc : memref<!tpu.dma_semaphore, #tpu.memory_space<semaphore_mem>>
          %dma_start3A_146 = arith.constant 0 : i32
          %dma_start3A_147 = tpu.memref_slice %arg6[%add3A_129, %run_scoped3A_137, %dma_start3A_146] : memref<16x2x128xi32, #tpu.memory_space<vmem>> -> memref<1x1x128xi32, #tpu.memory_space<vmem>>
          %dma_start3A_148 = tpu.memref_squeeze %dma_start3A_147 : memref<1x1x128xi32, #tpu.memory_space<vmem>> -> memref<128xi32, #tpu.memory_space<vmem>>
          %dma_start3A_149 = arith.constant 0 : i32
          %dma_start3A_150 = arith.constant 0 : i32
          %dma_start3A_151 = tpu.memref_slice %arg9[%dma_start3A_149, %dma_start3A_150] : memref<10240x128xf32, #tpu.memory_space<vmem_shared>> -> memref<10240x128xf32, #tpu.memory_space<vmem_shared>>
          tpu.enqueue_indirect_dma source(%arg8 : memref<128x128xf32, #tpu.memory_space<vmem>>) target(%dma_start3A_151 : memref<10240x128xf32, #tpu.memory_space<vmem_shared>>) offsets(%dma_start3A_148 : memref<128xi32, #tpu.memory_space<vmem>>) semaphore(%run_scoped3A_145 : memref<!tpu.dma_semaphore, #tpu.memory_space<semaphore_mem>>) {add = true}
          %dma_wait3A_152 = arith.constant 0 : i32
          %dma_wait3A_153 = tpu.memref_slice %arg6[%add3A_129, %run_scoped3A_137, %dma_wait3A_152] : memref<16x2x128xi32, #tpu.memory_space<vmem>> -> memref<1x1x128xi32, #tpu.memory_space<vmem>>
          %dma_wait3A_154 = tpu.memref_squeeze %dma_wait3A_153 : memref<1x1x128xi32, #tpu.memory_space<vmem>> -> memref<128xi32, #tpu.memory_space<vmem>>
          %dma_wait3A_155 = arith.constant 0 : i32
          %dma_wait3A_156 = arith.constant 0 : i32
          %dma_wait3A_157 = tpu.memref_slice %arg9[%dma_wait3A_155, %dma_wait3A_156] : memref<10240x128xf32, #tpu.memory_space<vmem_shared>> -> memref<10240x128xf32, #tpu.memory_space<vmem_shared>>
          tpu.wait_indirect_dma semaphore(%run_scoped3A_145 : memref<!tpu.dma_semaphore, #tpu.memory_space<semaphore_mem>>) src(%arg8 : memref<128x128xf32, #tpu.memory_space<vmem>>) dst(%dma_wait3A_157 : memref<10240x128xf32, #tpu.memory_space<vmem_shared>>)
          tpu.yield
        }) : () -> ()
        %add3A_138 = arith.constant 2 : i32
        %add3A_139 = arith.addi %add3A_129, %add3A_138 : i32
        %lt3A_140 = arith.constant 16 : i32
        %lt3A_141 = arith.cmpi slt, %add3A_139, %lt3A_140 : i32
        %convert_element_type3A_142 = arith.extui %lt3A_141 : i1 to i32
        %cond3A_143 = arith.constant 0 : i32
        %cond3A_144 = arith.cmpi ne, %convert_element_type3A_142, %cond3A_143 : i32
        scf.if %cond3A_144 {
          %add3A_145 = arith.constant 2 : i32
          %add3A_146 = arith.addi %add3A_129, %add3A_145 : i32
          %dma_start3A_147 = arith.constant 0 : i32
          %dma_start3A_148 = arith.constant 0 : i32
          %dma_start3A_149 = tpu.memref_slice %arg6[%add3A_146, %dma_start3A_147, %dma_start3A_148] : memref<16x2x128xi32, #tpu.memory_space<vmem>> -> memref<1x1x128xi32, #tpu.memory_space<vmem>>
          %dma_start3A_150 = tpu.memref_squeeze %dma_start3A_149 : memref<1x1x128xi32, #tpu.memory_space<vmem>> -> memref<128xi32, #tpu.memory_space<vmem>>
          %dma_start3A_151 = arith.constant 0 : i32
          %dma_start3A_152 = arith.constant 0 : i32
          %dma_start3A_153 = tpu.memref_slice %arg2[%dma_start3A_151, %dma_start3A_152] : memref<10000x128xf32, #tpu.memory_space<hbm>> -> memref<10000x128xf32, #tpu.memory_space<hbm>>
          tpu.enqueue_indirect_dma source(%dma_start3A_153 : memref<10000x128xf32, #tpu.memory_space<hbm>>) target(%arg8 : memref<128x128xf32, #tpu.memory_space<vmem>>) offsets(%dma_start3A_150 : memref<128xi32, #tpu.memory_space<vmem>>) semaphore(%arg11 : memref<!tpu.dma_semaphore, #tpu.memory_space<semaphore_mem>>)
        } else {
        }
      }
      %scan3A_110 = arith.constant 8 : i32
    }
    %while3A_44 = arith.constant 1 : i32
    scf.for %while3A_86 = %while3A_42 to %while3A_38 step %while3A_44  : i32 {
      %mul3A_87 = arith.muli %while3A_86, %while3A : i32
      %add3A_88 = arith.addi %while3A_35, %mul3A_87 : i32
      %mul3A_89 = arith.constant 16 : i32
      %mul3A_90 = arith.muli %add3A_88, %mul3A_89 : i32
      %add3A_91 = arith.addi %select_n3A, %mul3A_90 : i32
      "tpu.region"() ({
        %run_scoped3A = tpu.sem_alloc : memref<!tpu.dma_semaphore, #tpu.memory_space<semaphore_mem>>
        %dma_start3A_111 = arith.constant 0 : i32
        %dma_start3A_112 = arith.constant 0 : i32
        %dma_start3A_113 = tpu.memref_slice %arg3[%add3A_91, %dma_start3A_111, %dma_start3A_112] : memref<2560x2x128xi32, #tpu.memory_space<hbm>> -> memref<16x2x128xi32, #tpu.memory_space<hbm>>
        %dma_start3A_114 = arith.constant 0 : i32
        %dma_start3A_115 = arith.constant 0 : i32
        %dma_start3A_116 = tpu.memref_slice %arg3[%add3A_91, %dma_start3A_114, %dma_start3A_115] : memref<2560x2x128xi32, #tpu.memory_space<hbm>> -> memref<16x2x128xi32, #tpu.memory_space<hbm>>
        tpu.enqueue_dma source(%dma_start3A_116 : memref<16x2x128xi32, #tpu.memory_space<hbm>>) target(%arg6 : memref<16x2x128xi32, #tpu.memory_space<vmem>>) target_semaphore(%run_scoped3A : memref<!tpu.dma_semaphore, #tpu.memory_space<semaphore_mem>>)
        %dma_wait3A = arith.constant 0 : i32
        %dma_wait3A_117 = arith.constant 0 : i32
        %dma_wait3A_118 = tpu.memref_slice %arg3[%add3A_91, %dma_wait3A, %dma_wait3A_117] : memref<2560x2x128xi32, #tpu.memory_space<hbm>> -> memref<16x2x128xi32, #tpu.memory_space<hbm>>
        %dma_wait3A_119 = arith.constant 0 : i32
        %dma_wait3A_120 = arith.constant 0 : i32
        %dma_wait3A_121 = tpu.memref_slice %arg3[%add3A_91, %dma_wait3A_119, %dma_wait3A_120] : memref<2560x2x128xi32, #tpu.memory_space<hbm>> -> memref<16x2x128xi32, #tpu.memory_space<hbm>>
        tpu.wait_dma2 semaphore(%run_scoped3A : memref<!tpu.dma_semaphore, #tpu.memory_space<semaphore_mem>>) src(%dma_wait3A_121 : memref<16x2x128xi32, #tpu.memory_space<hbm>>) dst(%arg6 : memref<16x2x128xi32, #tpu.memory_space<vmem>>)
        tpu.yield
      }) : () -> ()
      %dma_start3A = arith.constant 0 : i32
      %dma_start3A_92 = arith.constant 0 : i32
      %dma_start3A_93 = arith.constant 0 : i32
      %dma_start3A_94 = tpu.memref_slice %arg6[%dma_start3A, %dma_start3A_92, %dma_start3A_93] : memref<16x2x128xi32, #tpu.memory_space<vmem>> -> memref<1x1x128xi32, #tpu.memory_space<vmem>>
      %dma_start3A_95 = tpu.memref_squeeze %dma_start3A_94 : memref<1x1x128xi32, #tpu.memory_space<vmem>> -> memref<128xi32, #tpu.memory_space<vmem>>
      %dma_start3A_96 = arith.constant 0 : i32
      %dma_start3A_97 = arith.constant 0 : i32
      %dma_start3A_98 = tpu.memref_slice %arg2[%dma_start3A_96, %dma_start3A_97] : memref<10000x128xf32, #tpu.memory_space<hbm>> -> memref<10000x128xf32, #tpu.memory_space<hbm>>
      tpu.enqueue_indirect_dma source(%dma_start3A_98 : memref<10000x128xf32, #tpu.memory_space<hbm>>) target(%arg7 : memref<128x128xf32, #tpu.memory_space<vmem>>) offsets(%dma_start3A_95 : memref<128xi32, #tpu.memory_space<vmem>>) semaphore(%arg10 : memref<!tpu.dma_semaphore, #tpu.memory_space<semaphore_mem>>)
      %dma_start3A_99 = arith.constant 1 : i32
      %dma_start3A_100 = arith.constant 0 : i32
      %dma_start3A_101 = arith.constant 0 : i32
      %dma_start3A_102 = tpu.memref_slice %arg6[%dma_start3A_99, %dma_start3A_100, %dma_start3A_101] : memref<16x2x128xi32, #tpu.memory_space<vmem>> -> memref<1x1x128xi32, #tpu.memory_space<vmem>>
      %dma_start3A_103 = tpu.memref_squeeze %dma_start3A_102 : memref<1x1x128xi32, #tpu.memory_space<vmem>> -> memref<128xi32, #tpu.memory_space<vmem>>
      %dma_start3A_104 = arith.constant 0 : i32
      %dma_start3A_105 = arith.constant 0 : i32
      %dma_start3A_106 = tpu.memref_slice %arg2[%dma_start3A_104, %dma_start3A_105] : memref<10000x128xf32, #tpu.memory_space<hbm>> -> memref<10000x128xf32, #tpu.memory_space<hbm>>
      tpu.enqueue_indirect_dma source(%dma_start3A_106 : memref<10000x128xf32, #tpu.memory_space<hbm>>) target(%arg8 : memref<128x128xf32, #tpu.memory_space<vmem>>) offsets(%dma_start3A_103 : memref<128xi32, #tpu.memory_space<vmem>>) semaphore(%arg11 : memref<!tpu.dma_semaphore, #tpu.memory_space<semaphore_mem>>)
      %scan3A = arith.constant 0 : i32
      %scan3A_107 = arith.constant 8 : i32
      %scan3A_108 = arith.addi %scan3A, %scan3A_107 : i32
      %scan3A_109 = arith.constant 1 : i32
      scf.for %scan3A_111 = %scan3A to %scan3A_108 step %scan3A_109  : i32 {
        %mul3A_112 = arith.constant 2 : i32
        %mul3A_113 = arith.muli %scan3A_111, %mul3A_112 : i32
        %add3A_114 = arith.constant 0 : i32
        %add3A_115 = arith.addi %add3A_114, %mul3A_113 : i32
        %add3A_116 = arith.constant 0 : i32
        %add3A_117 = arith.addi %add3A_115, %add3A_116 : i32
        %dma_wait3A = arith.constant 0 : i32
        %dma_wait3A_118 = arith.constant 0 : i32
        %dma_wait3A_119 = tpu.memref_slice %arg6[%add3A_117, %dma_wait3A, %dma_wait3A_118] : memref<16x2x128xi32, #tpu.memory_space<vmem>> -> memref<1x1x128xi32, #tpu.memory_space<vmem>>
        %dma_wait3A_120 = tpu.memref_squeeze %dma_wait3A_119 : memref<1x1x128xi32, #tpu.memory_space<vmem>> -> memref<128xi32, #tpu.memory_space<vmem>>
        %dma_wait3A_121 = arith.constant 0 : i32
        %dma_wait3A_122 = arith.constant 0 : i32
        %dma_wait3A_123 = tpu.memref_slice %arg2[%dma_wait3A_121, %dma_wait3A_122] : memref<10000x128xf32, #tpu.memory_space<hbm>> -> memref<10000x128xf32, #tpu.memory_space<hbm>>
        tpu.wait_indirect_dma semaphore(%arg10 : memref<!tpu.dma_semaphore, #tpu.memory_space<semaphore_mem>>) src(%dma_wait3A_123 : memref<10000x128xf32, #tpu.memory_space<hbm>>) dst(%arg7 : memref<128x128xf32, #tpu.memory_space<vmem>>)
        %run_scoped3A = arith.constant 1 : i32
        "tpu.region"() ({
          %run_scoped3A_145 = tpu.sem_alloc : memref<!tpu.dma_semaphore, #tpu.memory_space<semaphore_mem>>
          %dma_start3A_146 = arith.constant 0 : i32
          %dma_start3A_147 = tpu.memref_slice %arg6[%add3A_117, %run_scoped3A, %dma_start3A_146] : memref<16x2x128xi32, #tpu.memory_space<vmem>> -> memref<1x1x128xi32, #tpu.memory_space<vmem>>
          %dma_start3A_148 = tpu.memref_squeeze %dma_start3A_147 : memref<1x1x128xi32, #tpu.memory_space<vmem>> -> memref<128xi32, #tpu.memory_space<vmem>>
          %dma_start3A_149 = arith.constant 0 : i32
          %dma_start3A_150 = arith.constant 0 : i32
          %dma_start3A_151 = tpu.memref_slice %arg9[%dma_start3A_149, %dma_start3A_150] : memref<10240x128xf32, #tpu.memory_space<vmem_shared>> -> memref<10240x128xf32, #tpu.memory_space<vmem_shared>>
          tpu.enqueue_indirect_dma source(%arg7 : memref<128x128xf32, #tpu.memory_space<vmem>>) target(%dma_start3A_151 : memref<10240x128xf32, #tpu.memory_space<vmem_shared>>) offsets(%dma_start3A_148 : memref<128xi32, #tpu.memory_space<vmem>>) semaphore(%run_scoped3A_145 : memref<!tpu.dma_semaphore, #tpu.memory_space<semaphore_mem>>) {add = true}
          %dma_wait3A_152 = arith.constant 0 : i32
          %dma_wait3A_153 = tpu.memref_slice %arg6[%add3A_117, %run_scoped3A, %dma_wait3A_152] : memref<16x2x128xi32, #tpu.memory_space<vmem>> -> memref<1x1x128xi32, #tpu.memory_space<vmem>>
          %dma_wait3A_154 = tpu.memref_squeeze %dma_wait3A_153 : memref<1x1x128xi32, #tpu.memory_space<vmem>> -> memref<128xi32, #tpu.memory_space<vmem>>
          %dma_wait3A_155 = arith.constant 0 : i32
          %dma_wait3A_156 = arith.constant 0 : i32
          %dma_wait3A_157 = tpu.memref_slice %arg9[%dma_wait3A_155, %dma_wait3A_156] : memref<10240x128xf32, #tpu.memory_space<vmem_shared>> -> memref<10240x128xf32, #tpu.memory_space<vmem_shared>>
          tpu.wait_indirect_dma semaphore(%run_scoped3A_145 : memref<!tpu.dma_semaphore, #tpu.memory_space<semaphore_mem>>) src(%arg7 : memref<128x128xf32, #tpu.memory_space<vmem>>) dst(%dma_wait3A_157 : memref<10240x128xf32, #tpu.memory_space<vmem_shared>>)
          tpu.yield
        }) : () -> ()
        %add3A_124 = arith.constant 2 : i32
        %add3A_125 = arith.addi %add3A_117, %add3A_124 : i32
        %lt3A = arith.constant 16 : i32
        %lt3A_126 = arith.cmpi slt, %add3A_125, %lt3A : i32
        %convert_element_type3A = arith.extui %lt3A_126 : i1 to i32
        %cond3A = arith.constant 0 : i32
        %cond3A_127 = arith.cmpi ne, %convert_element_type3A, %cond3A : i32
        scf.if %cond3A_127 {
          %add3A_145 = arith.constant 2 : i32
          %add3A_146 = arith.addi %add3A_117, %add3A_145 : i32
          %dma_start3A_147 = arith.constant 0 : i32
          %dma_start3A_148 = arith.constant 0 : i32
          %dma_start3A_149 = tpu.memref_slice %arg6[%add3A_146, %dma_start3A_147, %dma_start3A_148] : memref<16x2x128xi32, #tpu.memory_space<vmem>> -> memref<1x1x128xi32, #tpu.memory_space<vmem>>
          %dma_start3A_150 = tpu.memref_squeeze %dma_start3A_149 : memref<1x1x128xi32, #tpu.memory_space<vmem>> -> memref<128xi32, #tpu.memory_space<vmem>>
          %dma_start3A_151 = arith.constant 0 : i32
          %dma_start3A_152 = arith.constant 0 : i32
          %dma_start3A_153 = tpu.memref_slice %arg2[%dma_start3A_151, %dma_start3A_152] : memref<10000x128xf32, #tpu.memory_space<hbm>> -> memref<10000x128xf32, #tpu.memory_space<hbm>>
          tpu.enqueue_indirect_dma source(%dma_start3A_153 : memref<10000x128xf32, #tpu.memory_space<hbm>>) target(%arg7 : memref<128x128xf32, #tpu.memory_space<vmem>>) offsets(%dma_start3A_150 : memref<128xi32, #tpu.memory_space<vmem>>) semaphore(%arg10 : memref<!tpu.dma_semaphore, #tpu.memory_space<semaphore_mem>>)
        } else {
        }
        %add3A_128 = arith.constant 1 : i32
        %add3A_129 = arith.addi %add3A_115, %add3A_128 : i32
        %dma_wait3A_130 = arith.constant 0 : i32
        %dma_wait3A_131 = arith.constant 0 : i32
        %dma_wait3A_132 = tpu.memref_slice %arg6[%add3A_129, %dma_wait3A_130, %dma_wait3A_131] : memref<16x2x128xi32, #tpu.memory_space<vmem>> -> memref<1x1x128xi32, #tpu.memory_space<vmem>>
        %dma_wait3A_133 = tpu.memref_squeeze %dma_wait3A_132 : memref<1x1x128xi32, #tpu.memory_space<vmem>> -> memref<128xi32, #tpu.memory_space<vmem>>
        %dma_wait3A_134 = arith.constant 0 : i32
        %dma_wait3A_135 = arith.constant 0 : i32
        %dma_wait3A_136 = tpu.memref_slice %arg2[%dma_wait3A_134, %dma_wait3A_135] : memref<10000x128xf32, #tpu.memory_space<hbm>> -> memref<10000x128xf32, #tpu.memory_space<hbm>>
        tpu.wait_indirect_dma semaphore(%arg11 : memref<!tpu.dma_semaphore, #tpu.memory_space<semaphore_mem>>) src(%dma_wait3A_136 : memref<10000x128xf32, #tpu.memory_space<hbm>>) dst(%arg8 : memref<128x128xf32, #tpu.memory_space<vmem>>)
        %run_scoped3A_137 = arith.constant 1 : i32
        "tpu.region"() ({
          %run_scoped3A_145 = tpu.sem_alloc : memref<!tpu.dma_semaphore, #tpu.memory_space<semaphore_mem>>
          %dma_start3A_146 = arith.constant 0 : i32
          %dma_start3A_147 = tpu.memref_slice %arg6[%add3A_129, %run_scoped3A_137, %dma_start3A_146] : memref<16x2x128xi32, #tpu.memory_space<vmem>> -> memref<1x1x128xi32, #tpu.memory_space<vmem>>
          %dma_start3A_148 = tpu.memref_squeeze %dma_start3A_147 : memref<1x1x128xi32, #tpu.memory_space<vmem>> -> memref<128xi32, #tpu.memory_space<vmem>>
          %dma_start3A_149 = arith.constant 0 : i32
          %dma_start3A_150 = arith.constant 0 : i32
          %dma_start3A_151 = tpu.memref_slice %arg9[%dma_start3A_149, %dma_start3A_150] : memref<10240x128xf32, #tpu.memory_space<vmem_shared>> -> memref<10240x128xf32, #tpu.memory_space<vmem_shared>>
          tpu.enqueue_indirect_dma source(%arg8 : memref<128x128xf32, #tpu.memory_space<vmem>>) target(%dma_start3A_151 : memref<10240x128xf32, #tpu.memory_space<vmem_shared>>) offsets(%dma_start3A_148 : memref<128xi32, #tpu.memory_space<vmem>>) semaphore(%run_scoped3A_145 : memref<!tpu.dma_semaphore, #tpu.memory_space<semaphore_mem>>) {add = true}
          %dma_wait3A_152 = arith.constant 0 : i32
          %dma_wait3A_153 = tpu.memref_slice %arg6[%add3A_129, %run_scoped3A_137, %dma_wait3A_152] : memref<16x2x128xi32, #tpu.memory_space<vmem>> -> memref<1x1x128xi32, #tpu.memory_space<vmem>>
          %dma_wait3A_154 = tpu.memref_squeeze %dma_wait3A_153 : memref<1x1x128xi32, #tpu.memory_space<vmem>> -> memref<128xi32, #tpu.memory_space<vmem>>
          %dma_wait3A_155 = arith.constant 0 : i32
          %dma_wait3A_156 = arith.constant 0 : i32
          %dma_wait3A_157 = tpu.memref_slice %arg9[%dma_wait3A_155, %dma_wait3A_156] : memref<10240x128xf32, #tpu.memory_space<vmem_shared>> -> memref<10240x128xf32, #tpu.memory_space<vmem_shared>>
          tpu.wait_indirect_dma semaphore(%run_scoped3A_145 : memref<!tpu.dma_semaphore, #tpu.memory_space<semaphore_mem>>) src(%arg8 : memref<128x128xf32, #tpu.memory_space<vmem>>) dst(%dma_wait3A_157 : memref<10240x128xf32, #tpu.memory_space<vmem_shared>>)
          tpu.yield
        }) : () -> ()
        %add3A_138 = arith.constant 2 : i32
        %add3A_139 = arith.addi %add3A_129, %add3A_138 : i32
        %lt3A_140 = arith.constant 16 : i32
        %lt3A_141 = arith.cmpi slt, %add3A_139, %lt3A_140 : i32
        %convert_element_type3A_142 = arith.extui %lt3A_141 : i1 to i32
        %cond3A_143 = arith.constant 0 : i32
        %cond3A_144 = arith.cmpi ne, %convert_element_type3A_142, %cond3A_143 : i32
        scf.if %cond3A_144 {
          %add3A_145 = arith.constant 2 : i32
          %add3A_146 = arith.addi %add3A_129, %add3A_145 : i32
          %dma_start3A_147 = arith.constant 0 : i32
          %dma_start3A_148 = arith.constant 0 : i32
          %dma_start3A_149 = tpu.memref_slice %arg6[%add3A_146, %dma_start3A_147, %dma_start3A_148] : memref<16x2x128xi32, #tpu.memory_space<vmem>> -> memref<1x1x128xi32, #tpu.memory_space<vmem>>
          %dma_start3A_150 = tpu.memref_squeeze %dma_start3A_149 : memref<1x1x128xi32, #tpu.memory_space<vmem>> -> memref<128xi32, #tpu.memory_space<vmem>>
          %dma_start3A_151 = arith.constant 0 : i32
          %dma_start3A_152 = arith.constant 0 : i32
          %dma_start3A_153 = tpu.memref_slice %arg2[%dma_start3A_151, %dma_start3A_152] : memref<10000x128xf32, #tpu.memory_space<hbm>> -> memref<10000x128xf32, #tpu.memory_space<hbm>>
          tpu.enqueue_indirect_dma source(%dma_start3A_153 : memref<10000x128xf32, #tpu.memory_space<hbm>>) target(%arg8 : memref<128x128xf32, #tpu.memory_space<vmem>>) offsets(%dma_start3A_150 : memref<128xi32, #tpu.memory_space<vmem>>) semaphore(%arg11 : memref<!tpu.dma_semaphore, #tpu.memory_space<semaphore_mem>>)
        } else {
        }
      }
      %scan3A_110 = arith.constant 8 : i32
    }
    %barrier3A_45 = arith.constant 0 : index
    tpu.barrier barrier_id(%barrier3A_45)
    %mul3A_46 = arith.constant 640 : i32
    %mul3A_47 = arith.muli %arg1, %mul3A_46 : i32
    %add3A_48 = arith.constant 0 : i32
    %add3A_49 = arith.addi %mul3A_47, %add3A_48 : i32
    %mul3A_50 = arith.constant 640 : i32
    %mul3A_51 = arith.muli %arg1, %mul3A_50 : i32
    %add3A_52 = arith.constant 0 : i32
    %add3A_53 = arith.addi %mul3A_51, %add3A_52 : i32
    "tpu.region"() ({
      %run_scoped3A = tpu.sem_alloc : memref<!tpu.dma_semaphore, #tpu.memory_space<semaphore_mem>>
      %dma_start3A = arith.constant 0 : i32
      %dma_start3A_86 = arith.constant 0 : i32
      %dma_start3A_87 = tpu.memref_slice %arg5[%arg0, %dma_start3A, %dma_start3A_86] : memref<2x10240x128xf32, #tpu.memory_space<hbm>> -> memref<1x10240x128xf32, #tpu.memory_space<hbm>>
      %dma_start3A_88 = tpu.memref_squeeze %dma_start3A_87 : memref<1x10240x128xf32, #tpu.memory_space<hbm>> -> memref<10240x128xf32, #tpu.memory_space<hbm>>
      %dma_start3A_89 = arith.constant 0 : i32
      %dma_start3A_90 = tpu.memref_slice %dma_start3A_88[%add3A_53, %dma_start3A_89] : memref<10240x128xf32, #tpu.memory_space<hbm>> -> memref<128x128xf32, #tpu.memory_space<hbm>>
      %dma_start3A_91 = arith.constant 0 : i32
      %dma_start3A_92 = tpu.memref_slice %arg9[%add3A_49, %dma_start3A_91] : memref<10240x128xf32, #tpu.memory_space<vmem_shared>> -> memref<128x128xf32, #tpu.memory_space<vmem_shared>>
      tpu.enqueue_dma source(%dma_start3A_92 : memref<128x128xf32, #tpu.memory_space<vmem_shared>>) target(%dma_start3A_90 : memref<128x128xf32, #tpu.memory_space<hbm>>) target_semaphore(%run_scoped3A : memref<!tpu.dma_semaphore, #tpu.memory_space<semaphore_mem>>)
      %dma_wait3A = arith.constant 0 : i32
      %dma_wait3A_93 = arith.constant 0 : i32
      %dma_wait3A_94 = tpu.memref_slice %arg5[%arg0, %dma_wait3A, %dma_wait3A_93] : memref<2x10240x128xf32, #tpu.memory_space<hbm>> -> memref<1x10240x128xf32, #tpu.memory_space<hbm>>
      %dma_wait3A_95 = tpu.memref_squeeze %dma_wait3A_94 : memref<1x10240x128xf32, #tpu.memory_space<hbm>> -> memref<10240x128xf32, #tpu.memory_space<hbm>>
      %dma_wait3A_96 = arith.constant 0 : i32
      %dma_wait3A_97 = tpu.memref_slice %dma_wait3A_95[%add3A_53, %dma_wait3A_96] : memref<10240x128xf32, #tpu.memory_space<hbm>> -> memref<128x128xf32, #tpu.memory_space<hbm>>
      %dma_wait3A_98 = arith.constant 0 : i32
      %dma_wait3A_99 = tpu.memref_slice %arg9[%add3A_49, %dma_wait3A_98] : memref<10240x128xf32, #tpu.memory_space<vmem_shared>> -> memref<128x128xf32, #tpu.memory_space<vmem_shared>>
      tpu.wait_dma2 semaphore(%run_scoped3A : memref<!tpu.dma_semaphore, #tpu.memory_space<semaphore_mem>>) src(%dma_wait3A_99 : memref<128x128xf32, #tpu.memory_space<vmem_shared>>) dst(%dma_wait3A_97 : memref<128x128xf32, #tpu.memory_space<hbm>>)
      tpu.yield
    }) : () -> ()
    %mul3A_54 = arith.constant 640 : i32
    %mul3A_55 = arith.muli %arg1, %mul3A_54 : i32
    %add3A_56 = arith.constant 128 : i32
    %add3A_57 = arith.addi %mul3A_55, %add3A_56 : i32
    %mul3A_58 = arith.constant 640 : i32
    %mul3A_59 = arith.muli %arg1, %mul3A_58 : i32
    %add3A_60 = arith.constant 128 : i32
    %add3A_61 = arith.addi %mul3A_59, %add3A_60 : i32
    "tpu.region"() ({
      %run_scoped3A = tpu.sem_alloc : memref<!tpu.dma_semaphore, #tpu.memory_space<semaphore_mem>>
      %dma_start3A = arith.constant 0 : i32
      %dma_start3A_86 = arith.constant 0 : i32
      %dma_start3A_87 = tpu.memref_slice %arg5[%arg0, %dma_start3A, %dma_start3A_86] : memref<2x10240x128xf32, #tpu.memory_space<hbm>> -> memref<1x10240x128xf32, #tpu.memory_space<hbm>>
      %dma_start3A_88 = tpu.memref_squeeze %dma_start3A_87 : memref<1x10240x128xf32, #tpu.memory_space<hbm>> -> memref<10240x128xf32, #tpu.memory_space<hbm>>
      %dma_start3A_89 = arith.constant 0 : i32
      %dma_start3A_90 = tpu.memref_slice %dma_start3A_88[%add3A_61, %dma_start3A_89] : memref<10240x128xf32, #tpu.memory_space<hbm>> -> memref<128x128xf32, #tpu.memory_space<hbm>>
      %dma_start3A_91 = arith.constant 0 : i32
      %dma_start3A_92 = tpu.memref_slice %arg9[%add3A_57, %dma_start3A_91] : memref<10240x128xf32, #tpu.memory_space<vmem_shared>> -> memref<128x128xf32, #tpu.memory_space<vmem_shared>>
      tpu.enqueue_dma source(%dma_start3A_92 : memref<128x128xf32, #tpu.memory_space<vmem_shared>>) target(%dma_start3A_90 : memref<128x128xf32, #tpu.memory_space<hbm>>) target_semaphore(%run_scoped3A : memref<!tpu.dma_semaphore, #tpu.memory_space<semaphore_mem>>)
      %dma_wait3A = arith.constant 0 : i32
      %dma_wait3A_93 = arith.constant 0 : i32
      %dma_wait3A_94 = tpu.memref_slice %arg5[%arg0, %dma_wait3A, %dma_wait3A_93] : memref<2x10240x128xf32, #tpu.memory_space<hbm>> -> memref<1x10240x128xf32, #tpu.memory_space<hbm>>
      %dma_wait3A_95 = tpu.memref_squeeze %dma_wait3A_94 : memref<1x10240x128xf32, #tpu.memory_space<hbm>> -> memref<10240x128xf32, #tpu.memory_space<hbm>>
      %dma_wait3A_96 = arith.constant 0 : i32
      %dma_wait3A_97 = tpu.memref_slice %dma_wait3A_95[%add3A_61, %dma_wait3A_96] : memref<10240x128xf32, #tpu.memory_space<hbm>> -> memref<128x128xf32, #tpu.memory_space<hbm>>
      %dma_wait3A_98 = arith.constant 0 : i32
      %dma_wait3A_99 = tpu.memref_slice %arg9[%add3A_57, %dma_wait3A_98] : memref<10240x128xf32, #tpu.memory_space<vmem_shared>> -> memref<128x128xf32, #tpu.memory_space<vmem_shared>>
      tpu.wait_dma2 semaphore(%run_scoped3A : memref<!tpu.dma_semaphore, #tpu.memory_space<semaphore_mem>>) src(%dma_wait3A_99 : memref<128x128xf32, #tpu.memory_space<vmem_shared>>) dst(%dma_wait3A_97 : memref<128x128xf32, #tpu.memory_space<hbm>>)
      tpu.yield
    }) : () -> ()
    %mul3A_62 = arith.constant 640 : i32
    %mul3A_63 = arith.muli %arg1, %mul3A_62 : i32
    %add3A_64 = arith.constant 256 : i32
    %add3A_65 = arith.addi %mul3A_63, %add3A_64 : i32
    %mul3A_66 = arith.constant 640 : i32
    %mul3A_67 = arith.muli %arg1, %mul3A_66 : i32
    %add3A_68 = arith.constant 256 : i32
    %add3A_69 = arith.addi %mul3A_67, %add3A_68 : i32
    "tpu.region"() ({
      %run_scoped3A = tpu.sem_alloc : memref<!tpu.dma_semaphore, #tpu.memory_space<semaphore_mem>>
      %dma_start3A = arith.constant 0 : i32
      %dma_start3A_86 = arith.constant 0 : i32
      %dma_start3A_87 = tpu.memref_slice %arg5[%arg0, %dma_start3A, %dma_start3A_86] : memref<2x10240x128xf32, #tpu.memory_space<hbm>> -> memref<1x10240x128xf32, #tpu.memory_space<hbm>>
      %dma_start3A_88 = tpu.memref_squeeze %dma_start3A_87 : memref<1x10240x128xf32, #tpu.memory_space<hbm>> -> memref<10240x128xf32, #tpu.memory_space<hbm>>
      %dma_start3A_89 = arith.constant 0 : i32
      %dma_start3A_90 = tpu.memref_slice %dma_start3A_88[%add3A_69, %dma_start3A_89] : memref<10240x128xf32, #tpu.memory_space<hbm>> -> memref<128x128xf32, #tpu.memory_space<hbm>>
      %dma_start3A_91 = arith.constant 0 : i32
      %dma_start3A_92 = tpu.memref_slice %arg9[%add3A_65, %dma_start3A_91] : memref<10240x128xf32, #tpu.memory_space<vmem_shared>> -> memref<128x128xf32, #tpu.memory_space<vmem_shared>>
      tpu.enqueue_dma source(%dma_start3A_92 : memref<128x128xf32, #tpu.memory_space<vmem_shared>>) target(%dma_start3A_90 : memref<128x128xf32, #tpu.memory_space<hbm>>) target_semaphore(%run_scoped3A : memref<!tpu.dma_semaphore, #tpu.memory_space<semaphore_mem>>)
      %dma_wait3A = arith.constant 0 : i32
      %dma_wait3A_93 = arith.constant 0 : i32
      %dma_wait3A_94 = tpu.memref_slice %arg5[%arg0, %dma_wait3A, %dma_wait3A_93] : memref<2x10240x128xf32, #tpu.memory_space<hbm>> -> memref<1x10240x128xf32, #tpu.memory_space<hbm>>
      %dma_wait3A_95 = tpu.memref_squeeze %dma_wait3A_94 : memref<1x10240x128xf32, #tpu.memory_space<hbm>> -> memref<10240x128xf32, #tpu.memory_space<hbm>>
      %dma_wait3A_96 = arith.constant 0 : i32
      %dma_wait3A_97 = tpu.memref_slice %dma_wait3A_95[%add3A_69, %dma_wait3A_96] : memref<10240x128xf32, #tpu.memory_space<hbm>> -> memref<128x128xf32, #tpu.memory_space<hbm>>
      %dma_wait3A_98 = arith.constant 0 : i32
      %dma_wait3A_99 = tpu.memref_slice %arg9[%add3A_65, %dma_wait3A_98] : memref<10240x128xf32, #tpu.memory_space<vmem_shared>> -> memref<128x128xf32, #tpu.memory_space<vmem_shared>>
      tpu.wait_dma2 semaphore(%run_scoped3A : memref<!tpu.dma_semaphore, #tpu.memory_space<semaphore_mem>>) src(%dma_wait3A_99 : memref<128x128xf32, #tpu.memory_space<vmem_shared>>) dst(%dma_wait3A_97 : memref<128x128xf32, #tpu.memory_space<hbm>>)
      tpu.yield
    }) : () -> ()
    %mul3A_70 = arith.constant 640 : i32
    %mul3A_71 = arith.muli %arg1, %mul3A_70 : i32
    %add3A_72 = arith.constant 384 : i32
    %add3A_73 = arith.addi %mul3A_71, %add3A_72 : i32
    %mul3A_74 = arith.constant 640 : i32
    %mul3A_75 = arith.muli %arg1, %mul3A_74 : i32
    %add3A_76 = arith.constant 384 : i32
    %add3A_77 = arith.addi %mul3A_75, %add3A_76 : i32
    "tpu.region"() ({
      %run_scoped3A = tpu.sem_alloc : memref<!tpu.dma_semaphore, #tpu.memory_space<semaphore_mem>>
      %dma_start3A = arith.constant 0 : i32
      %dma_start3A_86 = arith.constant 0 : i32
      %dma_start3A_87 = tpu.memref_slice %arg5[%arg0, %dma_start3A, %dma_start3A_86] : memref<2x10240x128xf32, #tpu.memory_space<hbm>> -> memref<1x10240x128xf32, #tpu.memory_space<hbm>>
      %dma_start3A_88 = tpu.memref_squeeze %dma_start3A_87 : memref<1x10240x128xf32, #tpu.memory_space<hbm>> -> memref<10240x128xf32, #tpu.memory_space<hbm>>
      %dma_start3A_89 = arith.constant 0 : i32
      %dma_start3A_90 = tpu.memref_slice %dma_start3A_88[%add3A_77, %dma_start3A_89] : memref<10240x128xf32, #tpu.memory_space<hbm>> -> memref<128x128xf32, #tpu.memory_space<hbm>>
      %dma_start3A_91 = arith.constant 0 : i32
      %dma_start3A_92 = tpu.memref_slice %arg9[%add3A_73, %dma_start3A_91] : memref<10240x128xf32, #tpu.memory_space<vmem_shared>> -> memref<128x128xf32, #tpu.memory_space<vmem_shared>>
      tpu.enqueue_dma source(%dma_start3A_92 : memref<128x128xf32, #tpu.memory_space<vmem_shared>>) target(%dma_start3A_90 : memref<128x128xf32, #tpu.memory_space<hbm>>) target_semaphore(%run_scoped3A : memref<!tpu.dma_semaphore, #tpu.memory_space<semaphore_mem>>)
      %dma_wait3A = arith.constant 0 : i32
      %dma_wait3A_93 = arith.constant 0 : i32
      %dma_wait3A_94 = tpu.memref_slice %arg5[%arg0, %dma_wait3A, %dma_wait3A_93] : memref<2x10240x128xf32, #tpu.memory_space<hbm>> -> memref<1x10240x128xf32, #tpu.memory_space<hbm>>
      %dma_wait3A_95 = tpu.memref_squeeze %dma_wait3A_94 : memref<1x10240x128xf32, #tpu.memory_space<hbm>> -> memref<10240x128xf32, #tpu.memory_space<hbm>>
      %dma_wait3A_96 = arith.constant 0 : i32
      %dma_wait3A_97 = tpu.memref_slice %dma_wait3A_95[%add3A_77, %dma_wait3A_96] : memref<10240x128xf32, #tpu.memory_space<hbm>> -> memref<128x128xf32, #tpu.memory_space<hbm>>
      %dma_wait3A_98 = arith.constant 0 : i32
      %dma_wait3A_99 = tpu.memref_slice %arg9[%add3A_73, %dma_wait3A_98] : memref<10240x128xf32, #tpu.memory_space<vmem_shared>> -> memref<128x128xf32, #tpu.memory_space<vmem_shared>>
      tpu.wait_dma2 semaphore(%run_scoped3A : memref<!tpu.dma_semaphore, #tpu.memory_space<semaphore_mem>>) src(%dma_wait3A_99 : memref<128x128xf32, #tpu.memory_space<vmem_shared>>) dst(%dma_wait3A_97 : memref<128x128xf32, #tpu.memory_space<hbm>>)
      tpu.yield
    }) : () -> ()
    %mul3A_78 = arith.constant 640 : i32
    %mul3A_79 = arith.muli %arg1, %mul3A_78 : i32
    %add3A_80 = arith.constant 512 : i32
    %add3A_81 = arith.addi %mul3A_79, %add3A_80 : i32
    %mul3A_82 = arith.constant 640 : i32
    %mul3A_83 = arith.muli %arg1, %mul3A_82 : i32
    %add3A_84 = arith.constant 512 : i32
    %add3A_85 = arith.addi %mul3A_83, %add3A_84 : i32
    "tpu.region"() ({
      %run_scoped3A = tpu.sem_alloc : memref<!tpu.dma_semaphore, #tpu.memory_space<semaphore_mem>>
      %dma_start3A = arith.constant 0 : i32
      %dma_start3A_86 = arith.constant 0 : i32
      %dma_start3A_87 = tpu.memref_slice %arg5[%arg0, %dma_start3A, %dma_start3A_86] : memref<2x10240x128xf32, #tpu.memory_space<hbm>> -> memref<1x10240x128xf32, #tpu.memory_space<hbm>>
      %dma_start3A_88 = tpu.memref_squeeze %dma_start3A_87 : memref<1x10240x128xf32, #tpu.memory_space<hbm>> -> memref<10240x128xf32, #tpu.memory_space<hbm>>
      %dma_start3A_89 = arith.constant 0 : i32
      %dma_start3A_90 = tpu.memref_slice %dma_start3A_88[%add3A_85, %dma_start3A_89] : memref<10240x128xf32, #tpu.memory_space<hbm>> -> memref<128x128xf32, #tpu.memory_space<hbm>>
      %dma_start3A_91 = arith.constant 0 : i32
      %dma_start3A_92 = tpu.memref_slice %arg9[%add3A_81, %dma_start3A_91] : memref<10240x128xf32, #tpu.memory_space<vmem_shared>> -> memref<128x128xf32, #tpu.memory_space<vmem_shared>>
      tpu.enqueue_dma source(%dma_start3A_92 : memref<128x128xf32, #tpu.memory_space<vmem_shared>>) target(%dma_start3A_90 : memref<128x128xf32, #tpu.memory_space<hbm>>) target_semaphore(%run_scoped3A : memref<!tpu.dma_semaphore, #tpu.memory_space<semaphore_mem>>)
      %dma_wait3A = arith.constant 0 : i32
      %dma_wait3A_93 = arith.constant 0 : i32
      %dma_wait3A_94 = tpu.memref_slice %arg5[%arg0, %dma_wait3A, %dma_wait3A_93] : memref<2x10240x128xf32, #tpu.memory_space<hbm>> -> memref<1x10240x128xf32, #tpu.memory_space<hbm>>
      %dma_wait3A_95 = tpu.memref_squeeze %dma_wait3A_94 : memref<1x10240x128xf32, #tpu.memory_space<hbm>> -> memref<10240x128xf32, #tpu.memory_space<hbm>>
      %dma_wait3A_96 = arith.constant 0 : i32
      %dma_wait3A_97 = tpu.memref_slice %dma_wait3A_95[%add3A_85, %dma_wait3A_96] : memref<10240x128xf32, #tpu.memory_space<hbm>> -> memref<128x128xf32, #tpu.memory_space<hbm>>
      %dma_wait3A_98 = arith.constant 0 : i32
      %dma_wait3A_99 = tpu.memref_slice %arg9[%add3A_81, %dma_wait3A_98] : memref<10240x128xf32, #tpu.memory_space<vmem_shared>> -> memref<128x128xf32, #tpu.memory_space<vmem_shared>>
      tpu.wait_dma2 semaphore(%run_scoped3A : memref<!tpu.dma_semaphore, #tpu.memory_space<semaphore_mem>>) src(%dma_wait3A_99 : memref<128x128xf32, #tpu.memory_space<vmem_shared>>) dst(%dma_wait3A_97 : memref<128x128xf32, #tpu.memory_space<hbm>>)
      tpu.yield
    }) : () -> ()
    return
  }
}

module attributes {stable_mosaic.version = 14 : i64} {
  func.func @_tc_scale_body(%arg0: memref<10000x128xf32, #tpu.memory_space<vmem>>, %arg1: memref<2x10240x128xf32, #tpu.memory_space<vmem>>, %arg2: memref<10000x128xf32, #tpu.memory_space<vmem>>) attributes {dimension_semantics = [], scalar_prefetch = 0 : i64, scratch_operands = 0 : i64, tpu.core_type = #tpu.core_type<tc>} {
    %get3A = arith.constant 0 : index
    %get3A_0 = arith.constant 0 : index
    %get3A_1 = arith.constant 0 : index
    %get3A_2 = vector.load %arg1[%get3A, %get3A_0, %get3A_1] : memref<2x10240x128xf32, #tpu.memory_space<vmem>>, vector<1x10000x1xf32>
    %get3A_3 = vector.shape_cast %get3A_2 : vector<1x10000x1xf32> to vector<10000x1xf32>
    %get3A_4 = arith.constant 1 : index
    %get3A_5 = arith.constant 0 : index
    %get3A_6 = arith.constant 0 : index
    %get3A_7 = vector.load %arg1[%get3A_4, %get3A_5, %get3A_6] : memref<2x10240x128xf32, #tpu.memory_space<vmem>>, vector<1x10000x1xf32>
    %get3A_8 = vector.shape_cast %get3A_7 : vector<1x10000x1xf32> to vector<10000x1xf32>
    %add3A = arith.addf %get3A_3, %get3A_8 : vector<10000x1xf32>
    %add3A_9 = arith.constant 1.000000e+00 : f32
    %add3A_10 = vector.broadcast %add3A_9 : f32 to vector<10000x1xf32>
    %add3A_11 = arith.addf %add3A, %add3A_10 : vector<10000x1xf32>
    %get3A_12 = arith.constant 0 : index
    %get3A_13 = arith.constant 0 : index
    %get3A_14 = vector.load %arg0[%get3A_12, %get3A_13] : memref<10000x128xf32, #tpu.memory_space<vmem>>, vector<10000x128xf32>
    %rsqrt3A = math.rsqrt %add3A_11 : vector<10000x1xf32>
    %mul3A = vector.broadcast %rsqrt3A : vector<10000x1xf32> to vector<10000x128xf32>
    %mul3A_15 = arith.mulf %get3A_14, %mul3A : vector<10000x128xf32>
    %swap3A = arith.constant 0 : index
    %swap3A_16 = arith.constant 0 : index
    %swap3A_17 = vector.load %arg2[%swap3A, %swap3A_16] : memref<10000x128xf32, #tpu.memory_space<vmem>>, vector<10000x128xf32>
    tpu.vector_store %arg2[%swap3A, %swap3A_16], %mul3A_15 {strides = array<i32>} : memref<10000x128xf32, #tpu.memory_space<vmem>>, vector<10000x128xf32>,
    return
  }
}

module attributes {stable_mosaic.version = 14 : i64} {
  func.func @_tc_mm_body(%arg0: memref<10000x128xf32, #tpu.memory_space<vmem>>, %arg1: memref<128x128xf32, #tpu.memory_space<vmem>>, %arg2: memref<10000x128xf32, #tpu.memory_space<vmem>>) attributes {dimension_semantics = [], scalar_prefetch = 0 : i64, scratch_operands = 0 : i64, tpu.core_type = #tpu.core_type<tc>} {
    %get3A = arith.constant 0 : index
    %get3A_0 = arith.constant 0 : index
    %get3A_1 = vector.load %arg0[%get3A, %get3A_0] : memref<10000x128xf32, #tpu.memory_space<vmem>>, vector<10000x128xf32>
    %get3A_2 = arith.constant 0 : index
    %get3A_3 = arith.constant 0 : index
    %get3A_4 = vector.load %arg1[%get3A_2, %get3A_3] : memref<128x128xf32, #tpu.memory_space<vmem>>, vector<128x128xf32>
    %dot_general3A = arith.constant dense<0.000000e+00> : vector<10000x128xf32>
    %dot_general3A_5 = tpu.matmul %get3A_1, %get3A_4, %dot_general3A {dimension_numbers = #tpu.dot_dimension_numbers<[1], [1], [0], [0], [0, 0, 1, 0], [], []>, transpose_lhs_hint = false} : vector<10000x128xf32>, vector<128x128xf32>, vector<10000x128xf32> -> vector<10000x128xf32>
    %swap3A = arith.constant 0 : index
    %swap3A_6 = arith.constant 0 : index
    %swap3A_7 = vector.load %arg2[%swap3A, %swap3A_6] : memref<10000x128xf32, #tpu.memory_space<vmem>>, vector<10000x128xf32>
    tpu.vector_store %arg2[%swap3A, %swap3A_6], %dot_general3A_5 {strides = array<i32>} : memref<10000x128xf32, #tpu.memory_space<vmem>>, vector<10000x128xf32>,
    return
  }
}

module attributes {stable_mosaic.version = 14 : i64} {
  func.func @_tc_mid_body(%arg0: memref<2x10240x128xf32, #tpu.memory_space<vmem>>, %arg1: memref<10000x128xf32, #tpu.memory_space<vmem>>, %arg2: memref<2x10240x128xf32, #tpu.memory_space<vmem>>, %arg3: memref<1x128xf32, #tpu.memory_space<vmem>>, %arg4: memref<1x128xf32, #tpu.memory_space<vmem>>, %arg5: memref<1x128xf32, #tpu.memory_space<vmem>>, %arg6: memref<128x128xf32, #tpu.memory_space<vmem>>, %arg7: memref<10000x128xf32, #tpu.memory_space<vmem>>) attributes {dimension_semantics = [], scalar_prefetch = 0 : i64, scratch_operands = 0 : i64, tpu.core_type = #tpu.core_type<tc>} {
    %get3A = arith.constant 0 : index
    %get3A_0 = arith.constant 0 : index
    %get3A_1 = arith.constant 0 : index
    %get3A_2 = vector.load %arg2[%get3A, %get3A_0, %get3A_1] : memref<2x10240x128xf32, #tpu.memory_space<vmem>>, vector<1x10000x1xf32>
    %get3A_3 = vector.shape_cast %get3A_2 : vector<1x10000x1xf32> to vector<10000x1xf32>
    %get3A_4 = arith.constant 1 : index
    %get3A_5 = arith.constant 0 : index
    %get3A_6 = arith.constant 0 : index
    %get3A_7 = vector.load %arg2[%get3A_4, %get3A_5, %get3A_6] : memref<2x10240x128xf32, #tpu.memory_space<vmem>>, vector<1x10000x1xf32>
    %get3A_8 = vector.shape_cast %get3A_7 : vector<1x10000x1xf32> to vector<10000x1xf32>
    %add3A = arith.addf %get3A_3, %get3A_8 : vector<10000x1xf32>
    %add3A_9 = arith.constant 1.000000e+00 : f32
    %add3A_10 = vector.broadcast %add3A_9 : f32 to vector<10000x1xf32>
    %add3A_11 = arith.addf %add3A, %add3A_10 : vector<10000x1xf32>
    %rsqrt3A = math.rsqrt %add3A_11 : vector<10000x1xf32>
    %get3A_12 = arith.constant 0 : index
    %get3A_13 = arith.constant 0 : index
    %get3A_14 = arith.constant 0 : index
    %get3A_15 = vector.load %arg0[%get3A_12, %get3A_13, %get3A_14] : memref<2x10240x128xf32, #tpu.memory_space<vmem>>, vector<1x10000x128xf32>
    %get3A_16 = vector.shape_cast %get3A_15 : vector<1x10000x128xf32> to vector<10000x128xf32>
    %get3A_17 = arith.constant 1 : index
    %get3A_18 = arith.constant 0 : index
    %get3A_19 = arith.constant 0 : index
    %get3A_20 = vector.load %arg0[%get3A_17, %get3A_18, %get3A_19] : memref<2x10240x128xf32, #tpu.memory_space<vmem>>, vector<1x10000x128xf32>
    %get3A_21 = vector.shape_cast %get3A_20 : vector<1x10000x128xf32> to vector<10000x128xf32>
    %add3A_22 = arith.addf %get3A_16, %get3A_21 : vector<10000x128xf32>
    %get3A_23 = arith.constant 0 : index
    %get3A_24 = arith.constant 0 : index
    %get3A_25 = vector.load %arg1[%get3A_23, %get3A_24] : memref<10000x128xf32, #tpu.memory_space<vmem>>, vector<10000x128xf32>
    %add3A_26 = arith.addf %add3A_22, %get3A_25 : vector<10000x128xf32>
    %mul3A = vector.broadcast %rsqrt3A : vector<10000x1xf32> to vector<10000x128xf32>
    %mul3A_27 = arith.mulf %add3A_26, %mul3A : vector<10000x128xf32>
    %get3A_28 = arith.constant 0 : index
    %get3A_29 = arith.constant 0 : index
    %get3A_30 = vector.load %arg3[%get3A_28, %get3A_29] : memref<1x128xf32, #tpu.memory_space<vmem>>, vector<1x128xf32>
    %add3A_31 = vector.broadcast %get3A_30 : vector<1x128xf32> to vector<10000x128xf32>
    %add3A_32 = arith.addf %mul3A_27, %add3A_31 : vector<10000x128xf32>
    %reduce_sum3A = arith.constant dense<0.000000e+00> : vector<128xf32>
    %reduce_sum3A_33 = vector.multi_reduction <add>, %add3A_32, %reduce_sum3A [0] : vector<10000x128xf32> to vector<128xf32>
    %broadcast_in_dim3A = vector.shape_cast %reduce_sum3A_33 : vector<128xf32> to vector<1x128xf32>
    %div3A = arith.constant 1.000000e+04 : f32
    %div3A_34 = vector.broadcast %div3A : f32 to vector<1x128xf32>
    %div3A_35 = arith.divf %broadcast_in_dim3A, %div3A_34 : vector<1x128xf32>
    %sub3A = vector.broadcast %div3A_35 : vector<1x128xf32> to vector<10000x128xf32>
    %sub3A_36 = arith.subf %add3A_32, %sub3A : vector<10000x128xf32>
    %mul3A_37 = arith.mulf %sub3A_36, %sub3A_36 : vector<10000x128xf32>
    %reduce_sum3A_38 = arith.constant dense<0.000000e+00> : vector<128xf32>
    %reduce_sum3A_39 = vector.multi_reduction <add>, %mul3A_37, %reduce_sum3A_38 [0] : vector<10000x128xf32> to vector<128xf32>
    %broadcast_in_dim3A_40 = vector.shape_cast %reduce_sum3A_39 : vector<128xf32> to vector<1x128xf32>
    %div3A_41 = arith.constant 1.000000e+04 : f32
    %div3A_42 = vector.broadcast %div3A_41 : f32 to vector<1x128xf32>
    %div3A_43 = arith.divf %broadcast_in_dim3A_40, %div3A_42 : vector<1x128xf32>
    %add3A_44 = arith.constant 9.99999974E-6 : f32
    %add3A_45 = vector.broadcast %add3A_44 : f32 to vector<1x128xf32>
    %add3A_46 = arith.addf %div3A_43, %add3A_45 : vector<1x128xf32>
    %rsqrt3A_47 = math.rsqrt %add3A_46 : vector<1x128xf32>
    %mul3A_48 = vector.broadcast %rsqrt3A_47 : vector<1x128xf32> to vector<10000x128xf32>
    %mul3A_49 = arith.mulf %sub3A_36, %mul3A_48 : vector<10000x128xf32>
    %get3A_50 = arith.constant 0 : index
    %get3A_51 = arith.constant 0 : index
    %get3A_52 = vector.load %arg4[%get3A_50, %get3A_51] : memref<1x128xf32, #tpu.memory_space<vmem>>, vector<1x128xf32>
    %mul3A_53 = vector.broadcast %get3A_52 : vector<1x128xf32> to vector<10000x128xf32>
    %mul3A_54 = arith.mulf %mul3A_49, %mul3A_53 : vector<10000x128xf32>
    %get3A_55 = arith.constant 0 : index
    %get3A_56 = arith.constant 0 : index
    %get3A_57 = vector.load %arg5[%get3A_55, %get3A_56] : memref<1x128xf32, #tpu.memory_space<vmem>>, vector<1x128xf32>
    %add3A_58 = vector.broadcast %get3A_57 : vector<1x128xf32> to vector<10000x128xf32>
    %add3A_59 = arith.addf %mul3A_54, %add3A_58 : vector<10000x128xf32>
    %max3A = arith.constant 0.000000e+00 : f32
    %max3A_60 = vector.broadcast %max3A : f32 to vector<10000x128xf32>
    %max3A_61 = arith.maximumf %add3A_59, %max3A_60 : vector<10000x128xf32>
    %get3A_62 = arith.constant 0 : index
    %get3A_63 = arith.constant 0 : index
    %get3A_64 = vector.load %arg6[%get3A_62, %get3A_63] : memref<128x128xf32, #tpu.memory_space<vmem>>, vector<128x128xf32>
    %dot_general3A = arith.constant dense<0.000000e+00> : vector<10000x128xf32>
    %dot_general3A_65 = tpu.matmul %max3A_61, %get3A_64, %dot_general3A {dimension_numbers = #tpu.dot_dimension_numbers<[1], [1], [0], [0], [0, 0, 1, 0], [], []>, transpose_lhs_hint = false} : vector<10000x128xf32>, vector<128x128xf32>, vector<10000x128xf32> -> vector<10000x128xf32>
    %mul3A_66 = vector.broadcast %rsqrt3A : vector<10000x1xf32> to vector<10000x128xf32>
    %mul3A_67 = arith.mulf %dot_general3A_65, %mul3A_66 : vector<10000x128xf32>
    %swap3A = arith.constant 0 : index
    %swap3A_68 = arith.constant 0 : index
    %swap3A_69 = vector.load %arg7[%swap3A, %swap3A_68] : memref<10000x128xf32, #tpu.memory_space<vmem>>, vector<10000x128xf32>
    tpu.vector_store %arg7[%swap3A, %swap3A_68], %mul3A_67 {strides = array<i32>} : memref<10000x128xf32, #tpu.memory_space<vmem>>, vector<10000x128xf32>,
    return
  }
}

module attributes {stable_mosaic.version = 14 : i64} {
  func.func @_tc_fin_body(%arg0: memref<2x10240x128xf32, #tpu.memory_space<vmem>>, %arg1: memref<10000x128xf32, #tpu.memory_space<vmem>>, %arg2: memref<2x10240x128xf32, #tpu.memory_space<vmem>>, %arg3: memref<1x128xf32, #tpu.memory_space<vmem>>, %arg4: memref<1x128xf32, #tpu.memory_space<vmem>>, %arg5: memref<1x128xf32, #tpu.memory_space<vmem>>, %arg6: memref<10000x128xf32, #tpu.memory_space<vmem>>) attributes {dimension_semantics = [], scalar_prefetch = 0 : i64, scratch_operands = 0 : i64, tpu.core_type = #tpu.core_type<tc>} {
    %get3A = arith.constant 0 : index
    %get3A_0 = arith.constant 0 : index
    %get3A_1 = arith.constant 0 : index
    %get3A_2 = vector.load %arg2[%get3A, %get3A_0, %get3A_1] : memref<2x10240x128xf32, #tpu.memory_space<vmem>>, vector<1x10000x1xf32>
    %get3A_3 = vector.shape_cast %get3A_2 : vector<1x10000x1xf32> to vector<10000x1xf32>
    %get3A_4 = arith.constant 1 : index
    %get3A_5 = arith.constant 0 : index
    %get3A_6 = arith.constant 0 : index
    %get3A_7 = vector.load %arg2[%get3A_4, %get3A_5, %get3A_6] : memref<2x10240x128xf32, #tpu.memory_space<vmem>>, vector<1x10000x1xf32>
    %get3A_8 = vector.shape_cast %get3A_7 : vector<1x10000x1xf32> to vector<10000x1xf32>
    %add3A = arith.addf %get3A_3, %get3A_8 : vector<10000x1xf32>
    %add3A_9 = arith.constant 1.000000e+00 : f32
    %add3A_10 = vector.broadcast %add3A_9 : f32 to vector<10000x1xf32>
    %add3A_11 = arith.addf %add3A, %add3A_10 : vector<10000x1xf32>
    %rsqrt3A = math.rsqrt %add3A_11 : vector<10000x1xf32>
    %get3A_12 = arith.constant 0 : index
    %get3A_13 = arith.constant 0 : index
    %get3A_14 = arith.constant 0 : index
    %get3A_15 = vector.load %arg0[%get3A_12, %get3A_13, %get3A_14] : memref<2x10240x128xf32, #tpu.memory_space<vmem>>, vector<1x10000x128xf32>
    %get3A_16 = vector.shape_cast %get3A_15 : vector<1x10000x128xf32> to vector<10000x128xf32>
    %get3A_17 = arith.constant 1 : index
    %get3A_18 = arith.constant 0 : index
    %get3A_19 = arith.constant 0 : index
    %get3A_20 = vector.load %arg0[%get3A_17, %get3A_18, %get3A_19] : memref<2x10240x128xf32, #tpu.memory_space<vmem>>, vector<1x10000x128xf32>
    %get3A_21 = vector.shape_cast %get3A_20 : vector<1x10000x128xf32> to vector<10000x128xf32>
    %add3A_22 = arith.addf %get3A_16, %get3A_21 : vector<10000x128xf32>
    %get3A_23 = arith.constant 0 : index
    %get3A_24 = arith.constant 0 : index
    %get3A_25 = vector.load %arg1[%get3A_23, %get3A_24] : memref<10000x128xf32, #tpu.memory_space<vmem>>, vector<10000x128xf32>
    %add3A_26 = arith.addf %add3A_22, %get3A_25 : vector<10000x128xf32>
    %mul3A = vector.broadcast %rsqrt3A : vector<10000x1xf32> to vector<10000x128xf32>
    %mul3A_27 = arith.mulf %add3A_26, %mul3A : vector<10000x128xf32>
    %get3A_28 = arith.constant 0 : index
    %get3A_29 = arith.constant 0 : index
    %get3A_30 = vector.load %arg3[%get3A_28, %get3A_29] : memref<1x128xf32, #tpu.memory_space<vmem>>, vector<1x128xf32>
    %add3A_31 = vector.broadcast %get3A_30 : vector<1x128xf32> to vector<10000x128xf32>
    %add3A_32 = arith.addf %mul3A_27, %add3A_31 : vector<10000x128xf32>
    %reduce_sum3A = arith.constant dense<0.000000e+00> : vector<128xf32>
    %reduce_sum3A_33 = vector.multi_reduction <add>, %add3A_32, %reduce_sum3A [0] : vector<10000x128xf32> to vector<128xf32>
    %broadcast_in_dim3A = vector.shape_cast %reduce_sum3A_33 : vector<128xf32> to vector<1x128xf32>
    %div3A = arith.constant 1.000000e+04 : f32
    %div3A_34 = vector.broadcast %div3A : f32 to vector<1x128xf32>
    %div3A_35 = arith.divf %broadcast_in_dim3A, %div3A_34 : vector<1x128xf32>
    %sub3A = vector.broadcast %div3A_35 : vector<1x128xf32> to vector<10000x128xf32>
    %sub3A_36 = arith.subf %add3A_32, %sub3A : vector<10000x128xf32>
    %mul3A_37 = arith.mulf %sub3A_36, %sub3A_36 : vector<10000x128xf32>
    %reduce_sum3A_38 = arith.constant dense<0.000000e+00> : vector<128xf32>
    %reduce_sum3A_39 = vector.multi_reduction <add>, %mul3A_37, %reduce_sum3A_38 [0] : vector<10000x128xf32> to vector<128xf32>
    %broadcast_in_dim3A_40 = vector.shape_cast %reduce_sum3A_39 : vector<128xf32> to vector<1x128xf32>
    %div3A_41 = arith.constant 1.000000e+04 : f32
    %div3A_42 = vector.broadcast %div3A_41 : f32 to vector<1x128xf32>
    %div3A_43 = arith.divf %broadcast_in_dim3A_40, %div3A_42 : vector<1x128xf32>
    %add3A_44 = arith.constant 9.99999974E-6 : f32
    %add3A_45 = vector.broadcast %add3A_44 : f32 to vector<1x128xf32>
    %add3A_46 = arith.addf %div3A_43, %add3A_45 : vector<1x128xf32>
    %rsqrt3A_47 = math.rsqrt %add3A_46 : vector<1x128xf32>
    %mul3A_48 = vector.broadcast %rsqrt3A_47 : vector<1x128xf32> to vector<10000x128xf32>
    %mul3A_49 = arith.mulf %sub3A_36, %mul3A_48 : vector<10000x128xf32>
    %get3A_50 = arith.constant 0 : index
    %get3A_51 = arith.constant 0 : index
    %get3A_52 = vector.load %arg4[%get3A_50, %get3A_51] : memref<1x128xf32, #tpu.memory_space<vmem>>, vector<1x128xf32>
    %mul3A_53 = vector.broadcast %get3A_52 : vector<1x128xf32> to vector<10000x128xf32>
    %mul3A_54 = arith.mulf %mul3A_49, %mul3A_53 : vector<10000x128xf32>
    %get3A_55 = arith.constant 0 : index
    %get3A_56 = arith.constant 0 : index
    %get3A_57 = vector.load %arg5[%get3A_55, %get3A_56] : memref<1x128xf32, #tpu.memory_space<vmem>>, vector<1x128xf32>
    %add3A_58 = vector.broadcast %get3A_57 : vector<1x128xf32> to vector<10000x128xf32>
    %add3A_59 = arith.addf %mul3A_54, %add3A_58 : vector<10000x128xf32>
    %max3A = arith.constant 0.000000e+00 : f32
    %max3A_60 = vector.broadcast %max3A : f32 to vector<10000x128xf32>
    %max3A_61 = arith.maximumf %add3A_59, %max3A_60 : vector<10000x128xf32>
    %swap3A = arith.constant 0 : index
    %swap3A_62 = arith.constant 0 : index
    %swap3A_63 = vector.load %arg6[%swap3A, %swap3A_62] : memref<10000x128xf32, #tpu.memory_space<vmem>>, vector<10000x128xf32>
    tpu.vector_store %arg6[%swap3A, %swap3A_62], %max3A_61 {strides = array<i32>} : memref<10000x128xf32, #tpu.memory_space<vmem>>, vector<10000x128xf32>,
    return
  }
}

</mosaic_0001>

<sc_bundles>
// kernel: kernel.12.cloned.1.call-start
scs
__scs_entry_jumppad:
0x0: {  	(pc) =	sbr.rel $0x88, $3  }
0x1: {  	(tag) =	ssettag $0x0;
	lr =	simm.s32 $0x1  }
0x2: {  	[smem:$0x3F97] =	sst lr;
	_ =	strace $0xD0000000  }
0x3: {  	_ = 	snop  }
0x4: {  	_ = 	snop  }
0x5: {  	_ = 	snop  }
0x6: {  	_ = 	snop  }
0x7: {  	_ = 	snop  }
__scs_overlays_trampoline_lowered:
0x8: {  	[smem:$0x3FA6] =	sst s0  }
0x9: {  	[smem:$0x3FA7] =	sst s1  }
0xa: {  	[smem:$0x3FA8] =	sst s2  }
0xb: {  	[smem:$0x3FA9] =	sst s3  }
0xc: {  	[smem:$0x3FAA] =	sst s4  }
0xd: {  	[smem:$0x3FAB] =	sst s5  }
0xe: {  	[smem:$0x3FAC] =	sst s6  }
0xf: {  	[smem:$0x3FAD] =	sst s7  }
0x10: {  	[smem:$0x3FAE] =	sst s8  }
0x11: {  	[smem:$0x3FAF] =	sst s9;
	s0 =	simm.s32 @!p0 $0x0  }
0x12: {  	s1 =	sld [smem:$0x3F95];
	s0 =	simm.s32 @p0 $0x1  }
0x13: {  	[smem:$0x3FB0] =	sst s0;
	s0 =	simm.s32 @!p1 $0x0  }
0x14: {  	s2 =	sld [smem:$0x3F94];
	s0 =	simm.s32 @p1 $0x1  }
0x15: {  	[smem:$0x3FB1] =	sst s0;
	s0 =	simm.s32 @!p2 $0x0  }
0x16: {  	s3 =	sld [smem:$0x3FDB];
	s0 =	simm.s32 @p2 $0x1  }
0x17: {  	s4 =	simm.s32 $0x1BF5;
	[smem:$0x3FB3] =	sst s0  }
0x18: {  	s0 =	sld [smem:$0x3F96];
	_ =	swait.ge [sflag:s4], $0x0  }
0x19: {  	s7 =	sld [smem:$0x3F97]  }
0x1a: {  	s8 =	sadd.s32 $0xFFFFE003, lr  }
0x1b: {  	s9 =	sadd.s32 $0xFFFFFEF7, lr;
	s5 =	simm.s32 $0xFFFFFFFF;
	p2 =	slt.u32 s8, $0xFFFFF086  }
0x1c: {  	p1 =	slt.u32 s9, $0xF7A;
	s5 =	simm.s32 @!p2 $0x0  }
0x1d: {  	s5 =	simm.s32 @p1 $0x1;
	p0 =	seq.s32 s7, s2  }
0x1e: {  	s7 =	smul.u32 @!p0 $0xF7A, s2;
	p2 =	seq.s32 @!p0 s5, $0x0  }
0x1f: {  	s9 =	smul.u32 $0xF7A, s1;
	s8 =	simm.s32 @!p0 $0x1BF5;
	p2 =	por !p2, p0  }
0x20: {  	[sflag:s8] =	ssyncset.s32 @!p0 $0xFFFFF086;
	s6 =	sadd.s32 @!p0 s3, s7;
	s7 =	simm.s32 @!p0 $0x108  }
0x21: {  	s3 =	sadd.s32 s3, s9;
	s6 =	sadd.s32 @!p0 $0x88, s6;
	s7 =	simm.s32 @p2 $0x1082  }
0x22: {  	[simem:s7], [sflag:s8] =	dma.local @!p0 [hbm:s6], $0xF7A  }
0x23: {  	s9 =	sor.u32 $0xD0000000, s2;
	s6 =	simm.s32 $0x108;
	_ =	swait.ge @!p0 [sflag:s8], $0x0  }
0x24: {  	s3 =	sadd.s32 $0x88, s3;
	s6 =	simm.s32 @!p1 $0x1082;
	[sflag:s4] =	ssyncset.s32 $0xFFFFF086  }
0x25: {  	[simem:s6], [sflag:s4] =	dma.local [hbm:s3], $0xF7A  }
0x26: {  	[smem:$0x3F97] =	sst s1;
	(tag) =	ssettag s2;
	_ =	strace s9  }
0x27: {  	s1 =	sld [smem:$0x3FA7]  }
0x28: {  	s2 =	sld [smem:$0x3FA8]  }
0x29: {  	s4 =	sld [smem:$0x3FAA]  }
0x2a: {  	p0 =	seq.s32 s5, $0x0;
	s5 =	sld [smem:$0x3FAB]  }
0x2b: {  	s6 =	sld [smem:$0x3FAC]  }
0x2c: {  	s7 =	sld [smem:$0x3FAD]  }
0x2d: {  	s3 =	simm.s32 $0x108;
	s8 =	sld [smem:$0x3FAE]  }
0x2e: {  	s3 =	simm.s32 @!p0 $0x1082;
	s9 =	sld [smem:$0x3FAF]  }
0x2f: {  	lr =	sadd.s32 s0, s3;
	s0 =	sld [smem:$0x3FA6]  }
0x30: {  	s3 =	sld [smem:$0x3FA9]  }
0x31: {  	[smem:$0x3FB2] =	sst s10  }
0x32: {  	s10 =	sld [smem:$0x3FB0];
	_ =	sdelay $0x3  }
0x33: {  	p0 =	seq.s32 s10, $0x1;
	s10 =	sld [smem:$0x3FB2];
	_ =	sdelay $0x3  }
0x34: {  	[smem:$0x3FB2] =	sst s10  }
0x35: {  	s10 =	sld [smem:$0x3FB1];
	_ =	sdelay $0x3  }
0x36: {  	p1 =	seq.s32 s10, $0x1;
	s10 =	sld [smem:$0x3FB2];
	_ =	sdelay $0x3  }
0x37: {  	[smem:$0x3FB2] =	sst s10  }
0x38: {  	s10 =	sld [smem:$0x3FB3]  }
0x39: {  	_ = 	snop;
	(pc) =	sbr.ind lr, $3  }
0x3a: {  	_ = 	snop  }
0x3b: {  	_ = 	snop  }
0x3c: {  	p2 =	seq.s32 s10, $0x1;
	s10 =	sld [smem:$0x3FB2]  }
0x3d: {  	_ =	shalt  }
0x3e: {  	_ =	shalt  }
0x3f: {  	_ =	shalt  }
0x40: {  	_ =	shalt  }
0x41: {  	_ =	shalt  }
0x42: {  	_ =	shalt  }
0x43: {  	_ =	shalt  }
0x44: {  	_ =	shalt  }
0x45: {  	_ =	shalt  }
0x46: {  	_ =	shalt  }
0x47: {  	_ =	shalt  }
0x48: {  	_ =	shalt  }
0x49: {  	_ =	shalt  }
0x4a: {  	_ =	shalt  }
0x4b: {  	_ =	shalt  }
0x4c: {  	_ =	shalt  }
0x4d: {  	_ =	shalt  }
0x4e: {  	_ =	shalt  }
0x4f: {  	_ =	shalt  }
0x50: {  	_ =	shalt  }
0x51: {  	_ =	shalt  }
0x52: {  	_ =	shalt  }
0x53: {  	_ =	shalt  }
0x54: {  	_ =	shalt  }
0x55: {  	_ =	shalt  }
0x56: {  	_ =	shalt  }
0x57: {  	_ =	shalt  }
0x58: {  	_ =	shalt  }
0x59: {  	_ =	shalt  }
0x5a: {  	_ =	shalt  }
0x5b: {  	_ =	shalt  }
0x5c: {  	_ =	shalt  }
0x5d: {  	_ =	shalt  }
0x5e: {  	_ =	shalt  }
0x5f: {  	_ =	shalt  }
0x60: {  	_ =	shalt  }
0x61: {  	_ =	shalt  }
0x62: {  	_ =	shalt  }
0x63: {  	_ =	shalt  }
0x64: {  	_ =	shalt  }
0x65: {  	_ =	shalt  }
0x66: {  	_ =	shalt  }
0x67: {  	_ =	shalt  }
0x68: {  	_ =	shalt  }
0x69: {  	_ =	shalt  }
0x6a: {  	_ =	shalt  }
0x6b: {  	_ =	shalt  }
0x6c: {  	_ =	shalt  }
0x6d: {  	_ =	shalt  }
0x6e: {  	_ =	shalt  }
0x6f: {  	_ =	shalt  }
0x70: {  	_ =	shalt  }
0x71: {  	_ =	shalt  }
0x72: {  	_ =	shalt  }
0x73: {  	_ =	shalt  }
0x74: {  	_ =	shalt  }
0x75: {  	_ =	shalt  }
0x76: {  	_ =	shalt  }
0x77: {  	_ =	shalt  }
0x78: {  	_ =	shalt  }
0x79: {  	_ =	shalt  }
0x7a: {  	_ =	shalt  }
0x7b: {  	_ =	shalt  }
0x7c: {  	_ =	shalt  }
0x7d: {  	_ =	shalt  }
0x7e: {  	_ =	shalt  }
0x7f: {  	_ =	shalt  }
0x80: {  	_ =	shalt  }
0x81: {  	_ =	shalt  }
0x82: {  	_ =	shalt  }
0x83: {  	_ =	shalt  }
0x84: {  	_ =	shalt  }
0x85: {  	_ =	shalt  }
0x86: {  	_ =	shalt  }
0x87: {  	_ =	shalt  }
.Lfunc_end0:
.L_simem_size_0:
called_computation.1_lowered:
.L_overlay_start_0:
0x88: {  	s2 =	sld [smem:$0x3FD9]  }
0x89: {  	s3 =	sld [smem:$0x3FFE];
	_ =	sdelay $0x1  }
0x8a: {  	s1 =	srdreg.scid  }
0x8b: {  	s0 =	sand.u32 $0x1, s1  }
0x8c: {  	s17 =	sshll.u32 s0, $0xA;
	s2 =	sadd.s32 s3, s2  }
0x8d: {  	s2 =	sadd.s32 s2, s17  }
0x8e: {  	[smem:$0x3FBE] =	sst s2  }
0x8f: {  	_ = 	snop  }
0x90: {  	s2 =	sld [smem:$0x3FD0];
	(tm) =	ssettm $0x1  }
0x91: {  	s18 =	sld [smem:$0x3FFB];
	_ =	sdelay $0x3  }
0x92: {  	_ =	strace s18  }
0x93: {  	s3 =	sld [smem:$0x3FFC];
	_ =	sdelay $0x3  }
0x94: {  	_ =	strace s3  }
0x95: {  	s3 =	sld [smem:$0x3FFD];
	_ =	sdelay $0x3  }
0x96: {  	_ =	strace s3  }
0x97: {  	_ =	strace $0x8FFFFFFF  }
0x98: {  	s19 =	sld [smem:$0x3FDB];
	_ =	sdelay $0x1  }
0x99: {  	s4 =	simm.s32 $_scs_section_size  }
0x9a: {  	s5 =	simm.s32 $_size__tile_overlayer_lowered;
	s6 =	simm.s32 $_tile_overlayer_lowered  }
0x9b: {  	s22 =	simm.s32 $0x1BFF;
	s21 =	sshll.u32 s6, $0x1;
	s3 =	sadd.s32 s4, s19  }
0x9c: {  	s7 =	simm.s32 $0x0;
	s20 =	sshll.u32 s5, $0x1;
	s5 =	sadd.s32 s21, s3  }
0x9d: {  	[timem:s7], [sflag:s22] =	dma.local [hbm:s5], s20  }
0x9e: {  	_ =	swait.ge [sflag:s22], s20  }
0x9f: {  	s4 =	ssub.s32 $0x0, s20;
	[sflag:s22] =	ssyncset.done $0x0  }
0xa0: {  	[sflag:s22] =	ssyncadd.s32 s4;
	_ =	sdelay $0x1  }
0xa1: {  	s23 =	simm.s32 $0x1B8B  }
0xa2: {  	_ =	swait.ge [sflag:s23], $0x1  }
0xa3: {  	[sflag:s23] =	ssyncset.done $0x0  }
0xa4: {  	s25 =	simm.s32 $0x1B8E;
	s24 =	sld [smem:$0x3FFE];
	[sflag:s23] =	ssyncadd.s32 $0xFFFFFFFF  }
0xa5: {  	s26 =	simm.s32 $execute0_lowered;
	[smem:$0x3FD2] =	sst s25  }
0xa6: {  	s5 =	sshll.u32 s26, $0x1;
	_ =	strace $0x80000049;
	[dreg:$0x1] =	wrdreg $0xFFFFFFFF  }
0xa7: {  	s28 =	simm.s32 $_size_execute0_lowered;
	s3 =	sadd.s32 s3, s5;
	[dreg:$0x0] =	wrdreg $0x0  }
0xa8: {  	s5 =	sshll.u32 s28, $0x1;
	[dreg:$0x2] =	wrdreg s3  }
0xa9: {  	[dreg:$0x3] =	wrdreg s5  }
0xaa: {  	[dreg:$0x4] =	wrdreg $0xC0  }
0xab: {  	_ =	task [dreg:s7], $0x5FFFF  }
0xac: {  	[dreg:$0x1] =	wrdreg $0xFFFFFFFF  }
0xad: {  	[dreg:$0x0] =	wrdreg $0x60  }
0xae: {  	[dreg:$0x2] =	wrdreg s2  }
0xaf: {  	[dreg:$0x3] =	wrdreg s24  }
0xb0: {  	[dreg:$0x4] =	wrdreg $0x90000  }
0xb1: {  	[dreg:$0x5] =	wrdreg $0x9  }
0xb2: {  	_ =	task.clear_ibuf [dreg:s7], $0x6FFFF;
	_ =	strace $0x90000049  }
0xb3: {  	s29 =	simm.s32 $0x9;
	_ =	strace $0x8000004B  }
0xb4: {  	_ =	swait.ge [sflag:s29], $0x1  }
0xb5: {  	[sflag:s29] =	ssyncadd.s32 $0xFFFFFFFF  }
0xb6: {  	_ =	strace $0x9000004B  }
0xb7: {  	_ =	sfence  }
0xb8: {  	s30 =	sld [smem:$0x0];
	_ =	sdelay $0x2  }
0xb9: {  	s31 =	sshll.u32 s1, $0xD;
	s1 =	sshrl.u32 s1, $0x2  }
0xba: {  	s3 =	sand.u32 $0x4000, s31;
	s1 =	sadd.s32 s1, s30  }
0xbb: {  	s0 =	sor.u32 s3, s0;
	s1 =	sshll.u32 s1, $0x11  }
0xbc: {  	s0 =	sor.u32 s1, s0  }
0xbd: {  	s0 =	sadd.s32 $0x8F2B, s0  }
0xbe: {  	[sflag:s0] =	ssyncadd.remote.s32 $0x1  }
0xbf: {  	_ =	sfence.sel $0xFFFF  }
0xc0: {  	[dreg:$0x0] =	wrdreg $0xFFFFFFFF;
	(pc) =	sbr.abs _section_cstart, $3  }
0xc1: {  	[dreg:$0x1] =	wrdreg $0xFFFFFFFF  }
0xc2: {  	_ =	task.clear_ibuf [dreg:s7], $0x2FFFF;
	_ =	strace $0x9FFFFFFF  }
0xc3: {  	(tm) =	ssettm $0x7FFFFFFF  }
tec
execute0_lowered:
.L_overlay_start_1:
0x0: {  	(tag) =	ssettag $0x1  }
0x1: {  	s1 =	rddreg [dreg:$0x0]  }
0x2: {  	s0 =	rddreg [dreg:$0x1]  }
0x3: {  	s12 =	stileid.u32;
	s2 =	srdreg.scid  }
0x4: {  	s3 =	rddreg [dreg:$0x2];
	s4 =	simm.s32 $0x0;
	s5 =	smul.u32 $0x5000, s12  }
0x5: {  	s14 =	simm.s32 $0x180;
	s15 =	simm.s32 $0x300;
	s7 =	smul.u32 $0x280, s12  }
0x6: {  	s16 =	simm.s32 $0x280;
	s17 =	simm.s32 $0x400;
	s8 =	smul.u32 $0x50000, s12  }
0x7: {  	[smem:$0x7FF] =	sst s4;
	s9 =	sadd.s32 $0x67000, s0;
	s26 =	smul.u32 $0x2800, s12  }
0x8: {  	s12 =	simm.s32 $0x100;
	_ =	strace $0x8000004A;
	[dreg:$0x10] =	wrdreg s9  }
0x9: {  	s28 =	simm.s32 $0x900;
	s29 =	simm.s32 $0x880;
	[dreg:$0x5] =	wrdreg s12  }
0xa: {  	s30 =	simm.s32 $0xA00;
	s2 =	sand.u32 $0x1, s2;
	[dreg:$0x7] =	wrdreg s14  }
0xb: {  	s31 =	simm.s32 $0x980;
	p0 =	seq.s32 s2, $0x0;
	[dreg:$0x8] =	wrdreg s15  }
0xc: {  	s18 =	smul.u32 $0x28000, s2;
	s2 =	ssub.s32 $0x2, s2;
	[dreg:$0x9] =	wrdreg s16  }
0xd: {  	s12 =	simm.s32 $0x1000;
	[dreg:$0xa] =	wrdreg s17;
	s14 =	simm.s32 $0x80  }
0xe: {  	s15 =	simm.s32 $0x5000;
	s16 =	simm.s32 $0x1;
	s17 =	simm.s32 $0x2  }
0xf: {  	s6 =	sadd.s32 $0x50000, s5;
	s19 =	sshrl.u32 s2, $0x1;
	s8 =	sshrl.u32 s8, $0x2  }
0x10: {  	s20 =	sadd.s32 $0x80, s7;
	s22 =	sadd.s32 $0x100, s7;
	s23 =	sadd.s32 $0x180, s7  }
0x11: {  	s7 =	sadd.s32 $0x200, s7;
	s6 =	smov.u32 @p0 s5;
	s2 =	ssub.s32 s2, s19  }
0x12: {  	s13 =	sadd.s32 s8, s3;
	s21 =	sshll.u32 s20, $0x7;
	s10 =	sshll.u32 s22, $0x7  }
0x13: {  	s11 =	sshll.u32 s23, $0x7;
	s25 =	sshll.u32 s7, $0x7;
	s9 =	sshll.u32 s20, $0x4  }
0x14: {  	s8 =	sshll.u32 s23, $0x4;
	s7 =	sshll.u32 s7, $0x4;
	s19 =	simm.s32 $0x500  }
0x15: {  	s20 =	simm.s32 $0x480;
	s6 =	sshrl.u32 s6, $0x3;
	[dreg:$0xc] =	wrdreg s19  }
0x16: {  	s5 =	sadd.s32 s21, s3;
	s10 =	sadd.s32 s10, s3;
	[dreg:$0xd] =	wrdreg s20  }
0x17: {  	s24 =	sadd.s32 s11, s3;
	s2 =	smax.u32 s2, $0x1;
	[dreg:$0x12] =	wrdreg s5  }
0x18: {  	s21 =	simm.s32 $0x600;
	s19 =	simm.s32 $0x680;
	[dreg:$0x13] =	wrdreg s10  }
0x19: {  	s11 =	simm.s32 $0xB80;
	s20 =	simm.s32 $0xD00;
	[dreg:$0x14] =	wrdreg s24  }
0x1a: {  	s6 =	sadd.s32 s6, s0;
	s0 =	sadd.s32 s18, s0;
	[dreg:$0x16] =	wrdreg s2  }
0x1b: {  	s10 =	sadd.s32 s25, s3;
	s5 =	sshll.u32 s22, $0x4;
	[dreg:$0xe] =	wrdreg s21  }
0x1c: {  	s18 =	simm.s32 $0x380;
	s22 =	simm.s32 $0x580;
	[dreg:$0x15] =	wrdreg s10  }
0x1d: {  	s2 =	simm.s32 $0xB00;
	s21 =	simm.s32 $0xC80;
	[dreg:$0xb] =	wrdreg s18  }
0x1e: {  	s10 =	smov.u32 s13;
	s6 =	sadd.s32 $0x3000, s6;
	[dreg:$0xf] =	wrdreg s22  }
0x1f: {  	s0 =	sadd.s32 $0x67800, s0;
	s13 =	simm.s32 $0x200;
	[dreg:$0x4] =	wrdreg s6  }
0x20: {  	s18 =	simm.s32 $0x700;
	s22 =	simm.s32 $0xE00;
	[dreg:$0x6] =	wrdreg s13  }
0x21: {  	s13 =	simm.s32 $0x3;
	s23 =	sadd.s32 s26, s0;
	[dreg:$0x11] =	wrdreg s10  }
0x22: {  	s24 =	sadd.s32 s9, s0;
	s25 =	sadd.s32 s5, s0;
	[dreg:$0x17] =	wrdreg s23  }
0x23: {  	s26 =	sadd.s32 s8, s0;
	s0 =	sadd.s32 s7, s0;
	[dreg:$0x18] =	wrdreg s24  }
0x24: {  	s5 =	simm.s32 $0xC00;
	s6 =	simm.s32 $0xE80;
	[dreg:$0x19] =	wrdreg s25  }
0x25: {  	s7 =	simm.s32 $0xF80;
	s9 =	simm.s32 $0x0;
	[dreg:$0x1a] =	wrdreg s26  }
0x26: {  	[dreg:$0x1b] =	wrdreg s0;
	s25 =	simm.s32 $0x800;
	s26 =	simm.s32 $0x780  }
0x27: {  	s0 =	simm.s32 $0xA80;
	s23 =	simm.s32 $0xD80;
	s24 =	simm.s32 $0xF00  }
.LBB2_1:
0x28: {  	[dreg:$0x1c] =	wrdreg s9  }
0x29: {  	s8 =	rddreg [dreg:$0x10]  }
0x2a: {  	[tilespmem:s12], [sflag:$0x3] =	stream.linear.gather [hbm4b:s8+s4], $0x4000, $0x38;
	[tilespmem:$0x1D000] =	vst v63  }
0x2b: {  	_ =	swait.ge [sflag:s13], $0x4000  }
0x2c: {  	[sflag:s13] =	ssyncset.done $0x0  }
0x2d: {  	[sflag:s13] =	ssyncadd.s32 $0xFFFFC000  }
0x2e: {  	[spmem:s10] =	stream.linear.scatter [tilespmem:s12], [sflag:$0x3], $0x4000, $0x38;
	[tilespmem:$0x1D000] =	vst v63  }
0x2f: {  	_ =	swait.ge [sflag:s13], $0x4000  }
0x30: {  	[sflag:s13] =	ssyncset.done $0x0  }
0x31: {  	s9 =	rddreg [dreg:$0x12];
	[sflag:s13] =	ssyncadd.s32 $0xFFFFC000  }
0x32: {  	[spmem:s9] =	stream.linear.scatter [tilespmem:s12], [sflag:$0x3], $0x4000, $0x38;
	[tilespmem:$0x1D000] =	vst v63  }
0x33: {  	_ =	swait.ge [sflag:s13], $0x4000  }
0x34: {  	[sflag:s13] =	ssyncset.done $0x0  }
0x35: {  	s10 =	rddreg [dreg:$0x13];
	[sflag:s13] =	ssyncadd.s32 $0xFFFFC000  }
0x36: {  	[spmem:s10] =	stream.linear.scatter [tilespmem:s12], [sflag:$0x3], $0x4000, $0x38;
	[tilespmem:$0x1D000] =	vst v63  }
0x37: {  	_ =	swait.ge [sflag:s13], $0x4000  }
0x38: {  	[sflag:s13] =	ssyncset.done $0x0  }
0x39: {  	s9 =	rddreg [dreg:$0x14];
	[sflag:s13] =	ssyncadd.s32 $0xFFFFC000  }
0x3a: {  	[spmem:s9] =	stream.linear.scatter [tilespmem:s12], [sflag:$0x3], $0x4000, $0x38;
	[tilespmem:$0x1D000] =	vst v63  }
0x3b: {  	_ =	swait.ge [sflag:s13], $0x4000  }
0x3c: {  	[sflag:s13] =	ssyncset.done $0x0  }
0x3d: {  	s10 =	rddreg [dreg:$0x15];
	[sflag:s13] =	ssyncadd.s32 $0xFFFFC000  }
0x3e: {  	[spmem:s10] =	stream.linear.scatter [tilespmem:s12], [sflag:$0x3], $0x4000, $0x38;
	[tilespmem:$0x1D000] =	vst v63  }
0x3f: {  	_ =	swait.ge [sflag:s13], $0x4000  }
0x40: {  	[sflag:s13] =	ssyncset.done $0x0  }
0x41: {  	[sflag:s13] =	ssyncadd.s32 $0xFFFFC000  }
0x42: {  	[bflag:$0x0] =	sbarrier.arrive $0xFFFF  }
0x43: {  	s8 =	rddreg [dreg:$0x4]  }
0x44: {  	s9 =	sadd.s32 $0x0, s8  }
0x45: {  	[tilespmem:s4], [sflag:$0x3] =	stream.linear.gather [hbm4b:s9+s4], $0x1000, $0x38;
	[tilespmem:$0x1D000] =	vst v63  }
0x46: {  	_ =	swait.ge [sflag:s13], $0x1000  }
0x47: {  	[sflag:s13] =	ssyncset.done $0x0  }
0x48: {  	[sflag:s13] =	ssyncadd.s32 $0xFFFFF000  }
0x49: {  	[tilespmem:s12], [sflag:$0x1] =	stream.indirect.gather [hbm4b:s1+s14], $0x80, s4, s14, $0xb8;
	[tilespmem:$0x1D000] =	vst v63  }
0x4a: {  	s10 =	rddreg [dreg:$0x5]  }
0x4b: {  	[tilespmem:s15], [sflag:$0x2] =	stream.indirect.gather [hbm4b:s1+s14], $0x80, s10, s14, $0xb8;
	[tilespmem:$0x1D000] =	vst v63  }
0x4c: {  	_ =	swait.ge [sflag:s16], $0x4000  }
0x4d: {  	[sflag:s16] =	ssyncset.done $0x0  }
0x4e: {  	[sflag:s16] =	ssyncadd.s32 $0xFFFFC000  }
0x4f: {  	[spmem:s3] =	stream.indirect.scatter.add.f32 [tilespmem:s12], [sflag:$0x3], $0x80, s14, s14, $0xb8;
	[tilespmem:$0x1D000] =	vst v63  }
0x50: {  	_ =	swait.ge [sflag:s13], $0x4000  }
0x51: {  	[sflag:s13] =	ssyncset.done $0x0  }
0x52: {  	s8 =	rddreg [dreg:$0x6];
	[sflag:s13] =	ssyncadd.s32 $0xFFFFC000  }
0x53: {  	[tilespmem:s12], [sflag:$0x1] =	stream.indirect.gather [hbm4b:s1+s14], $0x80, s8, s14, $0xb8;
	[tilespmem:$0x1D000] =	vst v63  }
0x54: {  	_ =	swait.ge [sflag:s17], $0x4000  }
0x55: {  	[sflag:s17] =	ssyncset.done $0x0  }
0x56: {  	s10 =	rddreg [dreg:$0x7];
	[sflag:s17] =	ssyncadd.s32 $0xFFFFC000  }
0x57: {  	[spmem:s3] =	stream.indirect.scatter.add.f32 [tilespmem:s15], [sflag:$0x3], $0x80, s10, s14, $0xb8;
	[tilespmem:$0x1D000] =	vst v63  }
0x58: {  	_ =	swait.ge [sflag:s13], $0x4000  }
0x59: {  	[sflag:s13] =	ssyncset.done $0x0  }
0x5a: {  	s8 =	rddreg [dreg:$0x8];
	[sflag:s13] =	ssyncadd.s32 $0xFFFFC000  }
0x5b: {  	[tilespmem:s15], [sflag:$0x2] =	stream.indirect.gather [hbm4b:s1+s14], $0x80, s8, s14, $0xb8;
	[tilespmem:$0x1D000] =	vst v63  }
0x5c: {  	_ =	swait.ge [sflag:s16], $0x4000  }
0x5d: {  	[sflag:s16] =	ssyncset.done $0x0  }
0x5e: {  	s10 =	rddreg [dreg:$0x9];
	[sflag:s16] =	ssyncadd.s32 $0xFFFFC000  }
0x5f: {  	[spmem:s3] =	stream.indirect.scatter.add.f32 [tilespmem:s12], [sflag:$0x3], $0x80, s10, s14, $0xb8;
	[tilespmem:$0x1D000] =	vst v63  }
0x60: {  	_ =	swait.ge [sflag:s13], $0x4000  }
0x61: {  	[sflag:s13] =	ssyncset.done $0x0  }
0x62: {  	s8 =	rddreg [dreg:$0xa];
	[sflag:s13] =	ssyncadd.s32 $0xFFFFC000  }
0x63: {  	[tilespmem:s12], [sflag:$0x1] =	stream.indirect.gather [hbm4b:s1+s14], $0x80, s8, s14, $0xb8;
	[tilespmem:$0x1D000] =	vst v63  }
0x64: {  	_ =	swait.ge [sflag:s17], $0x4000  }
0x65: {  	[sflag:s17] =	ssyncset.done $0x0  }
0x66: {  	s10 =	rddreg [dreg:$0xb];
	[sflag:s17] =	ssyncadd.s32 $0xFFFFC000  }
0x67: {  	[spmem:s3] =	stream.indirect.scatter.add.f32 [tilespmem:s15], [sflag:$0x3], $0x80, s10, s14, $0xb8;
	[tilespmem:$0x1D000] =	vst v63  }
0x68: {  	_ =	swait.ge [sflag:s13], $0x4000  }
0x69: {  	[sflag:s13] =	ssyncset.done $0x0  }
0x6a: {  	s8 =	rddreg [dreg:$0xc];
	[sflag:s13] =	ssyncadd.s32 $0xFFFFC000  }
0x6b: {  	[tilespmem:s15], [sflag:$0x2] =	stream.indirect.gather [hbm4b:s1+s14], $0x80, s8, s14, $0xb8;
	[tilespmem:$0x1D000] =	vst v63  }
0x6c: {  	_ =	swait.ge [sflag:s16], $0x4000  }
0x6d: {  	[sflag:s16] =	ssyncset.done $0x0  }
0x6e: {  	s10 =	rddreg [dreg:$0xd];
	[sflag:s16] =	ssyncadd.s32 $0xFFFFC000  }
0x6f: {  	[spmem:s3] =	stream.indirect.scatter.add.f32 [tilespmem:s12], [sflag:$0x3], $0x80, s10, s14, $0xb8;
	[tilespmem:$0x1D000] =	vst v63  }
0x70: {  	_ =	swait.ge [sflag:s13], $0x4000  }
0x71: {  	[sflag:s13] =	ssyncset.done $0x0  }
0x72: {  	s8 =	rddreg [dreg:$0xe];
	[sflag:s13] =	ssyncadd.s32 $0xFFFFC000  }
0x73: {  	[tilespmem:s12], [sflag:$0x1] =	stream.indirect.gather [hbm4b:s1+s14], $0x80, s8, s14, $0xb8;
	[tilespmem:$0x1D000] =	vst v63  }
0x74: {  	_ =	swait.ge [sflag:s17], $0x4000  }
0x75: {  	[sflag:s17] =	ssyncset.done $0x0  }
0x76: {  	s10 =	rddreg [dreg:$0xf];
	[sflag:s17] =	ssyncadd.s32 $0xFFFFC000  }
0x77: {  	[spmem:s3] =	stream.indirect.scatter.add.f32 [tilespmem:s15], [sflag:$0x3], $0x80, s10, s14, $0xb8;
	[tilespmem:$0x1D000] =	vst v63  }
0x78: {  	_ =	swait.ge [sflag:s13], $0x4000  }
0x79: {  	[sflag:s13] =	ssyncset.done $0x0  }
0x7a: {  	[sflag:s13] =	ssyncadd.s32 $0xFFFFC000  }
0x7b: {  	[tilespmem:s15], [sflag:$0x2] =	stream.indirect.gather [hbm4b:s1+s14], $0x80, s18, s14, $0xb8;
	[tilespmem:$0x1D000] =	vst v63  }
0x7c: {  	_ =	swait.ge [sflag:s16], $0x4000  }
0x7d: {  	[sflag:s16] =	ssyncset.done $0x0  }
0x7e: {  	[sflag:s16] =	ssyncadd.s32 $0xFFFFC000  }
0x7f: {  	[spmem:s3] =	stream.indirect.scatter.add.f32 [tilespmem:s12], [sflag:$0x3], $0x80, s19, s14, $0xb8;
	[tilespmem:$0x1D000] =	vst v63  }
0x80: {  	_ =	swait.ge [sflag:s13], $0x4000  }
0x81: {  	[sflag:s13] =	ssyncset.done $0x0  }
0x82: {  	[sflag:s13] =	ssyncadd.s32 $0xFFFFC000  }
0x83: {  	[tilespmem:s12], [sflag:$0x1] =	stream.indirect.gather [hbm4b:s1+s14], $0x80, s25, s14, $0xb8;
	[tilespmem:$0x1D000] =	vst v63  }
0x84: {  	_ =	swait.ge [sflag:s17], $0x4000  }
0x85: {  	[sflag:s17] =	ssyncset.done $0x0  }
0x86: {  	[sflag:s17] =	ssyncadd.s32 $0xFFFFC000  }
0x87: {  	[spmem:s3] =	stream.indirect.scatter.add.f32 [tilespmem:s15], [sflag:$0x3], $0x80, s26, s14, $0xb8;
	[tilespmem:$0x1D000] =	vst v63  }
0x88: {  	_ =	swait.ge [sflag:s13], $0x4000  }
0x89: {  	[sflag:s13] =	ssyncset.done $0x0  }
0x8a: {  	[sflag:s13] =	ssyncadd.s32 $0xFFFFC000  }
0x8b: {  	[tilespmem:s15], [sflag:$0x2] =	stream.indirect.gather [hbm4b:s1+s14], $0x80, s28, s14, $0xb8;
	[tilespmem:$0x1D000] =	vst v63  }
0x8c: {  	_ =	swait.ge [sflag:s16], $0x4000  }
0x8d: {  	[sflag:s16] =	ssyncset.done $0x0  }
0x8e: {  	[sflag:s16] =	ssyncadd.s32 $0xFFFFC000  }
0x8f: {  	[spmem:s3] =	stream.indirect.scatter.add.f32 [tilespmem:s12], [sflag:$0x3], $0x80, s29, s14, $0xb8;
	[tilespmem:$0x1D000] =	vst v63  }
0x90: {  	_ =	swait.ge [sflag:s13], $0x4000  }
0x91: {  	[sflag:s13] =	ssyncset.done $0x0  }
0x92: {  	[sflag:s13] =	ssyncadd.s32 $0xFFFFC000  }
0x93: {  	[tilespmem:s12], [sflag:$0x1] =	stream.indirect.gather [hbm4b:s1+s14], $0x80, s30, s14, $0xb8;
	[tilespmem:$0x1D000] =	vst v63  }
0x94: {  	_ =	swait.ge [sflag:s17], $0x4000  }
0x95: {  	[sflag:s17] =	ssyncset.done $0x0  }
0x96: {  	[sflag:s17] =	ssyncadd.s32 $0xFFFFC000  }
0x97: {  	[spmem:s3] =	stream.indirect.scatter.add.f32 [tilespmem:s15], [sflag:$0x3], $0x80, s31, s14, $0xb8;
	[tilespmem:$0x1D000] =	vst v63  }
0x98: {  	_ =	swait.ge [sflag:s13], $0x4000  }
0x99: {  	[sflag:s13] =	ssyncset.done $0x0  }
0x9a: {  	[sflag:s13] =	ssyncadd.s32 $0xFFFFC000  }
0x9b: {  	[tilespmem:s15], [sflag:$0x2] =	stream.indirect.gather [hbm4b:s1+s14], $0x80, s2, s14, $0xb8;
	[tilespmem:$0x1D000] =	vst v63  }
0x9c: {  	_ =	swait.ge [sflag:s16], $0x4000  }
0x9d: {  	[sflag:s16] =	ssyncset.done $0x0  }
0x9e: {  	[sflag:s16] =	ssyncadd.s32 $0xFFFFC000  }
0x9f: {  	[spmem:s3] =	stream.indirect.scatter.add.f32 [tilespmem:s12], [sflag:$0x3], $0x80, s0, s14, $0xb8;
	[tilespmem:$0x1D000] =	vst v63  }
0xa0: {  	_ =	swait.ge [sflag:s13], $0x4000  }
0xa1: {  	[sflag:s13] =	ssyncset.done $0x0  }
0xa2: {  	[sflag:s13] =	ssyncadd.s32 $0xFFFFC000  }
0xa3: {  	[tilespmem:s12], [sflag:$0x1] =	stream.indirect.gather [hbm4b:s1+s14], $0x80, s5, s14, $0xb8;
	[tilespmem:$0x1D000] =	vst v63  }
0xa4: {  	_ =	swait.ge [sflag:s17], $0x4000  }
0xa5: {  	[sflag:s17] =	ssyncset.done $0x0  }
0xa6: {  	[sflag:s17] =	ssyncadd.s32 $0xFFFFC000  }
0xa7: {  	[spmem:s3] =	stream.indirect.scatter.add.f32 [tilespmem:s15], [sflag:$0x3], $0x80, s11, s14, $0xb8;
	[tilespmem:$0x1D000] =	vst v63  }
0xa8: {  	_ =	swait.ge [sflag:s13], $0x4000  }
0xa9: {  	[sflag:s13] =	ssyncset.done $0x0  }
0xaa: {  	[sflag:s13] =	ssyncadd.s32 $0xFFFFC000  }
0xab: {  	[tilespmem:s15], [sflag:$0x2] =	stream.indirect.gather [hbm4b:s1+s14], $0x80, s20, s14, $0xb8;
	[tilespmem:$0x1D000] =	vst v63  }
0xac: {  	_ =	swait.ge [sflag:s16], $0x4000  }
0xad: {  	[sflag:s16] =	ssyncset.done $0x0  }
0xae: {  	[sflag:s16] =	ssyncadd.s32 $0xFFFFC000  }
0xaf: {  	[spmem:s3] =	stream.indirect.scatter.add.f32 [tilespmem:s12], [sflag:$0x3], $0x80, s21, s14, $0xb8;
	[tilespmem:$0x1D000] =	vst v63  }
0xb0: {  	_ =	swait.ge [sflag:s13], $0x4000  }
0xb1: {  	[sflag:s13] =	ssyncset.done $0x0  }
0xb2: {  	[sflag:s13] =	ssyncadd.s32 $0xFFFFC000  }
0xb3: {  	[tilespmem:s12], [sflag:$0x1] =	stream.indirect.gather [hbm4b:s1+s14], $0x80, s22, s14, $0xb8;
	[tilespmem:$0x1D000] =	vst v63  }
0xb4: {  	_ =	swait.ge [sflag:s17], $0x4000  }
0xb5: {  	[sflag:s17] =	ssyncset.done $0x0  }
0xb6: {  	[sflag:s17] =	ssyncadd.s32 $0xFFFFC000  }
0xb7: {  	[spmem:s3] =	stream.indirect.scatter.add.f32 [tilespmem:s15], [sflag:$0x3], $0x80, s23, s14, $0xb8;
	[tilespmem:$0x1D000] =	vst v63  }
0xb8: {  	_ =	swait.ge [sflag:s13], $0x4000  }
0xb9: {  	[sflag:s13] =	ssyncset.done $0x0  }
0xba: {  	[sflag:s13] =	ssyncadd.s32 $0xFFFFC000  }
0xbb: {  	[tilespmem:s15], [sflag:$0x2] =	stream.indirect.gather [hbm4b:s1+s14], $0x80, s24, s14, $0xb8;
	[tilespmem:$0x1D000] =	vst v63  }
0xbc: {  	_ =	swait.ge [sflag:s16], $0x4000  }
0xbd: {  	[sflag:s16] =	ssyncset.done $0x0  }
0xbe: {  	[sflag:s16] =	ssyncadd.s32 $0xFFFFC000  }
0xbf: {  	[spmem:s3] =	stream.indirect.scatter.add.f32 [tilespmem:s12], [sflag:$0x3], $0x80, s6, s14, $0xb8;
	[tilespmem:$0x1D000] =	vst v63  }
0xc0: {  	_ =	swait.ge [sflag:s13], $0x4000  }
0xc1: {  	[sflag:s13] =	ssyncset.done $0x0  }
0xc2: {  	[sflag:s13] =	ssyncadd.s32 $0xFFFFC000  }
0xc3: {  	_ =	swait.ge [sflag:s17], $0x4000  }
0xc4: {  	[sflag:s17] =	ssyncset.done $0x0  }
0xc5: {  	[sflag:s17] =	ssyncadd.s32 $0xFFFFC000  }
0xc6: {  	[spmem:s3] =	stream.indirect.scatter.add.f32 [tilespmem:s15], [sflag:$0x3], $0x80, s7, s14, $0xb8;
	[tilespmem:$0x1D000] =	vst v63  }
0xc7: {  	s9 =	simm.s32 $0x200;
	_ =	swait.ge [sflag:s13], $0x4000  }
.LBB2_2:
0xc8: {  	s10 =	rddreg [dreg:$0x4];
	s8 =	smov.u32 s9;
	[sflag:s13] =	ssyncset.done $0x0  }
0xc9: {  	s8 =	sadd.s32 s8, s10;
	[sflag:s13] =	ssyncadd.s32 $0xFFFFC000  }
0xca: {  	[tilespmem:s4], [sflag:$0x3] =	stream.linear.gather [hbm4b:s8+s4], $0x1000, $0x38;
	[tilespmem:$0x1D000] =	vst v63  }
0xcb: {  	_ =	swait.ge [sflag:s13], $0x1000  }
0xcc: {  	[sflag:s13] =	ssyncset.done $0x0  }
0xcd: {  	[sflag:s13] =	ssyncadd.s32 $0xFFFFF000  }
0xce: {  	[tilespmem:s12], [sflag:$0x1] =	stream.indirect.gather [hbm4b:s1+s14], $0x80, s4, s14, $0xb8;
	[tilespmem:$0x1D000] =	vst v63  }
0xcf: {  	s10 =	rddreg [dreg:$0x5]  }
0xd0: {  	[tilespmem:s15], [sflag:$0x2] =	stream.indirect.gather [hbm4b:s1+s14], $0x80, s10, s14, $0xb8;
	[tilespmem:$0x1D000] =	vst v63  }
0xd1: {  	_ =	swait.ge [sflag:s16], $0x4000  }
0xd2: {  	[sflag:s16] =	ssyncset.done $0x0  }
0xd3: {  	[sflag:s16] =	ssyncadd.s32 $0xFFFFC000  }
0xd4: {  	[spmem:s3] =	stream.indirect.scatter.add.f32 [tilespmem:s12], [sflag:$0x3], $0x80, s14, s14, $0xb8;
	[tilespmem:$0x1D000] =	vst v63  }
0xd5: {  	_ =	swait.ge [sflag:s13], $0x4000  }
0xd6: {  	[sflag:s13] =	ssyncset.done $0x0  }
0xd7: {  	s10 =	rddreg [dreg:$0x6];
	[sflag:s13] =	ssyncadd.s32 $0xFFFFC000  }
0xd8: {  	[tilespmem:s12], [sflag:$0x1] =	stream.indirect.gather [hbm4b:s1+s14], $0x80, s10, s14, $0xb8;
	[tilespmem:$0x1D000] =	vst v63  }
0xd9: {  	_ =	swait.ge [sflag:s17], $0x4000  }
0xda: {  	[sflag:s17] =	ssyncset.done $0x0  }
0xdb: {  	s10 =	rddreg [dreg:$0x7];
	[sflag:s17] =	ssyncadd.s32 $0xFFFFC000  }
0xdc: {  	[spmem:s3] =	stream.indirect.scatter.add.f32 [tilespmem:s15], [sflag:$0x3], $0x80, s10, s14, $0xb8;
	[tilespmem:$0x1D000] =	vst v63  }
0xdd: {  	_ =	swait.ge [sflag:s13], $0x4000  }
0xde: {  	[sflag:s13] =	ssyncset.done $0x0  }
0xdf: {  	s10 =	rddreg [dreg:$0x8];
	[sflag:s13] =	ssyncadd.s32 $0xFFFFC000  }
0xe0: {  	[tilespmem:s15], [sflag:$0x2] =	stream.indirect.gather [hbm4b:s1+s14], $0x80, s10, s14, $0xb8;
	[tilespmem:$0x1D000] =	vst v63  }
0xe1: {  	_ =	swait.ge [sflag:s16], $0x4000  }
0xe2: {  	[sflag:s16] =	ssyncset.done $0x0  }
0xe3: {  	s10 =	rddreg [dreg:$0x9];
	[sflag:s16] =	ssyncadd.s32 $0xFFFFC000  }
0xe4: {  	[spmem:s3] =	stream.indirect.scatter.add.f32 [tilespmem:s12], [sflag:$0x3], $0x80, s10, s14, $0xb8;
	[tilespmem:$0x1D000] =	vst v63  }
0xe5: {  	_ =	swait.ge [sflag:s13], $0x4000  }
0xe6: {  	[sflag:s13] =	ssyncset.done $0x0  }
0xe7: {  	s10 =	rddreg [dreg:$0xa];
	[sflag:s13] =	ssyncadd.s32 $0xFFFFC000  }
0xe8: {  	[tilespmem:s12], [sflag:$0x1] =	stream.indirect.gather [hbm4b:s1+s14], $0x80, s10, s14, $0xb8;
	[tilespmem:$0x1D000] =	vst v63  }
0xe9: {  	_ =	swait.ge [sflag:s17], $0x4000  }
0xea: {  	[sflag:s17] =	ssyncset.done $0x0  }
0xeb: {  	s10 =	rddreg [dreg:$0xb];
	[sflag:s17] =	ssyncadd.s32 $0xFFFFC000  }
0xec: {  	[spmem:s3] =	stream.indirect.scatter.add.f32 [tilespmem:s15], [sflag:$0x3], $0x80, s10, s14, $0xb8;
	[tilespmem:$0x1D000] =	vst v63  }
0xed: {  	_ =	swait.ge [sflag:s13], $0x4000  }
0xee: {  	[sflag:s13] =	ssyncset.done $0x0  }
0xef: {  	s10 =	rddreg [dreg:$0xc];
	[sflag:s13] =	ssyncadd.s32 $0xFFFFC000  }
0xf0: {  	[tilespmem:s15], [sflag:$0x2] =	stream.indirect.gather [hbm4b:s1+s14], $0x80, s10, s14, $0xb8;
	[tilespmem:$0x1D000] =	vst v63  }
0xf1: {  	_ =	swait.ge [sflag:s16], $0x4000  }
0xf2: {  	[sflag:s16] =	ssyncset.done $0x0  }
0xf3: {  	s10 =	rddreg [dreg:$0xd];
	[sflag:s16] =	ssyncadd.s32 $0xFFFFC000  }
0xf4: {  	[spmem:s3] =	stream.indirect.scatter.add.f32 [tilespmem:s12], [sflag:$0x3], $0x80, s10, s14, $0xb8;
	[tilespmem:$0x1D000] =	vst v63  }
0xf5: {  	_ =	swait.ge [sflag:s13], $0x4000  }
0xf6: {  	[sflag:s13] =	ssyncset.done $0x0  }
0xf7: {  	s10 =	rddreg [dreg:$0xe];
	[sflag:s13] =	ssyncadd.s32 $0xFFFFC000  }
0xf8: {  	[tilespmem:s12], [sflag:$0x1] =	stream.indirect.gather [hbm4b:s1+s14], $0x80, s10, s14, $0xb8;
	[tilespmem:$0x1D000] =	vst v63  }
0xf9: {  	_ =	swait.ge [sflag:s17], $0x4000  }
0xfa: {  	[sflag:s17] =	ssyncset.done $0x0  }
0xfb: {  	s10 =	rddreg [dreg:$0xf];
	[sflag:s17] =	ssyncadd.s32 $0xFFFFC000  }
0xfc: {  	[spmem:s3] =	stream.indirect.scatter.add.f32 [tilespmem:s15], [sflag:$0x3], $0x80, s10, s14, $0xb8;
	[tilespmem:$0x1D000] =	vst v63  }
0xfd: {  	_ =	swait.ge [sflag:s13], $0x4000  }
0xfe: {  	[sflag:s13] =	ssyncset.done $0x0  }
0xff: {  	[sflag:s13] =	ssyncadd.s32 $0xFFFFC000  }
0x100: {  	[tilespmem:s15], [sflag:$0x2] =	stream.indirect.gather [hbm4b:s1+s14], $0x80, s18, s14, $0xb8;
	[tilespmem:$0x1D000] =	vst v63  }
0x101: {  	_ =	swait.ge [sflag:s16], $0x4000  }
0x102: {  	[sflag:s16] =	ssyncset.done $0x0  }
0x103: {  	[sflag:s16] =	ssyncadd.s32 $0xFFFFC000  }
0x104: {  	[spmem:s3] =	stream.indirect.scatter.add.f32 [tilespmem:s12], [sflag:$0x3], $0x80, s19, s14, $0xb8;
	[tilespmem:$0x1D000] =	vst v63  }
0x105: {  	_ =	swait.ge [sflag:s13], $0x4000  }
0x106: {  	[sflag:s13] =	ssyncset.done $0x0  }
0x107: {  	[sflag:s13] =	ssyncadd.s32 $0xFFFFC000  }
0x108: {  	[tilespmem:s12], [sflag:$0x1] =	stream.indirect.gather [hbm4b:s1+s14], $0x80, s25, s14, $0xb8;
	[tilespmem:$0x1D000] =	vst v63  }
0x109: {  	_ =	swait.ge [sflag:s17], $0x4000  }
0x10a: {  	[sflag:s17] =	ssyncset.done $0x0  }
0x10b: {  	[sflag:s17] =	ssyncadd.s32 $0xFFFFC000  }
0x10c: {  	[spmem:s3] =	stream.indirect.scatter.add.f32 [tilespmem:s15], [sflag:$0x3], $0x80, s26, s14, $0xb8;
	[tilespmem:$0x1D000] =	vst v63  }
0x10d: {  	_ =	swait.ge [sflag:s13], $0x4000  }
0x10e: {  	[sflag:s13] =	ssyncset.done $0x0  }
0x10f: {  	[sflag:s13] =	ssyncadd.s32 $0xFFFFC000  }
0x110: {  	[tilespmem:s15], [sflag:$0x2] =	stream.indirect.gather [hbm4b:s1+s14], $0x80, s28, s14, $0xb8;
	[tilespmem:$0x1D000] =	vst v63  }
0x111: {  	_ =	swait.ge [sflag:s16], $0x4000  }
0x112: {  	[sflag:s16] =	ssyncset.done $0x0  }
0x113: {  	[sflag:s16] =	ssyncadd.s32 $0xFFFFC000  }
0x114: {  	[spmem:s3] =	stream.indirect.scatter.add.f32 [tilespmem:s12], [sflag:$0x3], $0x80, s29, s14, $0xb8;
	[tilespmem:$0x1D000] =	vst v63  }
0x115: {  	_ =	swait.ge [sflag:s13], $0x4000  }
0x116: {  	[sflag:s13] =	ssyncset.done $0x0  }
0x117: {  	[sflag:s13] =	ssyncadd.s32 $0xFFFFC000  }
0x118: {  	[tilespmem:s12], [sflag:$0x1] =	stream.indirect.gather [hbm4b:s1+s14], $0x80, s30, s14, $0xb8;
	[tilespmem:$0x1D000] =	vst v63  }
0x119: {  	_ =	swait.ge [sflag:s17], $0x4000  }
0x11a: {  	[sflag:s17] =	ssyncset.done $0x0  }
0x11b: {  	[sflag:s17] =	ssyncadd.s32 $0xFFFFC000  }
0x11c: {  	[spmem:s3] =	stream.indirect.scatter.add.f32 [tilespmem:s15], [sflag:$0x3], $0x80, s31, s14, $0xb8;
	[tilespmem:$0x1D000] =	vst v63  }
0x11d: {  	_ =	swait.ge [sflag:s13], $0x4000  }
0x11e: {  	[sflag:s13] =	ssyncset.done $0x0  }
0x11f: {  	[sflag:s13] =	ssyncadd.s32 $0xFFFFC000  }
0x120: {  	[tilespmem:s15], [sflag:$0x2] =	stream.indirect.gather [hbm4b:s1+s14], $0x80, s2, s14, $0xb8;
	[tilespmem:$0x1D000] =	vst v63  }
0x121: {  	_ =	swait.ge [sflag:s16], $0x4000  }
0x122: {  	[sflag:s16] =	ssyncset.done $0x0  }
0x123: {  	[sflag:s16] =	ssyncadd.s32 $0xFFFFC000  }
0x124: {  	[spmem:s3] =	stream.indirect.scatter.add.f32 [tilespmem:s12], [sflag:$0x3], $0x80, s0, s14, $0xb8;
	[tilespmem:$0x1D000] =	vst v63  }
0x125: {  	_ =	swait.ge [sflag:s13], $0x4000  }
0x126: {  	[sflag:s13] =	ssyncset.done $0x0  }
0x127: {  	[sflag:s13] =	ssyncadd.s32 $0xFFFFC000  }
0x128: {  	[tilespmem:s12], [sflag:$0x1] =	stream.indirect.gather [hbm4b:s1+s14], $0x80, s5, s14, $0xb8;
	[tilespmem:$0x1D000] =	vst v63  }
0x129: {  	_ =	swait.ge [sflag:s17], $0x4000  }
0x12a: {  	[sflag:s17] =	ssyncset.done $0x0  }
0x12b: {  	[sflag:s17] =	ssyncadd.s32 $0xFFFFC000  }
0x12c: {  	[spmem:s3] =	stream.indirect.scatter.add.f32 [tilespmem:s15], [sflag:$0x3], $0x80, s11, s14, $0xb8;
	[tilespmem:$0x1D000] =	vst v63  }
0x12d: {  	_ =	swait.ge [sflag:s13], $0x4000  }
0x12e: {  	[sflag:s13] =	ssyncset.done $0x0  }
0x12f: {  	[sflag:s13] =	ssyncadd.s32 $0xFFFFC000  }
0x130: {  	[tilespmem:s15], [sflag:$0x2] =	stream.indirect.gather [hbm4b:s1+s14], $0x80, s20, s14, $0xb8;
	[tilespmem:$0x1D000] =	vst v63  }
0x131: {  	_ =	swait.ge [sflag:s16], $0x4000  }
0x132: {  	[sflag:s16] =	ssyncset.done $0x0  }
0x133: {  	[sflag:s16] =	ssyncadd.s32 $0xFFFFC000  }
0x134: {  	[spmem:s3] =	stream.indirect.scatter.add.f32 [tilespmem:s12], [sflag:$0x3], $0x80, s21, s14, $0xb8;
	[tilespmem:$0x1D000] =	vst v63  }
0x135: {  	_ =	swait.ge [sflag:s13], $0x4000  }
0x136: {  	[sflag:s13] =	ssyncset.done $0x0  }
0x137: {  	[sflag:s13] =	ssyncadd.s32 $0xFFFFC000  }
0x138: {  	[tilespmem:s12], [sflag:$0x1] =	stream.indirect.gather [hbm4b:s1+s14], $0x80, s22, s14, $0xb8;
	[tilespmem:$0x1D000] =	vst v63  }
0x139: {  	_ =	swait.ge [sflag:s17], $0x4000  }
0x13a: {  	[sflag:s17] =	ssyncset.done $0x0  }
0x13b: {  	[sflag:s17] =	ssyncadd.s32 $0xFFFFC000  }
0x13c: {  	[spmem:s3] =	stream.indirect.scatter.add.f32 [tilespmem:s15], [sflag:$0x3], $0x80, s23, s14, $0xb8;
	[tilespmem:$0x1D000] =	vst v63  }
0x13d: {  	_ =	swait.ge [sflag:s13], $0x4000  }
0x13e: {  	[sflag:s13] =	ssyncset.done $0x0  }
0x13f: {  	[sflag:s13] =	ssyncadd.s32 $0xFFFFC000  }
0x140: {  	[tilespmem:s15], [sflag:$0x2] =	stream.indirect.gather [hbm4b:s1+s14], $0x80, s24, s14, $0xb8;
	[tilespmem:$0x1D000] =	vst v63  }
0x141: {  	_ =	swait.ge [sflag:s16], $0x4000  }
0x142: {  	[sflag:s16] =	ssyncset.done $0x0  }
0x143: {  	[sflag:s16] =	ssyncadd.s32 $0xFFFFC000  }
0x144: {  	[spmem:s3] =	stream.indirect.scatter.add.f32 [tilespmem:s12], [sflag:$0x3], $0x80, s6, s14, $0xb8;
	[tilespmem:$0x1D000] =	vst v63  }
0x145: {  	_ =	swait.ge [sflag:s13], $0x4000  }
0x146: {  	[sflag:s13] =	ssyncset.done $0x0  }
0x147: {  	p0 =	sne.s32 s9, $0x800;
	[sflag:s13] =	ssyncadd.s32 $0xFFFFC000  }
.Ltmp0:
0x148: {  	_ =	swait.ge [sflag:s17], $0x4000;
	(pc) =	sbr.rel @p0 .LBB2_2-.Ltmp0, $4  }
0x149: {  	[sflag:s17] =	ssyncset.done $0x0  }
0x14a: {  	[sflag:s17] =	ssyncadd.s32 $0xFFFFC000  }
0x14b: {  	[spmem:s3] =	stream.indirect.scatter.add.f32 [tilespmem:s15], [sflag:$0x3], $0x80, s7, s14, $0xb8;
	[tilespmem:$0x1D000] =	vst v63  }
0x14c: {  	s9 =	sadd.s32 $0x200, s9;
	_ =	swait.ge [sflag:s13], $0x4000  }
0x14d: {  	[sflag:s13] =	ssyncset.done $0x0  }
0x14e: {  	[sflag:s13] =	ssyncadd.s32 $0xFFFFC000  }
0x14f: {  	s8 =	stileid.u32;
	[bflag:$0x0] =	sbarrier.arrive $0xFFFF  }
0x150: {  	s8 =	sshll.u32 s8, $0x6;
	s9 =	rddreg [dreg:$0x11]  }
0x151: {  	s8 =	sor.u32 $0x1C03, s8;
	s10 =	rddreg [dreg:$0x17];
	s9 =	sshrl.u32 s9, $0x3  }
0x152: {  	[hbm:s10], [sflag:s8] =	dma.local [spmem:s9], $0x800  }
0x153: {  	_ =	swait.ge [sflag:s13], $0x800  }
0x154: {  	[sflag:s13] =	ssyncset.done $0x0;
	s10 =	rddreg [dreg:$0x12]  }
0x155: {  	[sflag:s13] =	ssyncadd.s32 $0xFFFFF800;
	s9 =	sshrl.u32 s10, $0x3;
	s10 =	rddreg [dreg:$0x18]  }
0x156: {  	[hbm:s10], [sflag:s8] =	dma.local [spmem:s9], $0x800  }
0x157: {  	_ =	swait.ge [sflag:s13], $0x800  }
0x158: {  	[sflag:s13] =	ssyncset.done $0x0;
	s10 =	rddreg [dreg:$0x13]  }
0x159: {  	[sflag:s13] =	ssyncadd.s32 $0xFFFFF800;
	s9 =	sshrl.u32 s10, $0x3;
	s10 =	rddreg [dreg:$0x19]  }
0x15a: {  	[hbm:s10], [sflag:s8] =	dma.local [spmem:s9], $0x800  }
0x15b: {  	_ =	swait.ge [sflag:s13], $0x800  }
0x15c: {  	[sflag:s13] =	ssyncset.done $0x0;
	s10 =	rddreg [dreg:$0x14]  }
0x15d: {  	[sflag:s13] =	ssyncadd.s32 $0xFFFFF800;
	s9 =	sshrl.u32 s10, $0x3;
	s10 =	rddreg [dreg:$0x1a]  }
0x15e: {  	[hbm:s10], [sflag:s8] =	dma.local [spmem:s9], $0x800  }
0x15f: {  	_ =	swait.ge [sflag:s13], $0x800  }
0x160: {  	[sflag:s13] =	ssyncset.done $0x0;
	s10 =	rddreg [dreg:$0x15]  }
0x161: {  	[sflag:s13] =	ssyncadd.s32 $0xFFFFF800;
	s9 =	sshrl.u32 s10, $0x3;
	s10 =	rddreg [dreg:$0x1b]  }
0x162: {  	[hbm:s10], [sflag:s8] =	dma.local [spmem:s9], $0x800  }
0x163: {  	s10 =	rddreg [dreg:$0x11];
	_ =	swait.ge [sflag:s13], $0x800  }
0x164: {  	s8 =	rddreg [dreg:$0x1c]  }
0x165: {  	s9 =	sadd.s32 $0x1, s8;
	s8 =	rddreg [dreg:$0x16]  }
0x166: {  	p0 =	sne.s32 s9, s8  }
.Ltmp1:
0x167: {  	_ = 	snop;
	(pc) =	sbr.rel @p0 .LBB2_1-.Ltmp1, $3  }
0x168: {  	_ =	sdelay $0x1  }
0x169: {  	[sflag:s13] =	ssyncset.done $0x0  }
0x16a: {  	[sflag:s13] =	ssyncadd.s32 $0xFFFFF800  }
0x16b: {  	_ =	sfence.sel $0x180000  }
0x16c: {  	[bflag:$0x0] =	sbarrier.arrive $0xFFFF  }
0x16d: {  	_ =	strace $0x9000004A  }
0x16e: {  	s0 =	stileid.u32;
	[bflag:$0x2] =	sbarrier.arrive $0xFFFF  }
0x16f: {  	p0 =	sne.s32 s0, $0x0;
	s0 =	rddreg [dreg:$0x3]  }
0x170: {  	s0 =	sadd.s32 @!p0 $0x100000, s0  }
0x171: {  	[sflag:s0] =	ssyncadd.tile.s32 @!p0 $0x1;
	_ =	shalt  }
.Lfunc_end2:
_tile_overlayer_lowered:
.L_overlay_start_2:
0x172: {  	(tag) =	ssettag $0x2  }
0x173: {  	s0 =	rddreg [dreg:$0x0];
	s2 =	stileid.u32  }
0x174: {  	s1 =	rddreg [dreg:$0x1];
	p0 =	sne.s32 s2, $0x0  }
0x175: {  	s3 =	rddreg [dreg:$0x2];
	[bflag:$0x3] =	sbarrier.arrive $0xFFFF;
	s2 =	simm.s32 @!p0 $0x1C03  }
0x176: {  	[timem:s3], [sflag:s2] =	dma.local @!p0 [hbm:s0], s1  }
0x177: {  	s0 =	simm.s32 @!p0 $0x3  }
0x178: {  	_ =	swait.ge @!p0 [sflag:s0], s1  }
0x179: {  	s1 =	ssub.s32 @!p0 $0x0, s1;
	[sflag:s0] =	ssyncset.done @!p0 $0x0  }
0x17a: {  	[sflag:s0] =	ssyncadd.s32 @!p0 s1  }
0x17b: {  	[bflag:$0x3] =	sbarrier.arrive $0xFFFF  }
0x17c: {  	_ =	shalt  }

// kernel: kernel.15.cloned.1.call-start
scs
__scs_entry_jumppad:
0x0: {  	(pc) =	sbr.rel $0x88, $3  }
0x1: {  	(tag) =	ssettag $0x0;
	lr =	simm.s32 $0x1  }
0x2: {  	[smem:$0x3F97] =	sst lr;
	_ =	strace $0xD0000000  }
0x3: {  	_ = 	snop  }
0x4: {  	_ = 	snop  }
0x5: {  	_ = 	snop  }
0x6: {  	_ = 	snop  }
0x7: {  	_ = 	snop  }
__scs_overlays_trampoline_lowered:
0x8: {  	[smem:$0x3FA6] =	sst s0  }
0x9: {  	[smem:$0x3FA7] =	sst s1  }
0xa: {  	[smem:$0x3FA8] =	sst s2  }
0xb: {  	[smem:$0x3FA9] =	sst s3  }
0xc: {  	[smem:$0x3FAA] =	sst s4  }
0xd: {  	[smem:$0x3FAB] =	sst s5  }
0xe: {  	[smem:$0x3FAC] =	sst s6  }
0xf: {  	[smem:$0x3FAD] =	sst s7  }
0x10: {  	[smem:$0x3FAE] =	sst s8  }
0x11: {  	[smem:$0x3FAF] =	sst s9;
	s0 =	simm.s32 @!p0 $0x0  }
0x12: {  	s1 =	sld [smem:$0x3F95];
	s0 =	simm.s32 @p0 $0x1  }
0x13: {  	[smem:$0x3FB0] =	sst s0;
	s0 =	simm.s32 @!p1 $0x0  }
0x14: {  	s2 =	sld [smem:$0x3F94];
	s0 =	simm.s32 @p1 $0x1  }
0x15: {  	[smem:$0x3FB1] =	sst s0;
	s0 =	simm.s32 @!p2 $0x0  }
0x16: {  	s3 =	sld [smem:$0x3FDB];
	s0 =	simm.s32 @p2 $0x1  }
0x17: {  	s4 =	simm.s32 $0x1BF5;
	[smem:$0x3FB3] =	sst s0  }
0x18: {  	s0 =	sld [smem:$0x3F96];
	_ =	swait.ge [sflag:s4], $0x0  }
0x19: {  	s7 =	sld [smem:$0x3F97]  }
0x1a: {  	s8 =	sadd.s32 $0xFFFFE003, lr  }
0x1b: {  	s9 =	sadd.s32 $0xFFFFFEF7, lr;
	s5 =	simm.s32 $0xFFFFFFFF;
	p2 =	slt.u32 s8, $0xFFFFF086  }
0x1c: {  	p1 =	slt.u32 s9, $0xF7A;
	s5 =	simm.s32 @!p2 $0x0  }
0x1d: {  	s5 =	simm.s32 @p1 $0x1;
	p0 =	seq.s32 s7, s2  }
0x1e: {  	s7 =	smul.u32 @!p0 $0xF7A, s2;
	p2 =	seq.s32 @!p0 s5, $0x0  }
0x1f: {  	s9 =	smul.u32 $0xF7A, s1;
	s8 =	simm.s32 @!p0 $0x1BF5;
	p2 =	por !p2, p0  }
0x20: {  	[sflag:s8] =	ssyncset.s32 @!p0 $0xFFFFF086;
	s6 =	sadd.s32 @!p0 s3, s7;
	s7 =	simm.s32 @!p0 $0x108  }
0x21: {  	s3 =	sadd.s32 s3, s9;
	s6 =	sadd.s32 @!p0 $0x88, s6;
	s7 =	simm.s32 @p2 $0x1082  }
0x22: {  	[simem:s7], [sflag:s8] =	dma.local @!p0 [hbm:s6], $0xF7A  }
0x23: {  	s9 =	sor.u32 $0xD0000000, s2;
	s6 =	simm.s32 $0x108;
	_ =	swait.ge @!p0 [sflag:s8], $0x0  }
0x24: {  	s3 =	sadd.s32 $0x88, s3;
	s6 =	simm.s32 @!p1 $0x1082;
	[sflag:s4] =	ssyncset.s32 $0xFFFFF086  }
0x25: {  	[simem:s6], [sflag:s4] =	dma.local [hbm:s3], $0xF7A  }
0x26: {  	[smem:$0x3F97] =	sst s1;
	(tag) =	ssettag s2;
	_ =	strace s9  }
0x27: {  	s1 =	sld [smem:$0x3FA7]  }
0x28: {  	s2 =	sld [smem:$0x3FA8]  }
0x29: {  	s4 =	sld [smem:$0x3FAA]  }
0x2a: {  	p0 =	seq.s32 s5, $0x0;
	s5 =	sld [smem:$0x3FAB]  }
0x2b: {  	s6 =	sld [smem:$0x3FAC]  }
0x2c: {  	s7 =	sld [smem:$0x3FAD]  }
0x2d: {  	s3 =	simm.s32 $0x108;
	s8 =	sld [smem:$0x3FAE]  }
0x2e: {  	s3 =	simm.s32 @!p0 $0x1082;
	s9 =	sld [smem:$0x3FAF]  }
0x2f: {  	lr =	sadd.s32 s0, s3;
	s0 =	sld [smem:$0x3FA6]  }
0x30: {  	s3 =	sld [smem:$0x3FA9]  }
0x31: {  	[smem:$0x3FB2] =	sst s10  }
0x32: {  	s10 =	sld [smem:$0x3FB0];
	_ =	sdelay $0x3  }
0x33: {  	p0 =	seq.s32 s10, $0x1;
	s10 =	sld [smem:$0x3FB2];
	_ =	sdelay $0x3  }
0x34: {  	[smem:$0x3FB2] =	sst s10  }
0x35: {  	s10 =	sld [smem:$0x3FB1];
	_ =	sdelay $0x3  }
0x36: {  	p1 =	seq.s32 s10, $0x1;
	s10 =	sld [smem:$0x3FB2];
	_ =	sdelay $0x3  }
0x37: {  	[smem:$0x3FB2] =	sst s10  }
0x38: {  	s10 =	sld [smem:$0x3FB3]  }
0x39: {  	_ = 	snop;
	(pc) =	sbr.ind lr, $3  }
0x3a: {  	_ = 	snop  }
0x3b: {  	_ = 	snop  }
0x3c: {  	p2 =	seq.s32 s10, $0x1;
	s10 =	sld [smem:$0x3FB2]  }
0x3d: {  	_ =	shalt  }
0x3e: {  	_ =	shalt  }
0x3f: {  	_ =	shalt  }
0x40: {  	_ =	shalt  }
0x41: {  	_ =	shalt  }
0x42: {  	_ =	shalt  }
0x43: {  	_ =	shalt  }
0x44: {  	_ =	shalt  }
0x45: {  	_ =	shalt  }
0x46: {  	_ =	shalt  }
0x47: {  	_ =	shalt  }
0x48: {  	_ =	shalt  }
0x49: {  	_ =	shalt  }
0x4a: {  	_ =	shalt  }
0x4b: {  	_ =	shalt  }
0x4c: {  	_ =	shalt  }
0x4d: {  	_ =	shalt  }
0x4e: {  	_ =	shalt  }
0x4f: {  	_ =	shalt  }
0x50: {  	_ =	shalt  }
0x51: {  	_ =	shalt  }
0x52: {  	_ =	shalt  }
0x53: {  	_ =	shalt  }
0x54: {  	_ =	shalt  }
0x55: {  	_ =	shalt  }
0x56: {  	_ =	shalt  }
0x57: {  	_ =	shalt  }
0x58: {  	_ =	shalt  }
0x59: {  	_ =	shalt  }
0x5a: {  	_ =	shalt  }
0x5b: {  	_ =	shalt  }
0x5c: {  	_ =	shalt  }
0x5d: {  	_ =	shalt  }
0x5e: {  	_ =	shalt  }
0x5f: {  	_ =	shalt  }
0x60: {  	_ =	shalt  }
0x61: {  	_ =	shalt  }
0x62: {  	_ =	shalt  }
0x63: {  	_ =	shalt  }
0x64: {  	_ =	shalt  }
0x65: {  	_ =	shalt  }
0x66: {  	_ =	shalt  }
0x67: {  	_ =	shalt  }
0x68: {  	_ =	shalt  }
0x69: {  	_ =	shalt  }
0x6a: {  	_ =	shalt  }
0x6b: {  	_ =	shalt  }
0x6c: {  	_ =	shalt  }
0x6d: {  	_ =	shalt  }
0x6e: {  	_ =	shalt  }
0x6f: {  	_ =	shalt  }
0x70: {  	_ =	shalt  }
0x71: {  	_ =	shalt  }
0x72: {  	_ =	shalt  }
0x73: {  	_ =	shalt  }
0x74: {  	_ =	shalt  }
0x75: {  	_ =	shalt  }
0x76: {  	_ =	shalt  }
0x77: {  	_ =	shalt  }
0x78: {  	_ =	shalt  }
0x79: {  	_ =	shalt  }
0x7a: {  	_ =	shalt  }
0x7b: {  	_ =	shalt  }
0x7c: {  	_ =	shalt  }
0x7d: {  	_ =	shalt  }
0x7e: {  	_ =	shalt  }
0x7f: {  	_ =	shalt  }
0x80: {  	_ =	shalt  }
0x81: {  	_ =	shalt  }
0x82: {  	_ =	shalt  }
0x83: {  	_ =	shalt  }
0x84: {  	_ =	shalt  }
0x85: {  	_ =	shalt  }
0x86: {  	_ =	shalt  }
0x87: {  	_ =	shalt  }
.Lfunc_end0:
.L_simem_size_0:
called_computation.2_lowered:
.L_overlay_start_0:
0x88: {  	s2 =	sld [smem:$0x3FD9]  }
0x89: {  	s3 =	sld [smem:$0x3FFE];
	_ =	sdelay $0x1  }
0x8a: {  	s1 =	srdreg.scid  }
0x8b: {  	s0 =	sand.u32 $0x1, s1  }
0x8c: {  	s17 =	sshll.u32 s0, $0xA;
	s2 =	sadd.s32 s3, s2  }
0x8d: {  	s2 =	sadd.s32 s2, s17  }
0x8e: {  	[smem:$0x3FBE] =	sst s2  }
0x8f: {  	_ = 	snop  }
0x90: {  	s2 =	sld [smem:$0x3FD0];
	(tm) =	ssettm $0x1  }
0x91: {  	s18 =	sld [smem:$0x3FFB];
	_ =	sdelay $0x3  }
0x92: {  	_ =	strace s18  }
0x93: {  	s3 =	sld [smem:$0x3FFC];
	_ =	sdelay $0x3  }
0x94: {  	_ =	strace s3  }
0x95: {  	s3 =	sld [smem:$0x3FFD];
	_ =	sdelay $0x3  }
0x96: {  	_ =	strace s3  }
0x97: {  	_ =	strace $0x8FFFFFFF  }
0x98: {  	s19 =	sld [smem:$0x3FDB];
	_ =	sdelay $0x1  }
0x99: {  	s4 =	simm.s32 $_scs_section_size  }
0x9a: {  	s5 =	simm.s32 $_size__tile_overlayer_lowered;
	s6 =	simm.s32 $_tile_overlayer_lowered  }
0x9b: {  	s22 =	simm.s32 $0x1BFF;
	s21 =	sshll.u32 s6, $0x1;
	s3 =	sadd.s32 s4, s19  }
0x9c: {  	s7 =	simm.s32 $0x0;
	s20 =	sshll.u32 s5, $0x1;
	s5 =	sadd.s32 s21, s3  }
0x9d: {  	[timem:s7], [sflag:s22] =	dma.local [hbm:s5], s20  }
0x9e: {  	_ =	swait.ge [sflag:s22], s20  }
0x9f: {  	s4 =	ssub.s32 $0x0, s20;
	[sflag:s22] =	ssyncset.done $0x0  }
0xa0: {  	[sflag:s22] =	ssyncadd.s32 s4;
	_ =	sdelay $0x1  }
0xa1: {  	s23 =	simm.s32 $0x1B8B  }
0xa2: {  	_ =	swait.ge [sflag:s23], $0x1  }
0xa3: {  	[sflag:s23] =	ssyncset.done $0x0  }
0xa4: {  	s25 =	simm.s32 $0x1B8E;
	s24 =	sld [smem:$0x3FFE];
	[sflag:s23] =	ssyncadd.s32 $0xFFFFFFFF  }
0xa5: {  	s26 =	simm.s32 $execute0_lowered;
	[smem:$0x3FD2] =	sst s25  }
0xa6: {  	s5 =	sshll.u32 s26, $0x1;
	_ =	strace $0x8000004C;
	[dreg:$0x1] =	wrdreg $0xFFFFFFFF  }
0xa7: {  	s28 =	simm.s32 $_size_execute0_lowered;
	s3 =	sadd.s32 s3, s5;
	[dreg:$0x0] =	wrdreg $0x0  }
0xa8: {  	s5 =	sshll.u32 s28, $0x1;
	[dreg:$0x2] =	wrdreg s3  }
0xa9: {  	[dreg:$0x3] =	wrdreg s5  }
0xaa: {  	[dreg:$0x4] =	wrdreg $0xC0  }
0xab: {  	_ =	task [dreg:s7], $0x5FFFF  }
0xac: {  	[dreg:$0x1] =	wrdreg $0xFFFFFFFF  }
0xad: {  	[dreg:$0x0] =	wrdreg $0x60  }
0xae: {  	[dreg:$0x2] =	wrdreg s2  }
0xaf: {  	[dreg:$0x3] =	wrdreg s24  }
0xb0: {  	[dreg:$0x4] =	wrdreg $0x90000  }
0xb1: {  	[dreg:$0x5] =	wrdreg $0x9  }
0xb2: {  	_ =	task.clear_ibuf [dreg:s7], $0x6FFFF;
	_ =	strace $0x9000004C  }
0xb3: {  	s29 =	simm.s32 $0x9;
	_ =	strace $0x8000004E  }
0xb4: {  	_ =	swait.ge [sflag:s29], $0x1  }
0xb5: {  	[sflag:s29] =	ssyncadd.s32 $0xFFFFFFFF  }
0xb6: {  	_ =	strace $0x9000004E  }
0xb7: {  	_ =	sfence  }
0xb8: {  	s30 =	sld [smem:$0x0];
	_ =	sdelay $0x2  }
0xb9: {  	s31 =	sshll.u32 s1, $0xD;
	s1 =	sshrl.u32 s1, $0x2  }
0xba: {  	s3 =	sand.u32 $0x4000, s31;
	s1 =	sadd.s32 s1, s30  }
0xbb: {  	s0 =	sor.u32 s3, s0;
	s1 =	sshll.u32 s1, $0x11  }
0xbc: {  	s0 =	sor.u32 s1, s0  }
0xbd: {  	s0 =	sadd.s32 $0x8F2B, s0  }
0xbe: {  	[sflag:s0] =	ssyncadd.remote.s32 $0x1  }
0xbf: {  	_ =	sfence.sel $0xFFFF  }
0xc0: {  	[dreg:$0x0] =	wrdreg $0xFFFFFFFF;
	(pc) =	sbr.abs _section_cstart, $3  }
0xc1: {  	[dreg:$0x1] =	wrdreg $0xFFFFFFFF  }
0xc2: {  	_ =	task.clear_ibuf [dreg:s7], $0x2FFFF;
	_ =	strace $0x9FFFFFFF  }
0xc3: {  	(tm) =	ssettm $0x7FFFFFFF  }
tec
execute0_lowered:
.L_overlay_start_1:
0x0: {  	(tag) =	ssettag $0x1  }
0x1: {  	s1 =	rddreg [dreg:$0x0]  }
0x2: {  	s0 =	rddreg [dreg:$0x1]  }
0x3: {  	s12 =	stileid.u32;
	s2 =	srdreg.scid  }
0x4: {  	s3 =	rddreg [dreg:$0x2];
	s4 =	simm.s32 $0x0;
	s5 =	smul.u32 $0x5000, s12  }
0x5: {  	s14 =	simm.s32 $0x180;
	s15 =	simm.s32 $0x300;
	s7 =	smul.u32 $0x280, s12  }
0x6: {  	s16 =	simm.s32 $0x280;
	s17 =	simm.s32 $0x400;
	s8 =	smul.u32 $0x50000, s12  }
0x7: {  	[smem:$0x7FF] =	sst s4;
	s9 =	sadd.s32 $0x67000, s0;
	s26 =	smul.u32 $0x2800, s12  }
0x8: {  	s12 =	simm.s32 $0x100;
	_ =	strace $0x8000004D;
	[dreg:$0x10] =	wrdreg s9  }
0x9: {  	s28 =	simm.s32 $0x900;
	s29 =	simm.s32 $0x880;
	[dreg:$0x5] =	wrdreg s12  }
0xa: {  	s30 =	simm.s32 $0xA00;
	s2 =	sand.u32 $0x1, s2;
	[dreg:$0x7] =	wrdreg s14  }
0xb: {  	s31 =	simm.s32 $0x980;
	p0 =	seq.s32 s2, $0x0;
	[dreg:$0x8] =	wrdreg s15  }
0xc: {  	s18 =	smul.u32 $0x28000, s2;
	s2 =	ssub.s32 $0x2, s2;
	[dreg:$0x9] =	wrdreg s16  }
0xd: {  	s12 =	simm.s32 $0x1000;
	[dreg:$0xa] =	wrdreg s17;
	s14 =	simm.s32 $0x80  }
0xe: {  	s15 =	simm.s32 $0x5000;
	s16 =	simm.s32 $0x1;
	s17 =	simm.s32 $0x2  }
0xf: {  	s6 =	sadd.s32 $0x50000, s5;
	s19 =	sshrl.u32 s2, $0x1;
	s8 =	sshrl.u32 s8, $0x2  }
0x10: {  	s20 =	sadd.s32 $0x80, s7;
	s22 =	sadd.s32 $0x100, s7;
	s23 =	sadd.s32 $0x180, s7  }
0x11: {  	s7 =	sadd.s32 $0x200, s7;
	s6 =	smov.u32 @p0 s5;
	s2 =	ssub.s32 s2, s19  }
0x12: {  	s13 =	sadd.s32 s8, s3;
	s21 =	sshll.u32 s20, $0x7;
	s10 =	sshll.u32 s22, $0x7  }
0x13: {  	s11 =	sshll.u32 s23, $0x7;
	s25 =	sshll.u32 s7, $0x7;
	s9 =	sshll.u32 s20, $0x4  }
0x14: {  	s8 =	sshll.u32 s23, $0x4;
	s7 =	sshll.u32 s7, $0x4;
	s19 =	simm.s32 $0x500  }
0x15: {  	s20 =	simm.s32 $0x480;
	s6 =	sshrl.u32 s6, $0x3;
	[dreg:$0xc] =	wrdreg s19  }
0x16: {  	s5 =	sadd.s32 s21, s3;
	s10 =	sadd.s32 s10, s3;
	[dreg:$0xd] =	wrdreg s20  }
0x17: {  	s24 =	sadd.s32 s11, s3;
	s2 =	smax.u32 s2, $0x1;
	[dreg:$0x12] =	wrdreg s5  }
0x18: {  	s21 =	simm.s32 $0x600;
	s19 =	simm.s32 $0x680;
	[dreg:$0x13] =	wrdreg s10  }
0x19: {  	s11 =	simm.s32 $0xB80;
	s20 =	simm.s32 $0xD00;
	[dreg:$0x14] =	wrdreg s24  }
0x1a: {  	s6 =	sadd.s32 s6, s0;
	s0 =	sadd.s32 s18, s0;
	[dreg:$0x16] =	wrdreg s2  }
0x1b: {  	s10 =	sadd.s32 s25, s3;
	s5 =	sshll.u32 s22, $0x4;
	[dreg:$0xe] =	wrdreg s21  }
0x1c: {  	s18 =	simm.s32 $0x380;
	s22 =	simm.s32 $0x580;
	[dreg:$0x15] =	wrdreg s10  }
0x1d: {  	s2 =	simm.s32 $0xB00;
	s21 =	simm.s32 $0xC80;
	[dreg:$0xb] =	wrdreg s18  }
0x1e: {  	s10 =	smov.u32 s13;
	s6 =	sadd.s32 $0x3000, s6;
	[dreg:$0xf] =	wrdreg s22  }
0x1f: {  	s0 =	sadd.s32 $0x67800, s0;
	s13 =	simm.s32 $0x200;
	[dreg:$0x4] =	wrdreg s6  }
0x20: {  	s18 =	simm.s32 $0x700;
	s22 =	simm.s32 $0xE00;
	[dreg:$0x6] =	wrdreg s13  }
0x21: {  	s13 =	simm.s32 $0x3;
	s23 =	sadd.s32 s26, s0;
	[dreg:$0x11] =	wrdreg s10  }
0x22: {  	s24 =	sadd.s32 s9, s0;
	s25 =	sadd.s32 s5, s0;
	[dreg:$0x17] =	wrdreg s23  }
0x23: {  	s26 =	sadd.s32 s8, s0;
	s0 =	sadd.s32 s7, s0;
	[dreg:$0x18] =	wrdreg s24  }
0x24: {  	s5 =	simm.s32 $0xC00;
	s6 =	simm.s32 $0xE80;
	[dreg:$0x19] =	wrdreg s25  }
0x25: {  	s7 =	simm.s32 $0xF80;
	s9 =	simm.s32 $0x0;
	[dreg:$0x1a] =	wrdreg s26  }
0x26: {  	[dreg:$0x1b] =	wrdreg s0;
	s25 =	simm.s32 $0x800;
	s26 =	simm.s32 $0x780  }
0x27: {  	s0 =	simm.s32 $0xA80;
	s23 =	simm.s32 $0xD80;
	s24 =	simm.s32 $0xF00  }
.LBB2_1:
0x28: {  	[dreg:$0x1c] =	wrdreg s9  }
0x29: {  	s8 =	rddreg [dreg:$0x10]  }
0x2a: {  	[tilespmem:s12], [sflag:$0x3] =	stream.linear.gather [hbm4b:s8+s4], $0x4000, $0x38;
	[tilespmem:$0x1D000] =	vst v63  }
0x2b: {  	_ =	swait.ge [sflag:s13], $0x4000  }
0x2c: {  	[sflag:s13] =	ssyncset.done $0x0  }
0x2d: {  	[sflag:s13] =	ssyncadd.s32 $0xFFFFC000  }
0x2e: {  	[spmem:s10] =	stream.linear.scatter [tilespmem:s12], [sflag:$0x3], $0x4000, $0x38;
	[tilespmem:$0x1D000] =	vst v63  }
0x2f: {  	_ =	swait.ge [sflag:s13], $0x4000  }
0x30: {  	[sflag:s13] =	ssyncset.done $0x0  }
0x31: {  	s9 =	rddreg [dreg:$0x12];
	[sflag:s13] =	ssyncadd.s32 $0xFFFFC000  }
0x32: {  	[spmem:s9] =	stream.linear.scatter [tilespmem:s12], [sflag:$0x3], $0x4000, $0x38;
	[tilespmem:$0x1D000] =	vst v63  }
0x33: {  	_ =	swait.ge [sflag:s13], $0x4000  }
0x34: {  	[sflag:s13] =	ssyncset.done $0x0  }
0x35: {  	s10 =	rddreg [dreg:$0x13];
	[sflag:s13] =	ssyncadd.s32 $0xFFFFC000  }
0x36: {  	[spmem:s10] =	stream.linear.scatter [tilespmem:s12], [sflag:$0x3], $0x4000, $0x38;
	[tilespmem:$0x1D000] =	vst v63  }
0x37: {  	_ =	swait.ge [sflag:s13], $0x4000  }
0x38: {  	[sflag:s13] =	ssyncset.done $0x0  }
0x39: {  	s9 =	rddreg [dreg:$0x14];
	[sflag:s13] =	ssyncadd.s32 $0xFFFFC000  }
0x3a: {  	[spmem:s9] =	stream.linear.scatter [tilespmem:s12], [sflag:$0x3], $0x4000, $0x38;
	[tilespmem:$0x1D000] =	vst v63  }
0x3b: {  	_ =	swait.ge [sflag:s13], $0x4000  }
0x3c: {  	[sflag:s13] =	ssyncset.done $0x0  }
0x3d: {  	s10 =	rddreg [dreg:$0x15];
	[sflag:s13] =	ssyncadd.s32 $0xFFFFC000  }
0x3e: {  	[spmem:s10] =	stream.linear.scatter [tilespmem:s12], [sflag:$0x3], $0x4000, $0x38;
	[tilespmem:$0x1D000] =	vst v63  }
0x3f: {  	_ =	swait.ge [sflag:s13], $0x4000  }
0x40: {  	[sflag:s13] =	ssyncset.done $0x0  }
0x41: {  	[sflag:s13] =	ssyncadd.s32 $0xFFFFC000  }
0x42: {  	[bflag:$0x0] =	sbarrier.arrive $0xFFFF  }
0x43: {  	s8 =	rddreg [dreg:$0x4]  }
0x44: {  	s9 =	sadd.s32 $0x0, s8  }
0x45: {  	[tilespmem:s4], [sflag:$0x3] =	stream.linear.gather [hbm4b:s9+s4], $0x1000, $0x38;
	[tilespmem:$0x1D000] =	vst v63  }
0x46: {  	_ =	swait.ge [sflag:s13], $0x1000  }
0x47: {  	[sflag:s13] =	ssyncset.done $0x0  }
0x48: {  	[sflag:s13] =	ssyncadd.s32 $0xFFFFF000  }
0x49: {  	[tilespmem:s12], [sflag:$0x1] =	stream.indirect.gather [hbm4b:s1+s14], $0x80, s4, s14, $0xb8;
	[tilespmem:$0x1D000] =	vst v63  }
0x4a: {  	s10 =	rddreg [dreg:$0x5]  }
0x4b: {  	[tilespmem:s15], [sflag:$0x2] =	stream.indirect.gather [hbm4b:s1+s14], $0x80, s10, s14, $0xb8;
	[tilespmem:$0x1D000] =	vst v63  }
0x4c: {  	_ =	swait.ge [sflag:s16], $0x4000  }
0x4d: {  	[sflag:s16] =	ssyncset.done $0x0  }
0x4e: {  	[sflag:s16] =	ssyncadd.s32 $0xFFFFC000  }
0x4f: {  	[spmem:s3] =	stream.indirect.scatter.add.f32 [tilespmem:s12], [sflag:$0x3], $0x80, s14, s14, $0xb8;
	[tilespmem:$0x1D000] =	vst v63  }
0x50: {  	_ =	swait.ge [sflag:s13], $0x4000  }
0x51: {  	[sflag:s13] =	ssyncset.done $0x0  }
0x52: {  	s8 =	rddreg [dreg:$0x6];
	[sflag:s13] =	ssyncadd.s32 $0xFFFFC000  }
0x53: {  	[tilespmem:s12], [sflag:$0x1] =	stream.indirect.gather [hbm4b:s1+s14], $0x80, s8, s14, $0xb8;
	[tilespmem:$0x1D000] =	vst v63  }
0x54: {  	_ =	swait.ge [sflag:s17], $0x4000  }
0x55: {  	[sflag:s17] =	ssyncset.done $0x0  }
0x56: {  	s10 =	rddreg [dreg:$0x7];
	[sflag:s17] =	ssyncadd.s32 $0xFFFFC000  }
0x57: {  	[spmem:s3] =	stream.indirect.scatter.add.f32 [tilespmem:s15], [sflag:$0x3], $0x80, s10, s14, $0xb8;
	[tilespmem:$0x1D000] =	vst v63  }
0x58: {  	_ =	swait.ge [sflag:s13], $0x4000  }
0x59: {  	[sflag:s13] =	ssyncset.done $0x0  }
0x5a: {  	s8 =	rddreg [dreg:$0x8];
	[sflag:s13] =	ssyncadd.s32 $0xFFFFC000  }
0x5b: {  	[tilespmem:s15], [sflag:$0x2] =	stream.indirect.gather [hbm4b:s1+s14], $0x80, s8, s14, $0xb8;
	[tilespmem:$0x1D000] =	vst v63  }
0x5c: {  	_ =	swait.ge [sflag:s16], $0x4000  }
0x5d: {  	[sflag:s16] =	ssyncset.done $0x0  }
0x5e: {  	s10 =	rddreg [dreg:$0x9];
	[sflag:s16] =	ssyncadd.s32 $0xFFFFC000  }
0x5f: {  	[spmem:s3] =	stream.indirect.scatter.add.f32 [tilespmem:s12], [sflag:$0x3], $0x80, s10, s14, $0xb8;
	[tilespmem:$0x1D000] =	vst v63  }
0x60: {  	_ =	swait.ge [sflag:s13], $0x4000  }
0x61: {  	[sflag:s13] =	ssyncset.done $0x0  }
0x62: {  	s8 =	rddreg [dreg:$0xa];
	[sflag:s13] =	ssyncadd.s32 $0xFFFFC000  }
0x63: {  	[tilespmem:s12], [sflag:$0x1] =	stream.indirect.gather [hbm4b:s1+s14], $0x80, s8, s14, $0xb8;
	[tilespmem:$0x1D000] =	vst v63  }
0x64: {  	_ =	swait.ge [sflag:s17], $0x4000  }
0x65: {  	[sflag:s17] =	ssyncset.done $0x0  }
0x66: {  	s10 =	rddreg [dreg:$0xb];
	[sflag:s17] =	ssyncadd.s32 $0xFFFFC000  }
0x67: {  	[spmem:s3] =	stream.indirect.scatter.add.f32 [tilespmem:s15], [sflag:$0x3], $0x80, s10, s14, $0xb8;
	[tilespmem:$0x1D000] =	vst v63  }
0x68: {  	_ =	swait.ge [sflag:s13], $0x4000  }
0x69: {  	[sflag:s13] =	ssyncset.done $0x0  }
0x6a: {  	s8 =	rddreg [dreg:$0xc];
	[sflag:s13] =	ssyncadd.s32 $0xFFFFC000  }
0x6b: {  	[tilespmem:s15], [sflag:$0x2] =	stream.indirect.gather [hbm4b:s1+s14], $0x80, s8, s14, $0xb8;
	[tilespmem:$0x1D000] =	vst v63  }
0x6c: {  	_ =	swait.ge [sflag:s16], $0x4000  }
0x6d: {  	[sflag:s16] =	ssyncset.done $0x0  }
0x6e: {  	s10 =	rddreg [dreg:$0xd];
	[sflag:s16] =	ssyncadd.s32 $0xFFFFC000  }
0x6f: {  	[spmem:s3] =	stream.indirect.scatter.add.f32 [tilespmem:s12], [sflag:$0x3], $0x80, s10, s14, $0xb8;
	[tilespmem:$0x1D000] =	vst v63  }
0x70: {  	_ =	swait.ge [sflag:s13], $0x4000  }
0x71: {  	[sflag:s13] =	ssyncset.done $0x0  }
0x72: {  	s8 =	rddreg [dreg:$0xe];
	[sflag:s13] =	ssyncadd.s32 $0xFFFFC000  }
0x73: {  	[tilespmem:s12], [sflag:$0x1] =	stream.indirect.gather [hbm4b:s1+s14], $0x80, s8, s14, $0xb8;
	[tilespmem:$0x1D000] =	vst v63  }
0x74: {  	_ =	swait.ge [sflag:s17], $0x4000  }
0x75: {  	[sflag:s17] =	ssyncset.done $0x0  }
0x76: {  	s10 =	rddreg [dreg:$0xf];
	[sflag:s17] =	ssyncadd.s32 $0xFFFFC000  }
0x77: {  	[spmem:s3] =	stream.indirect.scatter.add.f32 [tilespmem:s15], [sflag:$0x3], $0x80, s10, s14, $0xb8;
	[tilespmem:$0x1D000] =	vst v63  }
0x78: {  	_ =	swait.ge [sflag:s13], $0x4000  }
0x79: {  	[sflag:s13] =	ssyncset.done $0x0  }
0x7a: {  	[sflag:s13] =	ssyncadd.s32 $0xFFFFC000  }
0x7b: {  	[tilespmem:s15], [sflag:$0x2] =	stream.indirect.gather [hbm4b:s1+s14], $0x80, s18, s14, $0xb8;
	[tilespmem:$0x1D000] =	vst v63  }
0x7c: {  	_ =	swait.ge [sflag:s16], $0x4000  }
0x7d: {  	[sflag:s16] =	ssyncset.done $0x0  }
0x7e: {  	[sflag:s16] =	ssyncadd.s32 $0xFFFFC000  }
0x7f: {  	[spmem:s3] =	stream.indirect.scatter.add.f32 [tilespmem:s12], [sflag:$0x3], $0x80, s19, s14, $0xb8;
	[tilespmem:$0x1D000] =	vst v63  }
0x80: {  	_ =	swait.ge [sflag:s13], $0x4000  }
0x81: {  	[sflag:s13] =	ssyncset.done $0x0  }
0x82: {  	[sflag:s13] =	ssyncadd.s32 $0xFFFFC000  }
0x83: {  	[tilespmem:s12], [sflag:$0x1] =	stream.indirect.gather [hbm4b:s1+s14], $0x80, s25, s14, $0xb8;
	[tilespmem:$0x1D000] =	vst v63  }
0x84: {  	_ =	swait.ge [sflag:s17], $0x4000  }
0x85: {  	[sflag:s17] =	ssyncset.done $0x0  }
0x86: {  	[sflag:s17] =	ssyncadd.s32 $0xFFFFC000  }
0x87: {  	[spmem:s3] =	stream.indirect.scatter.add.f32 [tilespmem:s15], [sflag:$0x3], $0x80, s26, s14, $0xb8;
	[tilespmem:$0x1D000] =	vst v63  }
0x88: {  	_ =	swait.ge [sflag:s13], $0x4000  }
0x89: {  	[sflag:s13] =	ssyncset.done $0x0  }
0x8a: {  	[sflag:s13] =	ssyncadd.s32 $0xFFFFC000  }
0x8b: {  	[tilespmem:s15], [sflag:$0x2] =	stream.indirect.gather [hbm4b:s1+s14], $0x80, s28, s14, $0xb8;
	[tilespmem:$0x1D000] =	vst v63  }
0x8c: {  	_ =	swait.ge [sflag:s16], $0x4000  }
0x8d: {  	[sflag:s16] =	ssyncset.done $0x0  }
0x8e: {  	[sflag:s16] =	ssyncadd.s32 $0xFFFFC000  }
0x8f: {  	[spmem:s3] =	stream.indirect.scatter.add.f32 [tilespmem:s12], [sflag:$0x3], $0x80, s29, s14, $0xb8;
	[tilespmem:$0x1D000] =	vst v63  }
0x90: {  	_ =	swait.ge [sflag:s13], $0x4000  }
0x91: {  	[sflag:s13] =	ssyncset.done $0x0  }
0x92: {  	[sflag:s13] =	ssyncadd.s32 $0xFFFFC000  }
0x93: {  	[tilespmem:s12], [sflag:$0x1] =	stream.indirect.gather [hbm4b:s1+s14], $0x80, s30, s14, $0xb8;
	[tilespmem:$0x1D000] =	vst v63  }
0x94: {  	_ =	swait.ge [sflag:s17], $0x4000  }
0x95: {  	[sflag:s17] =	ssyncset.done $0x0  }
0x96: {  	[sflag:s17] =	ssyncadd.s32 $0xFFFFC000  }
0x97: {  	[spmem:s3] =	stream.indirect.scatter.add.f32 [tilespmem:s15], [sflag:$0x3], $0x80, s31, s14, $0xb8;
	[tilespmem:$0x1D000] =	vst v63  }
0x98: {  	_ =	swait.ge [sflag:s13], $0x4000  }
0x99: {  	[sflag:s13] =	ssyncset.done $0x0  }
0x9a: {  	[sflag:s13] =	ssyncadd.s32 $0xFFFFC000  }
0x9b: {  	[tilespmem:s15], [sflag:$0x2] =	stream.indirect.gather [hbm4b:s1+s14], $0x80, s2, s14, $0xb8;
	[tilespmem:$0x1D000] =	vst v63  }
0x9c: {  	_ =	swait.ge [sflag:s16], $0x4000  }
0x9d: {  	[sflag:s16] =	ssyncset.done $0x0  }
0x9e: {  	[sflag:s16] =	ssyncadd.s32 $0xFFFFC000  }
0x9f: {  	[spmem:s3] =	stream.indirect.scatter.add.f32 [tilespmem:s12], [sflag:$0x3], $0x80, s0, s14, $0xb8;
	[tilespmem:$0x1D000] =	vst v63  }
0xa0: {  	_ =	swait.ge [sflag:s13], $0x4000  }
0xa1: {  	[sflag:s13] =	ssyncset.done $0x0  }
0xa2: {  	[sflag:s13] =	ssyncadd.s32 $0xFFFFC000  }
0xa3: {  	[tilespmem:s12], [sflag:$0x1] =	stream.indirect.gather [hbm4b:s1+s14], $0x80, s5, s14, $0xb8;
	[tilespmem:$0x1D000] =	vst v63  }
0xa4: {  	_ =	swait.ge [sflag:s17], $0x4000  }
0xa5: {  	[sflag:s17] =	ssyncset.done $0x0  }
0xa6: {  	[sflag:s17] =	ssyncadd.s32 $0xFFFFC000  }
0xa7: {  	[spmem:s3] =	stream.indirect.scatter.add.f32 [tilespmem:s15], [sflag:$0x3], $0x80, s11, s14, $0xb8;
	[tilespmem:$0x1D000] =	vst v63  }
0xa8: {  	_ =	swait.ge [sflag:s13], $0x4000  }
0xa9: {  	[sflag:s13] =	ssyncset.done $0x0  }
0xaa: {  	[sflag:s13] =	ssyncadd.s32 $0xFFFFC000  }
0xab: {  	[tilespmem:s15], [sflag:$0x2] =	stream.indirect.gather [hbm4b:s1+s14], $0x80, s20, s14, $0xb8;
	[tilespmem:$0x1D000] =	vst v63  }
0xac: {  	_ =	swait.ge [sflag:s16], $0x4000  }
0xad: {  	[sflag:s16] =	ssyncset.done $0x0  }
0xae: {  	[sflag:s16] =	ssyncadd.s32 $0xFFFFC000  }
0xaf: {  	[spmem:s3] =	stream.indirect.scatter.add.f32 [tilespmem:s12], [sflag:$0x3], $0x80, s21, s14, $0xb8;
	[tilespmem:$0x1D000] =	vst v63  }
0xb0: {  	_ =	swait.ge [sflag:s13], $0x4000  }
0xb1: {  	[sflag:s13] =	ssyncset.done $0x0  }
0xb2: {  	[sflag:s13] =	ssyncadd.s32 $0xFFFFC000  }
0xb3: {  	[tilespmem:s12], [sflag:$0x1] =	stream.indirect.gather [hbm4b:s1+s14], $0x80, s22, s14, $0xb8;
	[tilespmem:$0x1D000] =	vst v63  }
0xb4: {  	_ =	swait.ge [sflag:s17], $0x4000  }
0xb5: {  	[sflag:s17] =	ssyncset.done $0x0  }
0xb6: {  	[sflag:s17] =	ssyncadd.s32 $0xFFFFC000  }
0xb7: {  	[spmem:s3] =	stream.indirect.scatter.add.f32 [tilespmem:s15], [sflag:$0x3], $0x80, s23, s14, $0xb8;
	[tilespmem:$0x1D000] =	vst v63  }
0xb8: {  	_ =	swait.ge [sflag:s13], $0x4000  }
0xb9: {  	[sflag:s13] =	ssyncset.done $0x0  }
0xba: {  	[sflag:s13] =	ssyncadd.s32 $0xFFFFC000  }
0xbb: {  	[tilespmem:s15], [sflag:$0x2] =	stream.indirect.gather [hbm4b:s1+s14], $0x80, s24, s14, $0xb8;
	[tilespmem:$0x1D000] =	vst v63  }
0xbc: {  	_ =	swait.ge [sflag:s16], $0x4000  }
0xbd: {  	[sflag:s16] =	ssyncset.done $0x0  }
0xbe: {  	[sflag:s16] =	ssyncadd.s32 $0xFFFFC000  }
0xbf: {  	[spmem:s3] =	stream.indirect.scatter.add.f32 [tilespmem:s12], [sflag:$0x3], $0x80, s6, s14, $0xb8;
	[tilespmem:$0x1D000] =	vst v63  }
0xc0: {  	_ =	swait.ge [sflag:s13], $0x4000  }
0xc1: {  	[sflag:s13] =	ssyncset.done $0x0  }
0xc2: {  	[sflag:s13] =	ssyncadd.s32 $0xFFFFC000  }
0xc3: {  	_ =	swait.ge [sflag:s17], $0x4000  }
0xc4: {  	[sflag:s17] =	ssyncset.done $0x0  }
0xc5: {  	[sflag:s17] =	ssyncadd.s32 $0xFFFFC000  }
0xc6: {  	[spmem:s3] =	stream.indirect.scatter.add.f32 [tilespmem:s15], [sflag:$0x3], $0x80, s7, s14, $0xb8;
	[tilespmem:$0x1D000] =	vst v63  }
0xc7: {  	s9 =	simm.s32 $0x200;
	_ =	swait.ge [sflag:s13], $0x4000  }
.LBB2_2:
0xc8: {  	s10 =	rddreg [dreg:$0x4];
	s8 =	smov.u32 s9;
	[sflag:s13] =	ssyncset.done $0x0  }
0xc9: {  	s8 =	sadd.s32 s8, s10;
	[sflag:s13] =	ssyncadd.s32 $0xFFFFC000  }
0xca: {  	[tilespmem:s4], [sflag:$0x3] =	stream.linear.gather [hbm4b:s8+s4], $0x1000, $0x38;
	[tilespmem:$0x1D000] =	vst v63  }
0xcb: {  	_ =	swait.ge [sflag:s13], $0x1000  }
0xcc: {  	[sflag:s13] =	ssyncset.done $0x0  }
0xcd: {  	[sflag:s13] =	ssyncadd.s32 $0xFFFFF000  }
0xce: {  	[tilespmem:s12], [sflag:$0x1] =	stream.indirect.gather [hbm4b:s1+s14], $0x80, s4, s14, $0xb8;
	[tilespmem:$0x1D000] =	vst v63  }
0xcf: {  	s10 =	rddreg [dreg:$0x5]  }
0xd0: {  	[tilespmem:s15], [sflag:$0x2] =	stream.indirect.gather [hbm4b:s1+s14], $0x80, s10, s14, $0xb8;
	[tilespmem:$0x1D000] =	vst v63  }
0xd1: {  	_ =	swait.ge [sflag:s16], $0x4000  }
0xd2: {  	[sflag:s16] =	ssyncset.done $0x0  }
0xd3: {  	[sflag:s16] =	ssyncadd.s32 $0xFFFFC000  }
0xd4: {  	[spmem:s3] =	stream.indirect.scatter.add.f32 [tilespmem:s12], [sflag:$0x3], $0x80, s14, s14, $0xb8;
	[tilespmem:$0x1D000] =	vst v63  }
0xd5: {  	_ =	swait.ge [sflag:s13], $0x4000  }
0xd6: {  	[sflag:s13] =	ssyncset.done $0x0  }
0xd7: {  	s10 =	rddreg [dreg:$0x6];
	[sflag:s13] =	ssyncadd.s32 $0xFFFFC000  }
0xd8: {  	[tilespmem:s12], [sflag:$0x1] =	stream.indirect.gather [hbm4b:s1+s14], $0x80, s10, s14, $0xb8;
	[tilespmem:$0x1D000] =	vst v63  }
0xd9: {  	_ =	swait.ge [sflag:s17], $0x4000  }
0xda: {  	[sflag:s17] =	ssyncset.done $0x0  }
0xdb: {  	s10 =	rddreg [dreg:$0x7];
	[sflag:s17] =	ssyncadd.s32 $0xFFFFC000  }
0xdc: {  	[spmem:s3] =	stream.indirect.scatter.add.f32 [tilespmem:s15], [sflag:$0x3], $0x80, s10, s14, $0xb8;
	[tilespmem:$0x1D000] =	vst v63  }
0xdd: {  	_ =	swait.ge [sflag:s13], $0x4000  }
0xde: {  	[sflag:s13] =	ssyncset.done $0x0  }
0xdf: {  	s10 =	rddreg [dreg:$0x8];
	[sflag:s13] =	ssyncadd.s32 $0xFFFFC000  }
0xe0: {  	[tilespmem:s15], [sflag:$0x2] =	stream.indirect.gather [hbm4b:s1+s14], $0x80, s10, s14, $0xb8;
	[tilespmem:$0x1D000] =	vst v63  }
0xe1: {  	_ =	swait.ge [sflag:s16], $0x4000  }
0xe2: {  	[sflag:s16] =	ssyncset.done $0x0  }
0xe3: {  	s10 =	rddreg [dreg:$0x9];
	[sflag:s16] =	ssyncadd.s32 $0xFFFFC000  }
0xe4: {  	[spmem:s3] =	stream.indirect.scatter.add.f32 [tilespmem:s12], [sflag:$0x3], $0x80, s10, s14, $0xb8;
	[tilespmem:$0x1D000] =	vst v63  }
0xe5: {  	_ =	swait.ge [sflag:s13], $0x4000  }
0xe6: {  	[sflag:s13] =	ssyncset.done $0x0  }
0xe7: {  	s10 =	rddreg [dreg:$0xa];
	[sflag:s13] =	ssyncadd.s32 $0xFFFFC000  }
0xe8: {  	[tilespmem:s12], [sflag:$0x1] =	stream.indirect.gather [hbm4b:s1+s14], $0x80, s10, s14, $0xb8;
	[tilespmem:$0x1D000] =	vst v63  }
0xe9: {  	_ =	swait.ge [sflag:s17], $0x4000  }
0xea: {  	[sflag:s17] =	ssyncset.done $0x0  }
0xeb: {  	s10 =	rddreg [dreg:$0xb];
	[sflag:s17] =	ssyncadd.s32 $0xFFFFC000  }
0xec: {  	[spmem:s3] =	stream.indirect.scatter.add.f32 [tilespmem:s15], [sflag:$0x3], $0x80, s10, s14, $0xb8;
	[tilespmem:$0x1D000] =	vst v63  }
0xed: {  	_ =	swait.ge [sflag:s13], $0x4000  }
0xee: {  	[sflag:s13] =	ssyncset.done $0x0  }
0xef: {  	s10 =	rddreg [dreg:$0xc];
	[sflag:s13] =	ssyncadd.s32 $0xFFFFC000  }
0xf0: {  	[tilespmem:s15], [sflag:$0x2] =	stream.indirect.gather [hbm4b:s1+s14], $0x80, s10, s14, $0xb8;
	[tilespmem:$0x1D000] =	vst v63  }
0xf1: {  	_ =	swait.ge [sflag:s16], $0x4000  }
0xf2: {  	[sflag:s16] =	ssyncset.done $0x0  }
0xf3: {  	s10 =	rddreg [dreg:$0xd];
	[sflag:s16] =	ssyncadd.s32 $0xFFFFC000  }
0xf4: {  	[spmem:s3] =	stream.indirect.scatter.add.f32 [tilespmem:s12], [sflag:$0x3], $0x80, s10, s14, $0xb8;
	[tilespmem:$0x1D000] =	vst v63  }
0xf5: {  	_ =	swait.ge [sflag:s13], $0x4000  }
0xf6: {  	[sflag:s13] =	ssyncset.done $0x0  }
0xf7: {  	s10 =	rddreg [dreg:$0xe];
	[sflag:s13] =	ssyncadd.s32 $0xFFFFC000  }
0xf8: {  	[tilespmem:s12], [sflag:$0x1] =	stream.indirect.gather [hbm4b:s1+s14], $0x80, s10, s14, $0xb8;
	[tilespmem:$0x1D000] =	vst v63  }
0xf9: {  	_ =	swait.ge [sflag:s17], $0x4000  }
0xfa: {  	[sflag:s17] =	ssyncset.done $0x0  }
0xfb: {  	s10 =	rddreg [dreg:$0xf];
	[sflag:s17] =	ssyncadd.s32 $0xFFFFC000  }
0xfc: {  	[spmem:s3] =	stream.indirect.scatter.add.f32 [tilespmem:s15], [sflag:$0x3], $0x80, s10, s14, $0xb8;
	[tilespmem:$0x1D000] =	vst v63  }
0xfd: {  	_ =	swait.ge [sflag:s13], $0x4000  }
0xfe: {  	[sflag:s13] =	ssyncset.done $0x0  }
0xff: {  	[sflag:s13] =	ssyncadd.s32 $0xFFFFC000  }
0x100: {  	[tilespmem:s15], [sflag:$0x2] =	stream.indirect.gather [hbm4b:s1+s14], $0x80, s18, s14, $0xb8;
	[tilespmem:$0x1D000] =	vst v63  }
0x101: {  	_ =	swait.ge [sflag:s16], $0x4000  }
0x102: {  	[sflag:s16] =	ssyncset.done $0x0  }
0x103: {  	[sflag:s16] =	ssyncadd.s32 $0xFFFFC000  }
0x104: {  	[spmem:s3] =	stream.indirect.scatter.add.f32 [tilespmem:s12], [sflag:$0x3], $0x80, s19, s14, $0xb8;
	[tilespmem:$0x1D000] =	vst v63  }
0x105: {  	_ =	swait.ge [sflag:s13], $0x4000  }
0x106: {  	[sflag:s13] =	ssyncset.done $0x0  }
0x107: {  	[sflag:s13] =	ssyncadd.s32 $0xFFFFC000  }
0x108: {  	[tilespmem:s12], [sflag:$0x1] =	stream.indirect.gather [hbm4b:s1+s14], $0x80, s25, s14, $0xb8;
	[tilespmem:$0x1D000] =	vst v63  }
0x109: {  	_ =	swait.ge [sflag:s17], $0x4000  }
0x10a: {  	[sflag:s17] =	ssyncset.done $0x0  }
0x10b: {  	[sflag:s17] =	ssyncadd.s32 $0xFFFFC000  }
0x10c: {  	[spmem:s3] =	stream.indirect.scatter.add.f32 [tilespmem:s15], [sflag:$0x3], $0x80, s26, s14, $0xb8;
	[tilespmem:$0x1D000] =	vst v63  }
0x10d: {  	_ =	swait.ge [sflag:s13], $0x4000  }
0x10e: {  	[sflag:s13] =	ssyncset.done $0x0  }
0x10f: {  	[sflag:s13] =	ssyncadd.s32 $0xFFFFC000  }
0x110: {  	[tilespmem:s15], [sflag:$0x2] =	stream.indirect.gather [hbm4b:s1+s14], $0x80, s28, s14, $0xb8;
	[tilespmem:$0x1D000] =	vst v63  }
0x111: {  	_ =	swait.ge [sflag:s16], $0x4000  }
0x112: {  	[sflag:s16] =	ssyncset.done $0x0  }
0x113: {  	[sflag:s16] =	ssyncadd.s32 $0xFFFFC000  }
0x114: {  	[spmem:s3] =	stream.indirect.scatter.add.f32 [tilespmem:s12], [sflag:$0x3], $0x80, s29, s14, $0xb8;
	[tilespmem:$0x1D000] =	vst v63  }
0x115: {  	_ =	swait.ge [sflag:s13], $0x4000  }
0x116: {  	[sflag:s13] =	ssyncset.done $0x0  }
0x117: {  	[sflag:s13] =	ssyncadd.s32 $0xFFFFC000  }
0x118: {  	[tilespmem:s12], [sflag:$0x1] =	stream.indirect.gather [hbm4b:s1+s14], $0x80, s30, s14, $0xb8;
	[tilespmem:$0x1D000] =	vst v63  }
0x119: {  	_ =	swait.ge [sflag:s17], $0x4000  }
0x11a: {  	[sflag:s17] =	ssyncset.done $0x0  }
0x11b: {  	[sflag:s17] =	ssyncadd.s32 $0xFFFFC000  }
0x11c: {  	[spmem:s3] =	stream.indirect.scatter.add.f32 [tilespmem:s15], [sflag:$0x3], $0x80, s31, s14, $0xb8;
	[tilespmem:$0x1D000] =	vst v63  }
0x11d: {  	_ =	swait.ge [sflag:s13], $0x4000  }
0x11e: {  	[sflag:s13] =	ssyncset.done $0x0  }
0x11f: {  	[sflag:s13] =	ssyncadd.s32 $0xFFFFC000  }
0x120: {  	[tilespmem:s15], [sflag:$0x2] =	stream.indirect.gather [hbm4b:s1+s14], $0x80, s2, s14, $0xb8;
	[tilespmem:$0x1D000] =	vst v63  }
0x121: {  	_ =	swait.ge [sflag:s16], $0x4000  }
0x122: {  	[sflag:s16] =	ssyncset.done $0x0  }
0x123: {  	[sflag:s16] =	ssyncadd.s32 $0xFFFFC000  }
0x124: {  	[spmem:s3] =	stream.indirect.scatter.add.f32 [tilespmem:s12], [sflag:$0x3], $0x80, s0, s14, $0xb8;
	[tilespmem:$0x1D000] =	vst v63  }
0x125: {  	_ =	swait.ge [sflag:s13], $0x4000  }
0x126: {  	[sflag:s13] =	ssyncset.done $0x0  }
0x127: {  	[sflag:s13] =	ssyncadd.s32 $0xFFFFC000  }
0x128: {  	[tilespmem:s12], [sflag:$0x1] =	stream.indirect.gather [hbm4b:s1+s14], $0x80, s5, s14, $0xb8;
	[tilespmem:$0x1D000] =	vst v63  }
0x129: {  	_ =	swait.ge [sflag:s17], $0x4000  }
0x12a: {  	[sflag:s17] =	ssyncset.done $0x0  }
0x12b: {  	[sflag:s17] =	ssyncadd.s32 $0xFFFFC000  }
0x12c: {  	[spmem:s3] =	stream.indirect.scatter.add.f32 [tilespmem:s15], [sflag:$0x3], $0x80, s11, s14, $0xb8;
	[tilespmem:$0x1D000] =	vst v63  }
0x12d: {  	_ =	swait.ge [sflag:s13], $0x4000  }
0x12e: {  	[sflag:s13] =	ssyncset.done $0x0  }
0x12f: {  	[sflag:s13] =	ssyncadd.s32 $0xFFFFC000  }
0x130: {  	[tilespmem:s15], [sflag:$0x2] =	stream.indirect.gather [hbm4b:s1+s14], $0x80, s20, s14, $0xb8;
	[tilespmem:$0x1D000] =	vst v63  }
0x131: {  	_ =	swait.ge [sflag:s16], $0x4000  }
0x132: {  	[sflag:s16] =	ssyncset.done $0x0  }
0x133: {  	[sflag:s16] =	ssyncadd.s32 $0xFFFFC000  }
0x134: {  	[spmem:s3] =	stream.indirect.scatter.add.f32 [tilespmem:s12], [sflag:$0x3], $0x80, s21, s14, $0xb8;
	[tilespmem:$0x1D000] =	vst v63  }
0x135: {  	_ =	swait.ge [sflag:s13], $0x4000  }
0x136: {  	[sflag:s13] =	ssyncset.done $0x0  }
0x137: {  	[sflag:s13] =	ssyncadd.s32 $0xFFFFC000  }
0x138: {  	[tilespmem:s12], [sflag:$0x1] =	stream.indirect.gather [hbm4b:s1+s14], $0x80, s22, s14, $0xb8;
	[tilespmem:$0x1D000] =	vst v63  }
0x139: {  	_ =	swait.ge [sflag:s17], $0x4000  }
0x13a: {  	[sflag:s17] =	ssyncset.done $0x0  }
0x13b: {  	[sflag:s17] =	ssyncadd.s32 $0xFFFFC000  }
0x13c: {  	[spmem:s3] =	stream.indirect.scatter.add.f32 [tilespmem:s15], [sflag:$0x3], $0x80, s23, s14, $0xb8;
	[tilespmem:$0x1D000] =	vst v63  }
0x13d: {  	_ =	swait.ge [sflag:s13], $0x4000  }
0x13e: {  	[sflag:s13] =	ssyncset.done $0x0  }
0x13f: {  	[sflag:s13] =	ssyncadd.s32 $0xFFFFC000  }
0x140: {  	[tilespmem:s15], [sflag:$0x2] =	stream.indirect.gather [hbm4b:s1+s14], $0x80, s24, s14, $0xb8;
	[tilespmem:$0x1D000] =	vst v63  }
0x141: {  	_ =	swait.ge [sflag:s16], $0x4000  }
0x142: {  	[sflag:s16] =	ssyncset.done $0x0  }
0x143: {  	[sflag:s16] =	ssyncadd.s32 $0xFFFFC000  }
0x144: {  	[spmem:s3] =	stream.indirect.scatter.add.f32 [tilespmem:s12], [sflag:$0x3], $0x80, s6, s14, $0xb8;
	[tilespmem:$0x1D000] =	vst v63  }
0x145: {  	_ =	swait.ge [sflag:s13], $0x4000  }
0x146: {  	[sflag:s13] =	ssyncset.done $0x0  }
0x147: {  	p0 =	sne.s32 s9, $0x800;
	[sflag:s13] =	ssyncadd.s32 $0xFFFFC000  }
.Ltmp0:
0x148: {  	_ =	swait.ge [sflag:s17], $0x4000;
	(pc) =	sbr.rel @p0 .LBB2_2-.Ltmp0, $4  }
0x149: {  	[sflag:s17] =	ssyncset.done $0x0  }
0x14a: {  	[sflag:s17] =	ssyncadd.s32 $0xFFFFC000  }
0x14b: {  	[spmem:s3] =	stream.indirect.scatter.add.f32 [tilespmem:s15], [sflag:$0x3], $0x80, s7, s14, $0xb8;
	[tilespmem:$0x1D000] =	vst v63  }
0x14c: {  	s9 =	sadd.s32 $0x200, s9;
	_ =	swait.ge [sflag:s13], $0x4000  }
0x14d: {  	[sflag:s13] =	ssyncset.done $0x0  }
0x14e: {  	[sflag:s13] =	ssyncadd.s32 $0xFFFFC000  }
0x14f: {  	s8 =	stileid.u32;
	[bflag:$0x0] =	sbarrier.arrive $0xFFFF  }
0x150: {  	s8 =	sshll.u32 s8, $0x6;
	s9 =	rddreg [dreg:$0x11]  }
0x151: {  	s8 =	sor.u32 $0x1C03, s8;
	s10 =	rddreg [dreg:$0x17];
	s9 =	sshrl.u32 s9, $0x3  }
0x152: {  	[hbm:s10], [sflag:s8] =	dma.local [spmem:s9], $0x800  }
0x153: {  	_ =	swait.ge [sflag:s13], $0x800  }
0x154: {  	[sflag:s13] =	ssyncset.done $0x0;
	s10 =	rddreg [dreg:$0x12]  }
0x155: {  	[sflag:s13] =	ssyncadd.s32 $0xFFFFF800;
	s9 =	sshrl.u32 s10, $0x3;
	s10 =	rddreg [dreg:$0x18]  }
0x156: {  	[hbm:s10], [sflag:s8] =	dma.local [spmem:s9], $0x800  }
0x157: {  	_ =	swait.ge [sflag:s13], $0x800  }
0x158: {  	[sflag:s13] =	ssyncset.done $0x0;
	s10 =	rddreg [dreg:$0x13]  }
0x159: {  	[sflag:s13] =	ssyncadd.s32 $0xFFFFF800;
	s9 =	sshrl.u32 s10, $0x3;
	s10 =	rddreg [dreg:$0x19]  }
0x15a: {  	[hbm:s10], [sflag:s8] =	dma.local [spmem:s9], $0x800  }
0x15b: {  	_ =	swait.ge [sflag:s13], $0x800  }
0x15c: {  	[sflag:s13] =	ssyncset.done $0x0;
	s10 =	rddreg [dreg:$0x14]  }
0x15d: {  	[sflag:s13] =	ssyncadd.s32 $0xFFFFF800;
	s9 =	sshrl.u32 s10, $0x3;
	s10 =	rddreg [dreg:$0x1a]  }
0x15e: {  	[hbm:s10], [sflag:s8] =	dma.local [spmem:s9], $0x800  }
0x15f: {  	_ =	swait.ge [sflag:s13], $0x800  }
0x160: {  	[sflag:s13] =	ssyncset.done $0x0;
	s10 =	rddreg [dreg:$0x15]  }
0x161: {  	[sflag:s13] =	ssyncadd.s32 $0xFFFFF800;
	s9 =	sshrl.u32 s10, $0x3;
	s10 =	rddreg [dreg:$0x1b]  }
0x162: {  	[hbm:s10], [sflag:s8] =	dma.local [spmem:s9], $0x800  }
0x163: {  	s10 =	rddreg [dreg:$0x11];
	_ =	swait.ge [sflag:s13], $0x800  }
0x164: {  	s8 =	rddreg [dreg:$0x1c]  }
0x165: {  	s9 =	sadd.s32 $0x1, s8;
	s8 =	rddreg [dreg:$0x16]  }
0x166: {  	p0 =	sne.s32 s9, s8  }
.Ltmp1:
0x167: {  	_ = 	snop;
	(pc) =	sbr.rel @p0 .LBB2_1-.Ltmp1, $3  }
0x168: {  	_ =	sdelay $0x1  }
0x169: {  	[sflag:s13] =	ssyncset.done $0x0  }
0x16a: {  	[sflag:s13] =	ssyncadd.s32 $0xFFFFF800  }
0x16b: {  	_ =	sfence.sel $0x180000  }
0x16c: {  	[bflag:$0x0] =	sbarrier.arrive $0xFFFF  }
0x16d: {  	_ =	strace $0x9000004D  }
0x16e: {  	s0 =	stileid.u32;
	[bflag:$0x2] =	sbarrier.arrive $0xFFFF  }
0x16f: {  	p0 =	sne.s32 s0, $0x0;
	s0 =	rddreg [dreg:$0x3]  }
0x170: {  	s0 =	sadd.s32 @!p0 $0x100000, s0  }
0x171: {  	[sflag:s0] =	ssyncadd.tile.s32 @!p0 $0x1;
	_ =	shalt  }
.Lfunc_end2:
_tile_overlayer_lowered:
.L_overlay_start_2:
0x172: {  	(tag) =	ssettag $0x2  }
0x173: {  	s0 =	rddreg [dreg:$0x0];
	s2 =	stileid.u32  }
0x174: {  	s1 =	rddreg [dreg:$0x1];
	p0 =	sne.s32 s2, $0x0  }
0x175: {  	s3 =	rddreg [dreg:$0x2];
	[bflag:$0x3] =	sbarrier.arrive $0xFFFF;
	s2 =	simm.s32 @!p0 $0x1C03  }
0x176: {  	[timem:s3], [sflag:s2] =	dma.local @!p0 [hbm:s0], s1  }
0x177: {  	s0 =	simm.s32 @!p0 $0x3  }
0x178: {  	_ =	swait.ge @!p0 [sflag:s0], s1  }
0x179: {  	s1 =	ssub.s32 @!p0 $0x0, s1;
	[sflag:s0] =	ssyncset.done @!p0 $0x0  }
0x17a: {  	[sflag:s0] =	ssyncadd.s32 @!p0 s1  }
0x17b: {  	[bflag:$0x3] =	sbarrier.arrive $0xFFFF  }
0x17c: {  	_ =	shalt  }

// kernel: kernel.9.cloned.1.call-start
scs
__scs_entry_jumppad:
0x0: {  	(pc) =	sbr.rel $0x88, $3  }
0x1: {  	(tag) =	ssettag $0x0;
	lr =	simm.s32 $0x1  }
0x2: {  	[smem:$0x3F97] =	sst lr;
	_ =	strace $0xD0000000  }
0x3: {  	_ = 	snop  }
0x4: {  	_ = 	snop  }
0x5: {  	_ = 	snop  }
0x6: {  	_ = 	snop  }
0x7: {  	_ = 	snop  }
__scs_overlays_trampoline_lowered:
0x8: {  	[smem:$0x3FA6] =	sst s0  }
0x9: {  	[smem:$0x3FA7] =	sst s1  }
0xa: {  	[smem:$0x3FA8] =	sst s2  }
0xb: {  	[smem:$0x3FA9] =	sst s3  }
0xc: {  	[smem:$0x3FAA] =	sst s4  }
0xd: {  	[smem:$0x3FAB] =	sst s5  }
0xe: {  	[smem:$0x3FAC] =	sst s6  }
0xf: {  	[smem:$0x3FAD] =	sst s7  }
0x10: {  	[smem:$0x3FAE] =	sst s8  }
0x11: {  	[smem:$0x3FAF] =	sst s9;
	s0 =	simm.s32 @!p0 $0x0  }
0x12: {  	s1 =	sld [smem:$0x3F95];
	s0 =	simm.s32 @p0 $0x1  }
0x13: {  	[smem:$0x3FB0] =	sst s0;
	s0 =	simm.s32 @!p1 $0x0  }
0x14: {  	s2 =	sld [smem:$0x3F94];
	s0 =	simm.s32 @p1 $0x1  }
0x15: {  	[smem:$0x3FB1] =	sst s0;
	s0 =	simm.s32 @!p2 $0x0  }
0x16: {  	s3 =	sld [smem:$0x3FDB];
	s0 =	simm.s32 @p2 $0x1  }
0x17: {  	s4 =	simm.s32 $0x1BF5;
	[smem:$0x3FB3] =	sst s0  }
0x18: {  	s0 =	sld [smem:$0x3F96];
	_ =	swait.ge [sflag:s4], $0x0  }
0x19: {  	s7 =	sld [smem:$0x3F97]  }
0x1a: {  	s8 =	sadd.s32 $0xFFFFE003, lr  }
0x1b: {  	s9 =	sadd.s32 $0xFFFFFEF7, lr;
	s5 =	simm.s32 $0xFFFFFFFF;
	p2 =	slt.u32 s8, $0xFFFFF086  }
0x1c: {  	p1 =	slt.u32 s9, $0xF7A;
	s5 =	simm.s32 @!p2 $0x0  }
0x1d: {  	s5 =	simm.s32 @p1 $0x1;
	p0 =	seq.s32 s7, s2  }
0x1e: {  	s7 =	smul.u32 @!p0 $0xF7A, s2;
	p2 =	seq.s32 @!p0 s5, $0x0  }
0x1f: {  	s9 =	smul.u32 $0xF7A, s1;
	s8 =	simm.s32 @!p0 $0x1BF5;
	p2 =	por !p2, p0  }
0x20: {  	[sflag:s8] =	ssyncset.s32 @!p0 $0xFFFFF086;
	s6 =	sadd.s32 @!p0 s3, s7;
	s7 =	simm.s32 @!p0 $0x108  }
0x21: {  	s3 =	sadd.s32 s3, s9;
	s6 =	sadd.s32 @!p0 $0x88, s6;
	s7 =	simm.s32 @p2 $0x1082  }
0x22: {  	[simem:s7], [sflag:s8] =	dma.local @!p0 [hbm:s6], $0xF7A  }
0x23: {  	s9 =	sor.u32 $0xD0000000, s2;
	s6 =	simm.s32 $0x108;
	_ =	swait.ge @!p0 [sflag:s8], $0x0  }
0x24: {  	s3 =	sadd.s32 $0x88, s3;
	s6 =	simm.s32 @!p1 $0x1082;
	[sflag:s4] =	ssyncset.s32 $0xFFFFF086  }
0x25: {  	[simem:s6], [sflag:s4] =	dma.local [hbm:s3], $0xF7A  }
0x26: {  	[smem:$0x3F97] =	sst s1;
	(tag) =	ssettag s2;
	_ =	strace s9  }
0x27: {  	s1 =	sld [smem:$0x3FA7]  }
0x28: {  	s2 =	sld [smem:$0x3FA8]  }
0x29: {  	s4 =	sld [smem:$0x3FAA]  }
0x2a: {  	p0 =	seq.s32 s5, $0x0;
	s5 =	sld [smem:$0x3FAB]  }
0x2b: {  	s6 =	sld [smem:$0x3FAC]  }
0x2c: {  	s7 =	sld [smem:$0x3FAD]  }
0x2d: {  	s3 =	simm.s32 $0x108;
	s8 =	sld [smem:$0x3FAE]  }
0x2e: {  	s3 =	simm.s32 @!p0 $0x1082;
	s9 =	sld [smem:$0x3FAF]  }
0x2f: {  	lr =	sadd.s32 s0, s3;
	s0 =	sld [smem:$0x3FA6]  }
0x30: {  	s3 =	sld [smem:$0x3FA9]  }
0x31: {  	[smem:$0x3FB2] =	sst s10  }
0x32: {  	s10 =	sld [smem:$0x3FB0];
	_ =	sdelay $0x3  }
0x33: {  	p0 =	seq.s32 s10, $0x1;
	s10 =	sld [smem:$0x3FB2];
	_ =	sdelay $0x3  }
0x34: {  	[smem:$0x3FB2] =	sst s10  }
0x35: {  	s10 =	sld [smem:$0x3FB1];
	_ =	sdelay $0x3  }
0x36: {  	p1 =	seq.s32 s10, $0x1;
	s10 =	sld [smem:$0x3FB2];
	_ =	sdelay $0x3  }
0x37: {  	[smem:$0x3FB2] =	sst s10  }
0x38: {  	s10 =	sld [smem:$0x3FB3]  }
0x39: {  	_ = 	snop;
	(pc) =	sbr.ind lr, $3  }
0x3a: {  	_ = 	snop  }
0x3b: {  	_ = 	snop  }
0x3c: {  	p2 =	seq.s32 s10, $0x1;
	s10 =	sld [smem:$0x3FB2]  }
0x3d: {  	_ =	shalt  }
0x3e: {  	_ =	shalt  }
0x3f: {  	_ =	shalt  }
0x40: {  	_ =	shalt  }
0x41: {  	_ =	shalt  }
0x42: {  	_ =	shalt  }
0x43: {  	_ =	shalt  }
0x44: {  	_ =	shalt  }
0x45: {  	_ =	shalt  }
0x46: {  	_ =	shalt  }
0x47: {  	_ =	shalt  }
0x48: {  	_ =	shalt  }
0x49: {  	_ =	shalt  }
0x4a: {  	_ =	shalt  }
0x4b: {  	_ =	shalt  }
0x4c: {  	_ =	shalt  }
0x4d: {  	_ =	shalt  }
0x4e: {  	_ =	shalt  }
0x4f: {  	_ =	shalt  }
0x50: {  	_ =	shalt  }
0x51: {  	_ =	shalt  }
0x52: {  	_ =	shalt  }
0x53: {  	_ =	shalt  }
0x54: {  	_ =	shalt  }
0x55: {  	_ =	shalt  }
0x56: {  	_ =	shalt  }
0x57: {  	_ =	shalt  }
0x58: {  	_ =	shalt  }
0x59: {  	_ =	shalt  }
0x5a: {  	_ =	shalt  }
0x5b: {  	_ =	shalt  }
0x5c: {  	_ =	shalt  }
0x5d: {  	_ =	shalt  }
0x5e: {  	_ =	shalt  }
0x5f: {  	_ =	shalt  }
0x60: {  	_ =	shalt  }
0x61: {  	_ =	shalt  }
0x62: {  	_ =	shalt  }
0x63: {  	_ =	shalt  }
0x64: {  	_ =	shalt  }
0x65: {  	_ =	shalt  }
0x66: {  	_ =	shalt  }
0x67: {  	_ =	shalt  }
0x68: {  	_ =	shalt  }
0x69: {  	_ =	shalt  }
0x6a: {  	_ =	shalt  }
0x6b: {  	_ =	shalt  }
0x6c: {  	_ =	shalt  }
0x6d: {  	_ =	shalt  }
0x6e: {  	_ =	shalt  }
0x6f: {  	_ =	shalt  }
0x70: {  	_ =	shalt  }
0x71: {  	_ =	shalt  }
0x72: {  	_ =	shalt  }
0x73: {  	_ =	shalt  }
0x74: {  	_ =	shalt  }
0x75: {  	_ =	shalt  }
0x76: {  	_ =	shalt  }
0x77: {  	_ =	shalt  }
0x78: {  	_ =	shalt  }
0x79: {  	_ =	shalt  }
0x7a: {  	_ =	shalt  }
0x7b: {  	_ =	shalt  }
0x7c: {  	_ =	shalt  }
0x7d: {  	_ =	shalt  }
0x7e: {  	_ =	shalt  }
0x7f: {  	_ =	shalt  }
0x80: {  	_ =	shalt  }
0x81: {  	_ =	shalt  }
0x82: {  	_ =	shalt  }
0x83: {  	_ =	shalt  }
0x84: {  	_ =	shalt  }
0x85: {  	_ =	shalt  }
0x86: {  	_ =	shalt  }
0x87: {  	_ =	shalt  }
.Lfunc_end0:
.L_simem_size_0:
called_computation_lowered:
.L_overlay_start_0:
0x88: {  	s2 =	sld [smem:$0x3FD9]  }
0x89: {  	s3 =	sld [smem:$0x3FFE];
	_ =	sdelay $0x1  }
0x8a: {  	s1 =	srdreg.scid  }
0x8b: {  	s0 =	sand.u32 $0x1, s1  }
0x8c: {  	s16 =	sshll.u32 s0, $0xA;
	s2 =	sadd.s32 s3, s2  }
0x8d: {  	s2 =	sadd.s32 s2, s16  }
0x8e: {  	[smem:$0x3FBE] =	sst s2  }
0x8f: {  	_ = 	snop  }
0x90: {  	(tm) =	ssettm $0x1  }
0x91: {  	s17 =	sld [smem:$0x3FFB];
	_ =	sdelay $0x3  }
0x92: {  	_ =	strace s17  }
0x93: {  	s2 =	sld [smem:$0x3FFC];
	_ =	sdelay $0x3  }
0x94: {  	_ =	strace s2  }
0x95: {  	s2 =	sld [smem:$0x3FFD];
	_ =	sdelay $0x3  }
0x96: {  	_ =	strace s2  }
0x97: {  	_ =	strace $0x8FFFFFFF  }
0x98: {  	s18 =	sld [smem:$0x3FDB];
	_ =	sdelay $0x1  }
0x99: {  	s19 =	simm.s32 $_scs_section_size  }
0x9a: {  	s4 =	simm.s32 $_size__tile_overlayer_lowered;
	s5 =	simm.s32 $_tile_overlayer_lowered  }
0x9b: {  	s22 =	simm.s32 $0x1BFF;
	s21 =	sshll.u32 s5, $0x1;
	s2 =	sadd.s32 s19, s18  }
0x9c: {  	s6 =	simm.s32 $0x0;
	s20 =	sshll.u32 s4, $0x1;
	s4 =	sadd.s32 s21, s2  }
0x9d: {  	[timem:s6], [sflag:s22] =	dma.local [hbm:s4], s20  }
0x9e: {  	_ =	swait.ge [sflag:s22], s20  }
0x9f: {  	s3 =	ssub.s32 $0x0, s20;
	[sflag:s22] =	ssyncset.done $0x0  }
0xa0: {  	[sflag:s22] =	ssyncadd.s32 s3;
	_ =	sdelay $0x1  }
0xa1: {  	s23 =	simm.s32 $0x1B8B  }
0xa2: {  	_ =	swait.ge [sflag:s23], $0x1  }
0xa3: {  	[sflag:s23] =	ssyncset.done $0x0  }
0xa4: {  	s25 =	simm.s32 $0x1B8E;
	s24 =	sld [smem:$0x3FFE];
	[sflag:s23] =	ssyncadd.s32 $0xFFFFFFFF  }
0xa5: {  	s26 =	simm.s32 $execute0_lowered;
	[smem:$0x3FD2] =	sst s25  }
0xa6: {  	s4 =	sshll.u32 s26, $0x1;
	_ =	strace $0x80000046;
	[dreg:$0x1] =	wrdreg $0xFFFFFFFF  }
0xa7: {  	s28 =	simm.s32 $_size_execute0_lowered;
	s2 =	sadd.s32 s2, s4;
	[dreg:$0x0] =	wrdreg $0x0  }
0xa8: {  	s4 =	sshll.u32 s28, $0x1;
	[dreg:$0x2] =	wrdreg s2  }
0xa9: {  	[dreg:$0x3] =	wrdreg s4  }
0xaa: {  	[dreg:$0x4] =	wrdreg $0xC0  }
0xab: {  	_ =	task [dreg:s6], $0x5FFFF  }
0xac: {  	[dreg:$0x1] =	wrdreg $0xFFFFFFFF  }
0xad: {  	[dreg:$0x0] =	wrdreg $0x60  }
0xae: {  	[dreg:$0x2] =	wrdreg s24  }
0xaf: {  	[dreg:$0x3] =	wrdreg $0x50000  }
0xb0: {  	[dreg:$0x4] =	wrdreg $0x9  }
0xb1: {  	_ =	task.clear_ibuf [dreg:s6], $0x5FFFF;
	_ =	strace $0x90000046  }
0xb2: {  	s29 =	simm.s32 $0x9;
	_ =	strace $0x80000048  }
0xb3: {  	_ =	swait.ge [sflag:s29], $0x1  }
0xb4: {  	[sflag:s29] =	ssyncadd.s32 $0xFFFFFFFF  }
0xb5: {  	_ =	strace $0x90000048  }
0xb6: {  	_ =	sfence  }
0xb7: {  	s30 =	sld [smem:$0x0];
	_ =	sdelay $0x2  }
0xb8: {  	s31 =	sshll.u32 s1, $0xD;
	s1 =	sshrl.u32 s1, $0x2  }
0xb9: {  	s3 =	sand.u32 $0x4000, s31;
	s1 =	sadd.s32 s1, s30  }
0xba: {  	s0 =	sor.u32 s3, s0;
	s1 =	sshll.u32 s1, $0x11  }
0xbb: {  	s0 =	sor.u32 s1, s0  }
0xbc: {  	s0 =	sadd.s32 $0x8F2B, s0  }
0xbd: {  	[sflag:s0] =	ssyncadd.remote.s32 $0x1  }
0xbe: {  	_ =	sfence.sel $0xFFFF  }
0xbf: {  	[dreg:$0x0] =	wrdreg $0xFFFFFFFF;
	(pc) =	sbr.abs _section_cstart, $3  }
0xc0: {  	[dreg:$0x1] =	wrdreg $0xFFFFFFFF  }
0xc1: {  	_ =	task.clear_ibuf [dreg:s6], $0x2FFFF;
	_ =	strace $0x9FFFFFFF  }
0xc2: {  	(tm) =	ssettm $0x7FFFFFFF  }
0xc3: {  	_ =	shalt  }
tec
execute0_lowered:
.L_overlay_start_1:
0x0: {  	(tag) =	ssettag $0x1  }
0x1: {  	s0 =	rddreg [dreg:$0x0]  }
0x2: {  	s2 =	rddreg [dreg:$0x1];
	s14 =	stileid.u32;
	s3 =	simm.s32 $0x0  }
0x3: {  	s1 =	srdreg.scid;
	s28 =	simm.s32 $0x980;
	s4 =	smul.u32 $0x5000, s14  }
0x4: {  	s29 =	simm.s32 $0xA80;
	s30 =	simm.s32 $0xB80;
	s7 =	smul.u32 $0x280, s14  }
0x5: {  	s31 =	simm.s32 $0xC80;
	[smem:$0x7FF] =	sst s3;
	s15 =	smul.u32 $0x50000, s14  }
0x6: {  	s1 =	sand.u32 $0x1, s1;
	s20 =	smul.u32 $0x2800, s14;
	s14 =	simm.s32 $0x180  }
0x7: {  	p0 =	seq.s32 s1, $0x0;
	s6 =	smul.u32 $0x28000, s1;
	s1 =	ssub.s32 $0x2, s1  }
0x8: {  	_ =	strace $0x80000047;
	s5 =	sadd.s32 $0x50000, s4;
	s16 =	sshrl.u32 s1, $0x1  }
0x9: {  	s10 =	sadd.s32 $0x80, s7;
	s11 =	sadd.s32 $0x100, s7;
	s12 =	sadd.s32 $0x180, s7  }
0xa: {  	s13 =	sadd.s32 $0x200, s7;
	s5 =	smov.u32 @p0 s4;
	s1 =	ssub.s32 s1, s16  }
0xb: {  	s17 =	sshll.u32 s10, $0x7;
	s18 =	sshll.u32 s11, $0x7;
	s8 =	sshll.u32 s12, $0x7  }
0xc: {  	s19 =	sshll.u32 s13, $0x7;
	s21 =	sshll.u32 s10, $0x4;
	s22 =	sshll.u32 s11, $0x4  }
0xd: {  	s23 =	sshll.u32 s12, $0x4;
	s24 =	sshll.u32 s13, $0x4;
	s11 =	simm.s32 $0x1000  }
0xe: {  	s12 =	simm.s32 $0x1;
	s13 =	simm.s32 $0x80;
	s16 =	simm.s32 $0x380  }
0xf: {  	s4 =	sshrl.u32 s5, $0x3;
	s5 =	sshrl.u32 s15, $0x2;
	s7 =	sadd.s32 s8, s2  }
0x10: {  	s8 =	sadd.s32 s19, s2;
	s1 =	smax.u32 s1, $0x1;
	s15 =	simm.s32 $0x280  }
0x11: {  	s19 =	simm.s32 $0x680;
	s9 =	sadd.s32 s4, s0;
	s0 =	sadd.s32 s6, s0  }
0x12: {  	s4 =	sadd.s32 s5, s2;
	s5 =	sadd.s32 s17, s2;
	s0 =	sadd.s32 $0x17000, s0  }
0x13: {  	s6 =	sadd.s32 s18, s2;
	[dreg:$0x3] =	wrdreg s1;
	s20 =	sadd.s32 s20, s0  }
0x14: {  	s17 =	simm.s32 $0x480;
	s21 =	sadd.s32 s21, s0;
	[dreg:$0x4] =	wrdreg s20  }
0x15: {  	s18 =	simm.s32 $0x580;
	s25 =	sadd.s32 s22, s0;
	[dreg:$0x5] =	wrdreg s21  }
0x16: {  	s1 =	simm.s32 $0xE80;
	s26 =	sadd.s32 s23, s0;
	[dreg:$0x6] =	wrdreg s25  }
0x17: {  	s10 =	sadd.s32 $0x3000, s9;
	s0 =	sadd.s32 s24, s0;
	[dreg:$0x7] =	wrdreg s26  }
0x18: {  	s9 =	simm.s32 $0xF80;
	[dreg:$0x8] =	wrdreg s0;
	s25 =	simm.s32 $0x780  }
0x19: {  	v0 =	vimm.f32 $0.0e+00;
	v1 =	vimm.f32 $1.000000000e+00;
	s26 =	simm.s32 $0x880;
	s0 =	simm.s32 $0xD80;
	s20 =	simm.s32 $0x0  }
.LBB2_1:
0x1a: {  	s21 =	simm.s32 $0x0;
	s22 =	simm.s32 $0x200  }
.LBB2_2:
0x1b: {  	p0 =	sne.s32 s22, $0xFE00;
	[tilespmem:s21+$0x1070] =	vst v0  }
0x1c: {  	[tilespmem:s21+$0x1000] =	vst v0  }
0x1d: {  	[tilespmem:s21+$0x1010] =	vst v0  }
.Ltmp0:
0x1e: {  	[tilespmem:s21+$0x1020] =	vst v0;
	(pc) =	sbr.rel @p0 .LBB2_2-.Ltmp0, $4  }
0x1f: {  	[tilespmem:s21+$0x1030] =	vst v0  }
0x20: {  	[tilespmem:s21+$0x1040] =	vst v0  }
0x21: {  	[tilespmem:s21+$0x1050] =	vst v0  }
0x22: {  	[tilespmem:s21+$0x1060] =	vst v0;
	s21 =	sshra.s32 s22, $0x2;
	s22 =	sadd.s32 $0x200, s22  }
0x23: {  	[tilespmem:s21+$0x1070] =	vst v0  }
0x24: {  	[tilespmem:s21+$0x1000] =	vst v0  }
0x25: {  	[tilespmem:s21+$0x1010] =	vst v0  }
0x26: {  	[tilespmem:s21+$0x1020] =	vst v0  }
0x27: {  	[tilespmem:s21+$0x1030] =	vst v0  }
0x28: {  	[tilespmem:s21+$0x1040] =	vst v0  }
0x29: {  	[tilespmem:s21+$0x1050] =	vst v0  }
0x2a: {  	[tilespmem:s21+$0x1060] =	vst v0  }
0x2b: {  	[spmem:s4] =	stream.linear.scatter [tilespmem:s11], [sflag:$0x1], $0x4000, $0x38;
	[tilespmem:$0x19000] =	vst v63  }
0x2c: {  	_ =	swait.ge [sflag:s12], $0x4000  }
0x2d: {  	[sflag:s12] =	ssyncset.done $0x0  }
0x2e: {  	[sflag:s12] =	ssyncadd.s32 $0xFFFFC000  }
0x2f: {  	[spmem:s5] =	stream.linear.scatter [tilespmem:s11], [sflag:$0x1], $0x4000, $0x38;
	[tilespmem:$0x19000] =	vst v63  }
0x30: {  	_ =	swait.ge [sflag:s12], $0x4000  }
0x31: {  	[sflag:s12] =	ssyncset.done $0x0  }
0x32: {  	[sflag:s12] =	ssyncadd.s32 $0xFFFFC000  }
0x33: {  	[spmem:s6] =	stream.linear.scatter [tilespmem:s11], [sflag:$0x1], $0x4000, $0x38;
	[tilespmem:$0x19000] =	vst v63  }
0x34: {  	_ =	swait.ge [sflag:s12], $0x4000  }
0x35: {  	[sflag:s12] =	ssyncset.done $0x0  }
0x36: {  	[sflag:s12] =	ssyncadd.s32 $0xFFFFC000  }
0x37: {  	[spmem:s7] =	stream.linear.scatter [tilespmem:s11], [sflag:$0x1], $0x4000, $0x38;
	[tilespmem:$0x19000] =	vst v63  }
0x38: {  	_ =	swait.ge [sflag:s12], $0x4000  }
0x39: {  	[sflag:s12] =	ssyncset.done $0x0  }
0x3a: {  	[sflag:s12] =	ssyncadd.s32 $0xFFFFC000  }
0x3b: {  	[spmem:s8] =	stream.linear.scatter [tilespmem:s11], [sflag:$0x1], $0x4000, $0x38;
	[tilespmem:$0x19000] =	vst v63  }
0x3c: {  	_ =	swait.ge [sflag:s12], $0x4000  }
0x3d: {  	[sflag:s12] =	ssyncset.done $0x0  }
0x3e: {  	s21 =	simm.s32 $0x0;
	s22 =	simm.s32 $0x200;
	[sflag:s12] =	ssyncadd.s32 $0xFFFFC000  }
.LBB2_4:
0x3f: {  	p0 =	sne.s32 s22, $0xFE00;
	[tilespmem:s21+$0x1070] =	vst v1  }
0x40: {  	[tilespmem:s21+$0x1000] =	vst v1  }
0x41: {  	[tilespmem:s21+$0x1010] =	vst v1  }
.Ltmp1:
0x42: {  	[tilespmem:s21+$0x1020] =	vst v1;
	(pc) =	sbr.rel @p0 .LBB2_4-.Ltmp1, $4  }
0x43: {  	[tilespmem:s21+$0x1030] =	vst v1  }
0x44: {  	[tilespmem:s21+$0x1040] =	vst v1  }
0x45: {  	[tilespmem:s21+$0x1050] =	vst v1  }
0x46: {  	[tilespmem:s21+$0x1060] =	vst v1;
	s21 =	sshra.s32 s22, $0x2;
	s22 =	sadd.s32 $0x200, s22  }
0x47: {  	[tilespmem:s21+$0x1070] =	vst v1  }
0x48: {  	[tilespmem:s21+$0x1000] =	vst v1  }
0x49: {  	[tilespmem:s21+$0x1010] =	vst v1  }
0x4a: {  	[tilespmem:s21+$0x1020] =	vst v1  }
0x4b: {  	[tilespmem:s21+$0x1030] =	vst v1  }
0x4c: {  	[tilespmem:s21+$0x1040] =	vst v1  }
0x4d: {  	[tilespmem:s21+$0x1050] =	vst v1  }
0x4e: {  	[tilespmem:s21+$0x1060] =	vst v1  }
0x4f: {  	s24 =	sadd.s32 $0x0, s10;
	[bflag:$0x0] =	sbarrier.arrive $0xFFFF  }
0x50: {  	[tilespmem:s3], [sflag:$0x1] =	stream.linear.gather [hbm4b:s24+s3], $0x1000, $0x38;
	[tilespmem:$0x19000] =	vst v63  }
0x51: {  	_ =	swait.ge [sflag:s12], $0x1000  }
0x52: {  	[sflag:s12] =	ssyncset.done $0x0  }
0x53: {  	[sflag:s12] =	ssyncadd.s32 $0xFFFFF000  }
0x54: {  	[spmem:s2] =	stream.indirect.scatter.add.f32 [tilespmem:s11], [sflag:$0x1], $0x80, s13, s13, $0xb8;
	[tilespmem:$0x19000] =	vst v63  }
0x55: {  	_ =	swait.ge [sflag:s12], $0x4000  }
0x56: {  	[sflag:s12] =	ssyncset.done $0x0  }
0x57: {  	[sflag:s12] =	ssyncadd.s32 $0xFFFFC000  }
0x58: {  	[spmem:s2] =	stream.indirect.scatter.add.f32 [tilespmem:s11], [sflag:$0x1], $0x80, s14, s13, $0xb8;
	[tilespmem:$0x19000] =	vst v63  }
0x59: {  	_ =	swait.ge [sflag:s12], $0x4000  }
0x5a: {  	[sflag:s12] =	ssyncset.done $0x0  }
0x5b: {  	[sflag:s12] =	ssyncadd.s32 $0xFFFFC000  }
0x5c: {  	[spmem:s2] =	stream.indirect.scatter.add.f32 [tilespmem:s11], [sflag:$0x1], $0x80, s15, s13, $0xb8;
	[tilespmem:$0x19000] =	vst v63  }
0x5d: {  	_ =	swait.ge [sflag:s12], $0x4000  }
0x5e: {  	[sflag:s12] =	ssyncset.done $0x0  }
0x5f: {  	[sflag:s12] =	ssyncadd.s32 $0xFFFFC000  }
0x60: {  	[spmem:s2] =	stream.indirect.scatter.add.f32 [tilespmem:s11], [sflag:$0x1], $0x80, s16, s13, $0xb8;
	[tilespmem:$0x19000] =	vst v63  }
0x61: {  	_ =	swait.ge [sflag:s12], $0x4000  }
0x62: {  	[sflag:s12] =	ssyncset.done $0x0  }
0x63: {  	[sflag:s12] =	ssyncadd.s32 $0xFFFFC000  }
0x64: {  	[spmem:s2] =	stream.indirect.scatter.add.f32 [tilespmem:s11], [sflag:$0x1], $0x80, s17, s13, $0xb8;
	[tilespmem:$0x19000] =	vst v63  }
0x65: {  	_ =	swait.ge [sflag:s12], $0x4000  }
0x66: {  	[sflag:s12] =	ssyncset.done $0x0  }
0x67: {  	[sflag:s12] =	ssyncadd.s32 $0xFFFFC000  }
0x68: {  	[spmem:s2] =	stream.indirect.scatter.add.f32 [tilespmem:s11], [sflag:$0x1], $0x80, s18, s13, $0xb8;
	[tilespmem:$0x19000] =	vst v63  }
0x69: {  	_ =	swait.ge [sflag:s12], $0x4000  }
0x6a: {  	[sflag:s12] =	ssyncset.done $0x0  }
0x6b: {  	[sflag:s12] =	ssyncadd.s32 $0xFFFFC000  }
0x6c: {  	[spmem:s2] =	stream.indirect.scatter.add.f32 [tilespmem:s11], [sflag:$0x1], $0x80, s19, s13, $0xb8;
	[tilespmem:$0x19000] =	vst v63  }
0x6d: {  	_ =	swait.ge [sflag:s12], $0x4000  }
0x6e: {  	[sflag:s12] =	ssyncset.done $0x0  }
0x6f: {  	[sflag:s12] =	ssyncadd.s32 $0xFFFFC000  }
0x70: {  	[spmem:s2] =	stream.indirect.scatter.add.f32 [tilespmem:s11], [sflag:$0x1], $0x80, s25, s13, $0xb8;
	[tilespmem:$0x19000] =	vst v63  }
0x71: {  	_ =	swait.ge [sflag:s12], $0x4000  }
0x72: {  	[sflag:s12] =	ssyncset.done $0x0  }
0x73: {  	[sflag:s12] =	ssyncadd.s32 $0xFFFFC000  }
0x74: {  	[spmem:s2] =	stream.indirect.scatter.add.f32 [tilespmem:s11], [sflag:$0x1], $0x80, s26, s13, $0xb8;
	[tilespmem:$0x19000] =	vst v63  }
0x75: {  	_ =	swait.ge [sflag:s12], $0x4000  }
0x76: {  	[sflag:s12] =	ssyncset.done $0x0  }
0x77: {  	[sflag:s12] =	ssyncadd.s32 $0xFFFFC000  }
0x78: {  	[spmem:s2] =	stream.indirect.scatter.add.f32 [tilespmem:s11], [sflag:$0x1], $0x80, s28, s13, $0xb8;
	[tilespmem:$0x19000] =	vst v63  }
0x79: {  	_ =	swait.ge [sflag:s12], $0x4000  }
0x7a: {  	[sflag:s12] =	ssyncset.done $0x0  }
0x7b: {  	[sflag:s12] =	ssyncadd.s32 $0xFFFFC000  }
0x7c: {  	[spmem:s2] =	stream.indirect.scatter.add.f32 [tilespmem:s11], [sflag:$0x1], $0x80, s29, s13, $0xb8;
	[tilespmem:$0x19000] =	vst v63  }
0x7d: {  	_ =	swait.ge [sflag:s12], $0x4000  }
0x7e: {  	[sflag:s12] =	ssyncset.done $0x0  }
0x7f: {  	[sflag:s12] =	ssyncadd.s32 $0xFFFFC000  }
0x80: {  	[spmem:s2] =	stream.indirect.scatter.add.f32 [tilespmem:s11], [sflag:$0x1], $0x80, s30, s13, $0xb8;
	[tilespmem:$0x19000] =	vst v63  }
0x81: {  	_ =	swait.ge [sflag:s12], $0x4000  }
0x82: {  	[sflag:s12] =	ssyncset.done $0x0  }
0x83: {  	[sflag:s12] =	ssyncadd.s32 $0xFFFFC000  }
0x84: {  	[spmem:s2] =	stream.indirect.scatter.add.f32 [tilespmem:s11], [sflag:$0x1], $0x80, s31, s13, $0xb8;
	[tilespmem:$0x19000] =	vst v63  }
0x85: {  	_ =	swait.ge [sflag:s12], $0x4000  }
0x86: {  	[sflag:s12] =	ssyncset.done $0x0  }
0x87: {  	[sflag:s12] =	ssyncadd.s32 $0xFFFFC000  }
0x88: {  	[spmem:s2] =	stream.indirect.scatter.add.f32 [tilespmem:s11], [sflag:$0x1], $0x80, s0, s13, $0xb8;
	[tilespmem:$0x19000] =	vst v63  }
0x89: {  	_ =	swait.ge [sflag:s12], $0x4000  }
0x8a: {  	[sflag:s12] =	ssyncset.done $0x0  }
0x8b: {  	[sflag:s12] =	ssyncadd.s32 $0xFFFFC000  }
0x8c: {  	[spmem:s2] =	stream.indirect.scatter.add.f32 [tilespmem:s11], [sflag:$0x1], $0x80, s1, s13, $0xb8;
	[tilespmem:$0x19000] =	vst v63  }
0x8d: {  	_ =	swait.ge [sflag:s12], $0x4000  }
0x8e: {  	[sflag:s12] =	ssyncset.done $0x0  }
0x8f: {  	[sflag:s12] =	ssyncadd.s32 $0xFFFFC000  }
0x90: {  	[spmem:s2] =	stream.indirect.scatter.add.f32 [tilespmem:s11], [sflag:$0x1], $0x80, s9, s13, $0xb8;
	[tilespmem:$0x19000] =	vst v63  }
0x91: {  	_ =	swait.ge [sflag:s12], $0x4000  }
0x92: {  	s21 =	simm.s32 $0x200;
	s22 =	simm.s32 $0x400;
	[sflag:s12] =	ssyncset.done $0x0  }
.LBB2_6:
0x93: {  	s24 =	sadd.s32 s21, s10  }
0x94: {  	[sflag:s12] =	ssyncadd.s32 $0xFFFFC000;
	s21 =	smov.u32 s22;
	s23 =	sadd.s32 $0x200, s22  }
0x95: {  	[tilespmem:s3], [sflag:$0x1] =	stream.linear.gather [hbm4b:s24+s3], $0x1000, $0x38;
	[tilespmem:$0x19000] =	vst v63  }
0x96: {  	p0 =	sne.s32 s22, $0x800;
	_ =	swait.ge [sflag:s12], $0x1000  }
0x97: {  	[sflag:s12] =	ssyncset.done $0x0  }
0x98: {  	[sflag:s12] =	ssyncadd.s32 $0xFFFFF000  }
0x99: {  	[spmem:s2] =	stream.indirect.scatter.add.f32 [tilespmem:s11], [sflag:$0x1], $0x80, s13, s13, $0xb8;
	[tilespmem:$0x19000] =	vst v63  }
0x9a: {  	_ =	swait.ge [sflag:s12], $0x4000  }
0x9b: {  	[sflag:s12] =	ssyncset.done $0x0  }
0x9c: {  	[sflag:s12] =	ssyncadd.s32 $0xFFFFC000  }
0x9d: {  	[spmem:s2] =	stream.indirect.scatter.add.f32 [tilespmem:s11], [sflag:$0x1], $0x80, s14, s13, $0xb8;
	[tilespmem:$0x19000] =	vst v63  }
0x9e: {  	_ =	swait.ge [sflag:s12], $0x4000  }
0x9f: {  	[sflag:s12] =	ssyncset.done $0x0  }
0xa0: {  	[sflag:s12] =	ssyncadd.s32 $0xFFFFC000  }
0xa1: {  	[spmem:s2] =	stream.indirect.scatter.add.f32 [tilespmem:s11], [sflag:$0x1], $0x80, s15, s13, $0xb8;
	[tilespmem:$0x19000] =	vst v63  }
0xa2: {  	_ =	swait.ge [sflag:s12], $0x4000  }
0xa3: {  	[sflag:s12] =	ssyncset.done $0x0  }
0xa4: {  	[sflag:s12] =	ssyncadd.s32 $0xFFFFC000  }
0xa5: {  	[spmem:s2] =	stream.indirect.scatter.add.f32 [tilespmem:s11], [sflag:$0x1], $0x80, s16, s13, $0xb8;
	[tilespmem:$0x19000] =	vst v63  }
0xa6: {  	_ =	swait.ge [sflag:s12], $0x4000  }
0xa7: {  	[sflag:s12] =	ssyncset.done $0x0  }
0xa8: {  	[sflag:s12] =	ssyncadd.s32 $0xFFFFC000  }
0xa9: {  	[spmem:s2] =	stream.indirect.scatter.add.f32 [tilespmem:s11], [sflag:$0x1], $0x80, s17, s13, $0xb8;
	[tilespmem:$0x19000] =	vst v63  }
0xaa: {  	_ =	swait.ge [sflag:s12], $0x4000  }
0xab: {  	[sflag:s12] =	ssyncset.done $0x0  }
0xac: {  	[sflag:s12] =	ssyncadd.s32 $0xFFFFC000  }
0xad: {  	[spmem:s2] =	stream.indirect.scatter.add.f32 [tilespmem:s11], [sflag:$0x1], $0x80, s18, s13, $0xb8;
	[tilespmem:$0x19000] =	vst v63  }
0xae: {  	_ =	swait.ge [sflag:s12], $0x4000  }
0xaf: {  	[sflag:s12] =	ssyncset.done $0x0  }
0xb0: {  	[sflag:s12] =	ssyncadd.s32 $0xFFFFC000  }
0xb1: {  	[spmem:s2] =	stream.indirect.scatter.add.f32 [tilespmem:s11], [sflag:$0x1], $0x80, s19, s13, $0xb8;
	[tilespmem:$0x19000] =	vst v63  }
0xb2: {  	_ =	swait.ge [sflag:s12], $0x4000  }
0xb3: {  	[sflag:s12] =	ssyncset.done $0x0  }
0xb4: {  	[sflag:s12] =	ssyncadd.s32 $0xFFFFC000  }
0xb5: {  	[spmem:s2] =	stream.indirect.scatter.add.f32 [tilespmem:s11], [sflag:$0x1], $0x80, s25, s13, $0xb8;
	[tilespmem:$0x19000] =	vst v63  }
0xb6: {  	_ =	swait.ge [sflag:s12], $0x4000  }
0xb7: {  	[sflag:s12] =	ssyncset.done $0x0  }
0xb8: {  	[sflag:s12] =	ssyncadd.s32 $0xFFFFC000  }
0xb9: {  	[spmem:s2] =	stream.indirect.scatter.add.f32 [tilespmem:s11], [sflag:$0x1], $0x80, s26, s13, $0xb8;
	[tilespmem:$0x19000] =	vst v63  }
0xba: {  	_ =	swait.ge [sflag:s12], $0x4000  }
0xbb: {  	[sflag:s12] =	ssyncset.done $0x0  }
0xbc: {  	[sflag:s12] =	ssyncadd.s32 $0xFFFFC000  }
0xbd: {  	[spmem:s2] =	stream.indirect.scatter.add.f32 [tilespmem:s11], [sflag:$0x1], $0x80, s28, s13, $0xb8;
	[tilespmem:$0x19000] =	vst v63  }
0xbe: {  	_ =	swait.ge [sflag:s12], $0x4000  }
0xbf: {  	[sflag:s12] =	ssyncset.done $0x0  }
0xc0: {  	[sflag:s12] =	ssyncadd.s32 $0xFFFFC000  }
0xc1: {  	[spmem:s2] =	stream.indirect.scatter.add.f32 [tilespmem:s11], [sflag:$0x1], $0x80, s29, s13, $0xb8;
	[tilespmem:$0x19000] =	vst v63  }
0xc2: {  	_ =	swait.ge [sflag:s12], $0x4000  }
0xc3: {  	[sflag:s12] =	ssyncset.done $0x0  }
0xc4: {  	[sflag:s12] =	ssyncadd.s32 $0xFFFFC000  }
0xc5: {  	[spmem:s2] =	stream.indirect.scatter.add.f32 [tilespmem:s11], [sflag:$0x1], $0x80, s30, s13, $0xb8;
	[tilespmem:$0x19000] =	vst v63  }
0xc6: {  	_ =	swait.ge [sflag:s12], $0x4000  }
0xc7: {  	[sflag:s12] =	ssyncset.done $0x0  }
0xc8: {  	[sflag:s12] =	ssyncadd.s32 $0xFFFFC000  }
0xc9: {  	[spmem:s2] =	stream.indirect.scatter.add.f32 [tilespmem:s11], [sflag:$0x1], $0x80, s31, s13, $0xb8;
	[tilespmem:$0x19000] =	vst v63  }
0xca: {  	_ =	swait.ge [sflag:s12], $0x4000  }
0xcb: {  	[sflag:s12] =	ssyncset.done $0x0  }
0xcc: {  	[sflag:s12] =	ssyncadd.s32 $0xFFFFC000  }
0xcd: {  	[spmem:s2] =	stream.indirect.scatter.add.f32 [tilespmem:s11], [sflag:$0x1], $0x80, s0, s13, $0xb8;
	[tilespmem:$0x19000] =	vst v63  }
0xce: {  	_ =	swait.ge [sflag:s12], $0x4000  }
0xcf: {  	[sflag:s12] =	ssyncset.done $0x0  }
0xd0: {  	[sflag:s12] =	ssyncadd.s32 $0xFFFFC000  }
0xd1: {  	[spmem:s2] =	stream.indirect.scatter.add.f32 [tilespmem:s11], [sflag:$0x1], $0x80, s1, s13, $0xb8;
	[tilespmem:$0x19000] =	vst v63  }
0xd2: {  	_ =	swait.ge [sflag:s12], $0x4000  }
.Ltmp2:
0xd3: {  	[sflag:s12] =	ssyncset.done $0x0;
	(pc) =	sbr.rel @p0 .LBB2_6-.Ltmp2, $4  }
0xd4: {  	[sflag:s12] =	ssyncadd.s32 $0xFFFFC000  }
0xd5: {  	[spmem:s2] =	stream.indirect.scatter.add.f32 [tilespmem:s11], [sflag:$0x1], $0x80, s9, s13, $0xb8;
	[tilespmem:$0x19000] =	vst v63  }
0xd6: {  	_ =	swait.ge [sflag:s12], $0x4000  }
0xd7: {  	s22 =	smov.u32 s23;
	[sflag:s12] =	ssyncset.done $0x0  }
0xd8: {  	s21 =	sadd.s32 s21, s10;
	[sflag:s12] =	ssyncadd.s32 $0xFFFFC000  }
0xd9: {  	[tilespmem:s3], [sflag:$0x1] =	stream.linear.gather [hbm4b:s21+s3], $0x1000, $0x38;
	[tilespmem:$0x19000] =	vst v63  }
0xda: {  	_ =	swait.ge [sflag:s12], $0x1000  }
0xdb: {  	[sflag:s12] =	ssyncset.done $0x0  }
0xdc: {  	[sflag:s12] =	ssyncadd.s32 $0xFFFFF000  }
0xdd: {  	[spmem:s2] =	stream.indirect.scatter.add.f32 [tilespmem:s11], [sflag:$0x1], $0x80, s13, s13, $0xb8;
	[tilespmem:$0x19000] =	vst v63  }
0xde: {  	_ =	swait.ge [sflag:s12], $0x4000  }
0xdf: {  	[sflag:s12] =	ssyncset.done $0x0  }
0xe0: {  	[sflag:s12] =	ssyncadd.s32 $0xFFFFC000  }
0xe1: {  	[spmem:s2] =	stream.indirect.scatter.add.f32 [tilespmem:s11], [sflag:$0x1], $0x80, s14, s13, $0xb8;
	[tilespmem:$0x19000] =	vst v63  }
0xe2: {  	_ =	swait.ge [sflag:s12], $0x4000  }
0xe3: {  	[sflag:s12] =	ssyncset.done $0x0  }
0xe4: {  	[sflag:s12] =	ssyncadd.s32 $0xFFFFC000  }
0xe5: {  	[spmem:s2] =	stream.indirect.scatter.add.f32 [tilespmem:s11], [sflag:$0x1], $0x80, s15, s13, $0xb8;
	[tilespmem:$0x19000] =	vst v63  }
0xe6: {  	_ =	swait.ge [sflag:s12], $0x4000  }
0xe7: {  	[sflag:s12] =	ssyncset.done $0x0  }
0xe8: {  	[sflag:s12] =	ssyncadd.s32 $0xFFFFC000  }
0xe9: {  	[spmem:s2] =	stream.indirect.scatter.add.f32 [tilespmem:s11], [sflag:$0x1], $0x80, s16, s13, $0xb8;
	[tilespmem:$0x19000] =	vst v63  }
0xea: {  	_ =	swait.ge [sflag:s12], $0x4000  }
0xeb: {  	[sflag:s12] =	ssyncset.done $0x0  }
0xec: {  	[sflag:s12] =	ssyncadd.s32 $0xFFFFC000  }
0xed: {  	[spmem:s2] =	stream.indirect.scatter.add.f32 [tilespmem:s11], [sflag:$0x1], $0x80, s17, s13, $0xb8;
	[tilespmem:$0x19000] =	vst v63  }
0xee: {  	_ =	swait.ge [sflag:s12], $0x4000  }
0xef: {  	[sflag:s12] =	ssyncset.done $0x0  }
0xf0: {  	[sflag:s12] =	ssyncadd.s32 $0xFFFFC000  }
0xf1: {  	[spmem:s2] =	stream.indirect.scatter.add.f32 [tilespmem:s11], [sflag:$0x1], $0x80, s18, s13, $0xb8;
	[tilespmem:$0x19000] =	vst v63  }
0xf2: {  	_ =	swait.ge [sflag:s12], $0x4000  }
0xf3: {  	[sflag:s12] =	ssyncset.done $0x0  }
0xf4: {  	[sflag:s12] =	ssyncadd.s32 $0xFFFFC000  }
0xf5: {  	[spmem:s2] =	stream.indirect.scatter.add.f32 [tilespmem:s11], [sflag:$0x1], $0x80, s19, s13, $0xb8;
	[tilespmem:$0x19000] =	vst v63  }
0xf6: {  	_ =	swait.ge [sflag:s12], $0x4000  }
0xf7: {  	[sflag:s12] =	ssyncset.done $0x0  }
0xf8: {  	[sflag:s12] =	ssyncadd.s32 $0xFFFFC000  }
0xf9: {  	[spmem:s2] =	stream.indirect.scatter.add.f32 [tilespmem:s11], [sflag:$0x1], $0x80, s25, s13, $0xb8;
	[tilespmem:$0x19000] =	vst v63  }
0xfa: {  	_ =	swait.ge [sflag:s12], $0x4000  }
0xfb: {  	[sflag:s12] =	ssyncset.done $0x0  }
0xfc: {  	[sflag:s12] =	ssyncadd.s32 $0xFFFFC000  }
0xfd: {  	[spmem:s2] =	stream.indirect.scatter.add.f32 [tilespmem:s11], [sflag:$0x1], $0x80, s26, s13, $0xb8;
	[tilespmem:$0x19000] =	vst v63  }
0xfe: {  	_ =	swait.ge [sflag:s12], $0x4000  }
0xff: {  	[sflag:s12] =	ssyncset.done $0x0  }
0x100: {  	[sflag:s12] =	ssyncadd.s32 $0xFFFFC000  }
0x101: {  	[spmem:s2] =	stream.indirect.scatter.add.f32 [tilespmem:s11], [sflag:$0x1], $0x80, s28, s13, $0xb8;
	[tilespmem:$0x19000] =	vst v63  }
0x102: {  	_ =	swait.ge [sflag:s12], $0x4000  }
0x103: {  	[sflag:s12] =	ssyncset.done $0x0  }
0x104: {  	[sflag:s12] =	ssyncadd.s32 $0xFFFFC000  }
0x105: {  	[spmem:s2] =	stream.indirect.scatter.add.f32 [tilespmem:s11], [sflag:$0x1], $0x80, s29, s13, $0xb8;
	[tilespmem:$0x19000] =	vst v63  }
0x106: {  	_ =	swait.ge [sflag:s12], $0x4000  }
0x107: {  	[sflag:s12] =	ssyncset.done $0x0  }
0x108: {  	[sflag:s12] =	ssyncadd.s32 $0xFFFFC000  }
0x109: {  	[spmem:s2] =	stream.indirect.scatter.add.f32 [tilespmem:s11], [sflag:$0x1], $0x80, s30, s13, $0xb8;
	[tilespmem:$0x19000] =	vst v63  }
0x10a: {  	_ =	swait.ge [sflag:s12], $0x4000  }
0x10b: {  	[sflag:s12] =	ssyncset.done $0x0  }
0x10c: {  	[sflag:s12] =	ssyncadd.s32 $0xFFFFC000  }
0x10d: {  	[spmem:s2] =	stream.indirect.scatter.add.f32 [tilespmem:s11], [sflag:$0x1], $0x80, s31, s13, $0xb8;
	[tilespmem:$0x19000] =	vst v63  }
0x10e: {  	_ =	swait.ge [sflag:s12], $0x4000  }
0x10f: {  	[sflag:s12] =	ssyncset.done $0x0  }
0x110: {  	[sflag:s12] =	ssyncadd.s32 $0xFFFFC000  }
0x111: {  	[spmem:s2] =	stream.indirect.scatter.add.f32 [tilespmem:s11], [sflag:$0x1], $0x80, s0, s13, $0xb8;
	[tilespmem:$0x19000] =	vst v63  }
0x112: {  	_ =	swait.ge [sflag:s12], $0x4000  }
0x113: {  	[sflag:s12] =	ssyncset.done $0x0  }
0x114: {  	[sflag:s12] =	ssyncadd.s32 $0xFFFFC000  }
0x115: {  	[spmem:s2] =	stream.indirect.scatter.add.f32 [tilespmem:s11], [sflag:$0x1], $0x80, s1, s13, $0xb8;
	[tilespmem:$0x19000] =	vst v63  }
0x116: {  	_ =	swait.ge [sflag:s12], $0x4000  }
0x117: {  	[sflag:s12] =	ssyncset.done $0x0  }
0x118: {  	[sflag:s12] =	ssyncadd.s32 $0xFFFFC000  }
0x119: {  	[spmem:s2] =	stream.indirect.scatter.add.f32 [tilespmem:s11], [sflag:$0x1], $0x80, s9, s13, $0xb8;
	[tilespmem:$0x19000] =	vst v63  }
0x11a: {  	_ =	swait.ge [sflag:s12], $0x4000  }
0x11b: {  	[sflag:s12] =	ssyncset.done $0x0  }
0x11c: {  	s22 =	stileid.u32;
	[sflag:s12] =	ssyncadd.s32 $0xFFFFC000  }
0x11d: {  	s21 =	sshll.u32 s22, $0x6;
	[bflag:$0x0] =	sbarrier.arrive $0xFFFF  }
0x11e: {  	s22 =	sshrl.u32 s4, $0x3;
	s21 =	sor.u32 $0x1C01, s21;
	s23 =	rddreg [dreg:$0x4]  }
0x11f: {  	[hbm:s23], [sflag:s21] =	dma.local [spmem:s22], $0x800  }
0x120: {  	_ =	swait.ge [sflag:s12], $0x800  }
0x121: {  	[sflag:s12] =	ssyncset.done $0x0  }
0x122: {  	s23 =	sshrl.u32 s5, $0x3;
	s24 =	rddreg [dreg:$0x5];
	[sflag:s12] =	ssyncadd.s32 $0xFFFFF800  }
0x123: {  	[hbm:s24], [sflag:s21] =	dma.local [spmem:s23], $0x800  }
0x124: {  	_ =	swait.ge [sflag:s12], $0x800  }
0x125: {  	[sflag:s12] =	ssyncset.done $0x0  }
0x126: {  	s23 =	sshrl.u32 s6, $0x3;
	s24 =	rddreg [dreg:$0x6];
	[sflag:s12] =	ssyncadd.s32 $0xFFFFF800  }
0x127: {  	[hbm:s24], [sflag:s21] =	dma.local [spmem:s23], $0x800  }
0x128: {  	_ =	swait.ge [sflag:s12], $0x800  }
0x129: {  	[sflag:s12] =	ssyncset.done $0x0  }
0x12a: {  	s23 =	sshrl.u32 s7, $0x3;
	s24 =	rddreg [dreg:$0x7];
	[sflag:s12] =	ssyncadd.s32 $0xFFFFF800  }
0x12b: {  	[hbm:s24], [sflag:s21] =	dma.local [spmem:s23], $0x800  }
0x12c: {  	_ =	swait.ge [sflag:s12], $0x800  }
0x12d: {  	[sflag:s12] =	ssyncset.done $0x0  }
0x12e: {  	s23 =	sshrl.u32 s8, $0x3;
	s24 =	rddreg [dreg:$0x8];
	[sflag:s12] =	ssyncadd.s32 $0xFFFFF800  }
0x12f: {  	[hbm:s24], [sflag:s21] =	dma.local [spmem:s23], $0x800  }
0x130: {  	_ =	swait.ge [sflag:s12], $0x800  }
0x131: {  	s20 =	sadd.s32 $0x1, s20;
	s24 =	rddreg [dreg:$0x3]  }
0x132: {  	p0 =	sne.s32 s20, s24  }
.Ltmp3:
0x133: {  	_ = 	snop;
	(pc) =	sbr.rel @p0 .LBB2_1-.Ltmp3, $3  }
0x134: {  	_ =	sdelay $0x1  }
0x135: {  	[sflag:s12] =	ssyncset.done $0x0  }
0x136: {  	[sflag:s12] =	ssyncadd.s32 $0xFFFFF800  }
0x137: {  	_ =	sfence.sel $0x180000  }
0x138: {  	[bflag:$0x0] =	sbarrier.arrive $0xFFFF  }
0x139: {  	_ =	strace $0x90000047  }
0x13a: {  	s0 =	stileid.u32;
	[bflag:$0x2] =	sbarrier.arrive $0xFFFF  }
0x13b: {  	p0 =	sne.s32 s0, $0x0;
	s0 =	rddreg [dreg:$0x2]  }
0x13c: {  	s0 =	sadd.s32 @!p0 $0x100000, s0  }
0x13d: {  	[sflag:s0] =	ssyncadd.tile.s32 @!p0 $0x1;
	_ =	shalt  }
.Lfunc_end2:
_tile_overlayer_lowered:
.L_overlay_start_2:
0x13e: {  	(tag) =	ssettag $0x2  }
0x13f: {  	s0 =	rddreg [dreg:$0x0];
	s2 =	stileid.u32  }
0x140: {  	s1 =	rddreg [dreg:$0x1];
	p0 =	sne.s32 s2, $0x0  }
0x141: {  	s3 =	rddreg [dreg:$0x2];
	[bflag:$0x3] =	sbarrier.arrive $0xFFFF;
	s2 =	simm.s32 @!p0 $0x1C01  }
0x142: {  	[timem:s3], [sflag:s2] =	dma.local @!p0 [hbm:s0], s1  }
0x143: {  	s0 =	simm.s32 @!p0 $0x1  }
0x144: {  	_ =	swait.ge @!p0 [sflag:s0], s1  }
0x145: {  	s1 =	ssub.s32 @!p0 $0x0, s1;
	[sflag:s0] =	ssyncset.done @!p0 $0x0  }
0x146: {  	[sflag:s0] =	ssyncadd.s32 @!p0 s1  }
0x147: {  	[bflag:$0x3] =	sbarrier.arrive $0xFFFF  }
0x148: {  	_ =	shalt  }

</sc_bundles>
